<compile_context>
chip_gen: v7x
topology: tpu7x:2x2x1
jax: 0.10.2.dev20260603
libtpu: 0.0.44.dev20260713+nightly
codegen_flags: <defaults>
</compile_context>

<pallas_src>
import functools

import jax
import jax.numpy as jnp
from jax import lax
from jax.experimental import pallas as pl
from jax.experimental.pallas import tpu as pltpu
from jax.experimental.pallas import tpu_sc as plsc

MODEL_DIM = 768
NUM_EXPERTS = 64
NUM_TOKENS = 32768
TOPK = 2
N_FLAT = NUM_TOKENS * TOPK

T_BLK = 4096

NUM_TILES = 16
CHUNK = N_FLAT // NUM_TILES
SEG = CHUNK // 16




def _router_body(x_ref, w_ref, pT_ref, i1_ref, i2_ref, w1_ref, w2_ref):
    x = x_ref[...]
    w = w_ref[...]
    logits = lax.dot_general(
        w, x, (((1,), (1,)), ((), ())), preferred_element_type=jnp.float32
    )
    m = jnp.max(logits, axis=0, keepdims=True)
    ex = jnp.exp(logits - m)
    s = jnp.sum(ex, axis=0, keepdims=True)
    probs = ex / s
    pT_ref[...] = probs

    iota = lax.broadcasted_iota(jnp.int32, probs.shape, 0)
    m1 = jnp.max(probs, axis=0, keepdims=True)
    i1 = jnp.min(
        jnp.where(probs == m1, iota, NUM_EXPERTS), axis=0, keepdims=True
    )
    masked = jnp.where(iota == i1, -1.0, probs)
    m2 = jnp.max(masked, axis=0, keepdims=True)
    i2 = jnp.min(
        jnp.where(masked == m2, iota, NUM_EXPERTS), axis=0, keepdims=True
    )
    e2 = jnp.exp(m2 - m1)
    denom = 1.0 + e2
    w1 = 1.0 / denom
    w2 = e2 / denom
    i1_ref[...] = i1.reshape(T_BLK)
    i2_ref[...] = i2.reshape(T_BLK)
    w1_ref[...] = w1.reshape(T_BLK)
    w2_ref[...] = w2.reshape(T_BLK)


def _router(inputs, W):
    grid = (NUM_TOKENS // T_BLK,)
    return pl.pallas_call(
        _router_body,
        grid=grid,
        in_specs=[
            pl.BlockSpec((T_BLK, MODEL_DIM), lambda i: (i, 0)),
            pl.BlockSpec((NUM_EXPERTS, MODEL_DIM), lambda i: (0, 0)),
        ],
        out_specs=[
            pl.BlockSpec((NUM_EXPERTS, T_BLK), lambda i: (0, i)),
            pl.BlockSpec((T_BLK,), lambda i: (i,)),
            pl.BlockSpec((T_BLK,), lambda i: (i,)),
            pl.BlockSpec((T_BLK,), lambda i: (i,)),
            pl.BlockSpec((T_BLK,), lambda i: (i,)),
        ],
        out_shape=[
            jax.ShapeDtypeStruct((NUM_EXPERTS, NUM_TOKENS), jnp.float32),
            jax.ShapeDtypeStruct((NUM_TOKENS,), jnp.int32),
            jax.ShapeDtypeStruct((NUM_TOKENS,), jnp.int32),
            jax.ShapeDtypeStruct((NUM_TOKENS,), jnp.float32),
            jax.ShapeDtypeStruct((NUM_TOKENS,), jnp.float32),
        ],
    )(inputs, W)




def _sort_body(
    i1_hbm,
    i2_hbm,
    w1_hbm,
    w2_hbm,
    so_hbm,
    ro_hbm,
    cw_hbm,
    hist_hbm,
    i1seg,
    i2seg,
    w1seg,
    w2seg,
    rank,
    cnt,
    seg_base,
    robuf,
    valbuf,
    cwbuf,
    totv,
    alltot,
    sh_tot,
    sh_so,
):
    t = lax.axis_index("s")
    ntok = CHUNK // 2
    tb0 = t * ntok
    cb = t * CHUNK
    lane = lax.iota(jnp.int32, 16)
    z16 = jnp.zeros((16,), jnp.int32)
    nq = SEG // 2

    pltpu.sync_copy(i1_hbm.at[pl.ds(tb0, ntok)], i1seg)
    pltpu.sync_copy(i2_hbm.at[pl.ds(tb0, ntok)], i2seg)
    pltpu.sync_copy(w1_hbm.at[pl.ds(tb0, ntok)], w1seg)
    pltpu.sync_copy(w2_hbm.at[pl.ds(tb0, ntok)], w2seg)
    for i in range(16 * NUM_EXPERTS // 16):
        cnt[pl.ds(i * 16, 16)] = z16

    def p1(q, carry):
        a = lane * nq + q
        e1 = plsc.load_gather(i1seg, [a])
        c1 = plsc.load_gather(cnt, [lane * NUM_EXPERTS + e1])
        plsc.store_scatter(rank, [lane * SEG + 2 * q], c1)
        plsc.store_scatter(cnt, [lane * NUM_EXPERTS + e1], c1 + 1)
        e2 = plsc.load_gather(i2seg, [a])
        c2 = plsc.load_gather(cnt, [lane * NUM_EXPERTS + e2])
        plsc.store_scatter(rank, [lane * SEG + 2 * q + 1], c2)
        plsc.store_scatter(cnt, [lane * NUM_EXPERTS + e2], c2 + 1)
        return carry

    lax.fori_loop(0, nq, p1, jnp.int32(0))

    for j in range(NUM_EXPERTS // 16):
        run = z16
        for l in range(16):
            seg_base[pl.ds(l * NUM_EXPERTS + j * 16, 16)] = run
            run = run + cnt[pl.ds(l * NUM_EXPERTS + j * 16, 16)]
        totv[pl.ds(j * 16, 16)] = run

    pltpu.sync_copy(totv, sh_tot.at[pl.ds(t * NUM_EXPERTS, NUM_EXPERTS)])
    plsc.subcore_barrier()
    pltpu.sync_copy(sh_tot, alltot)

    carry = jnp.int32(0)
    for j in range(NUM_EXPERTS // 16):
        grand = z16
        tbase = z16
        for tp in range(NUM_TILES):
            row = alltot[pl.ds(tp * NUM_EXPERTS + j * 16, 16)]
            grand = grand + row
            tbase = tbase + jnp.where(tp < t, row, 0)
        totv[pl.ds(j * 16, 16)] = grand
        incl = plsc.cumsum(grand)
        off = incl - grand + carry
        carry = carry + jnp.sum(grand)
        adj = off + tbase
        for l in range(16):
            sl = pl.ds(l * NUM_EXPERTS + j * 16, 16)
            seg_base[sl] = seg_base[sl] + adj

    @pl.when(t == 0)
    def _():
        pltpu.sync_copy(totv, hist_hbm)

    def p3(q, carry2):
        a = lane * nq + q
        tok = tb0 + a
        f1 = lane * SEG + 2 * q
        f2 = lane * SEG + 2 * q + 1
        e1 = plsc.load_gather(i1seg, [a])
        r1 = plsc.load_gather(rank, [f1])
        b1 = plsc.load_gather(seg_base, [lane * NUM_EXPERTS + e1])
        plsc.store_scatter(robuf, [f1], b1 + r1)
        e2 = plsc.load_gather(i2seg, [a])
        r2 = plsc.load_gather(rank, [f2])
        b2 = plsc.load_gather(seg_base, [lane * NUM_EXPERTS + e2])
        plsc.store_scatter(robuf, [f2], b2 + r2)
        plsc.store_scatter(valbuf, [f1], tok)
        plsc.store_scatter(valbuf, [f2], tok)
        g1 = plsc.load_gather(w1seg, [a])
        g2 = plsc.load_gather(w2seg, [a])
        plsc.store_scatter(cwbuf, [f1], g1)
        plsc.store_scatter(cwbuf, [f2], g2)
        return carry2

    lax.fori_loop(0, nq, p3, jnp.int32(0))

    pltpu.sync_copy(robuf, ro_hbm.at[pl.ds(cb, CHUNK)])
    pltpu.sync_copy(cwbuf, cw_hbm.at[pl.ds(cb, CHUNK)])
    pltpu.sync_copy(valbuf, sh_so.at[robuf])
    plsc.subcore_barrier()
    pltpu.sync_copy(sh_so.at[pl.ds(cb, CHUNK)], so_hbm.at[pl.ds(cb, CHUNK)])


def _sort_dispatch(i1, i2, w1, w2):
    mesh = plsc.VectorSubcoreMesh(
        core_axis_name="c", subcore_axis_name="s", num_cores=1
    )
    f = pl.kernel(
        _sort_body,
        out_type=(
            jax.ShapeDtypeStruct((N_FLAT,), jnp.int32),
            jax.ShapeDtypeStruct((N_FLAT,), jnp.int32),
            jax.ShapeDtypeStruct((N_FLAT,), jnp.float32),
            jax.ShapeDtypeStruct((NUM_EXPERTS,), jnp.int32),
        ),
        mesh=mesh,
        compiler_params=pltpu.CompilerParams(
            needs_layout_passes=False, skip_device_barrier=True
        ),
        cost_estimate=pl.CostEstimate(
            flops=4 * N_FLAT, transcendentals=0, bytes_accessed=16 * N_FLAT
        ),
        scratch_types=[
            pltpu.VMEM((CHUNK // 2,), jnp.int32),
            pltpu.VMEM((CHUNK // 2,), jnp.int32),
            pltpu.VMEM((CHUNK // 2,), jnp.float32),
            pltpu.VMEM((CHUNK // 2,), jnp.float32),
            pltpu.VMEM((CHUNK,), jnp.int32),
            pltpu.VMEM((16 * NUM_EXPERTS,), jnp.int32),
            pltpu.VMEM((16 * NUM_EXPERTS,), jnp.int32),
            pltpu.VMEM((CHUNK,), jnp.int32),
            pltpu.VMEM((CHUNK,), jnp.int32),
            pltpu.VMEM((CHUNK,), jnp.float32),
            pltpu.VMEM((NUM_EXPERTS,), jnp.int32),
            pltpu.VMEM((NUM_TILES * NUM_EXPERTS,), jnp.int32),
            pltpu.VMEM_SHARED((NUM_TILES * NUM_EXPERTS,), jnp.int32),
            pltpu.VMEM_SHARED((N_FLAT,), jnp.int32),
        ],
    )
    return f(i1, i2, w1, w2)


@jax.jit
def kernel(inputs, W):
    probsT, i1, i2, w1, w2 = _router(inputs, W)
    so, ro, combine_weights, hist = _sort_dispatch(i1, i2, w1, w2)
    return (
        so,
        ro,
        combine_weights,
        hist.astype(jnp.int64),
        probsT.T,
    )

# --- scband reference (transcript-rebuilt; emitter-appended) ---
"""Pipeline reference for scband-local-gate-67095979098581 (READ-ONLY COPY).

The authoritative reference and input builder live on the scoring server;
editing this copy changes nothing except your own understanding.
"""

import jax, jax.numpy as jnp
import numpy as np

MODEL_DIM = 768
NUM_EXPERTS = 64
TOPK = 2
NUM_TOKENS = 32768


def setup_inputs(seed: int = 0) -> dict:
    key = jax.random.key(seed)
    k1, k2 = jax.random.split(key)
    inputs = jax.random.normal(k1, (NUM_TOKENS, MODEL_DIM), dtype=jnp.float32)
    # torch.nn.Linear(model_dim, num_experts, bias=False): weight shape [num_experts, model_dim]
    W = jax.random.normal(k2, (NUM_EXPERTS, MODEL_DIM), dtype=jnp.float32) * 0.02
    return {"inputs": inputs, "W": W}


def reverse_sort(order):
    # torch: empty_like(order).scatter_(0, order, arange(N)) == inverse permutation
    return jnp.zeros_like(order).at[order].set(jnp.arange(order.shape[0], dtype=order.dtype))


def reference(inputs, W):
    k = TOPK
    num_experts = NUM_EXPERTS
    input_fp32 = inputs.astype(jnp.float32)
    logits = input_fp32 @ W.T
    probs = jax.nn.softmax(logits, axis=-1)
    topk_probs, topk_indices = jax.lax.top_k(probs, k)
    topk_indices = topk_indices.reshape(-1)
    sort_ordering = jnp.argsort(topk_indices)
    sorted_topk_indices = topk_indices[sort_ordering]
    reversed_ordering = reverse_sort(sort_ordering)
    sort_ordering = sort_ordering // k
    # unique_consecutive on sorted indices + scatter of counts == bincount over experts
    input_splits = jnp.bincount(sorted_topk_indices, length=num_experts).astype(jnp.int64)
    if k > 1:
        combine_weights = jax.nn.softmax(topk_probs, axis=-1)
    else:
        combine_weights = topk_probs
    combine_weights = combine_weights.reshape(-1).astype(inputs.dtype)
    # gate_st is False -> no straight-through modification
    return (sort_ordering, reversed_ordering, combine_weights, input_splits, probs)

if __name__ == "__main__":
    import jax
    _d = setup_inputs()
    print(jax.jit(kernel)(*tuple(_d.values())))

</pallas_src>

<mosaic_0001>
#map = affine_map<(d0, d1) -> (0)>
module attributes {stable_mosaic.version = 14 : i64} {
  func.func @_sort_body(%arg0: i32, %arg1: i32, %arg2: memref<32768xi32, #tpu.memory_space<hbm>>, %arg3: memref<32768xi32, #tpu.memory_space<hbm>>, %arg4: memref<32768xf32, #tpu.memory_space<hbm>>, %arg5: memref<32768xf32, #tpu.memory_space<hbm>>, %arg6: memref<65536xi32, #tpu.memory_space<hbm>>, %arg7: memref<65536xi32, #tpu.memory_space<hbm>>, %arg8: memref<65536xf32, #tpu.memory_space<hbm>>, %arg9: memref<64xi32, #tpu.memory_space<hbm>>, %arg10: memref<2048xi32, #tpu.memory_space<vmem>>, %arg11: memref<2048xi32, #tpu.memory_space<vmem>>, %arg12: memref<2048xf32, #tpu.memory_space<vmem>>, %arg13: memref<2048xf32, #tpu.memory_space<vmem>>, %arg14: memref<4096xi32, #tpu.memory_space<vmem>>, %arg15: memref<1024xi32, #tpu.memory_space<vmem>>, %arg16: memref<1024xi32, #tpu.memory_space<vmem>>, %arg17: memref<4096xi32, #tpu.memory_space<vmem>>, %arg18: memref<4096xi32, #tpu.memory_space<vmem>>, %arg19: memref<4096xf32, #tpu.memory_space<vmem>>, %arg20: memref<64xi32, #tpu.memory_space<vmem>>, %arg21: memref<1024xi32, #tpu.memory_space<vmem>>, %arg22: memref<1024xi32, #tpu.memory_space<vmem_shared>>, %arg23: memref<65536xi32, #tpu.memory_space<vmem_shared>>) attributes {dimension_semantics = [#tpu.dimension_semantics<core_parallel>, #tpu.dimension_semantics<subcore_parallel>], iteration_bounds = array<i64: 1, 16>, scalar_prefetch = 0 : i64, scratch_operands = 14 : i64, tpu.core_type = #tpu.core_type<sc_vector_subcore>, window_params = [{transform_indices = #map}, {transform_indices = #map}, {transform_indices = #map}, {transform_indices = #map}, {transform_indices = #map}, {transform_indices = #map}, {transform_indices = #map}, {transform_indices = #map}]} {
    %mul3A = arith.constant 2048 : i32
    %mul3A_0 = arith.muli %arg1, %mul3A : i32
    %mul3A_1 = arith.constant 4096 : i32
    %mul3A_2 = arith.muli %arg1, %mul3A_1 : i32
    %iota3A = tpu.iota {dimensions = array<i32: 0>} : vector<16xi32>
    %broadcast_in_dim3A = arith.constant 0 : i32
    %broadcast_in_dim3A_3 = vector.broadcast %broadcast_in_dim3A : i32 to vector<16xi32>
    "tpu.region"() ({
      %run_scoped3A = tpu.sem_alloc : memref<!tpu.dma_semaphore, #tpu.memory_space<semaphore_mem>>
      %dma_start3A = tpu.memref_slice %arg2[%mul3A_0] : memref<32768xi32, #tpu.memory_space<hbm>> -> memref<2048xi32, #tpu.memory_space<hbm>>
      %dma_start3A_1421 = tpu.memref_slice %arg2[%mul3A_0] : memref<32768xi32, #tpu.memory_space<hbm>> -> memref<2048xi32, #tpu.memory_space<hbm>>
      tpu.enqueue_dma source(%dma_start3A_1421 : memref<2048xi32, #tpu.memory_space<hbm>>) target(%arg10 : memref<2048xi32, #tpu.memory_space<vmem>>) target_semaphore(%run_scoped3A : memref<!tpu.dma_semaphore, #tpu.memory_space<semaphore_mem>>)
      %dma_wait3A = tpu.memref_slice %arg2[%mul3A_0] : memref<32768xi32, #tpu.memory_space<hbm>> -> memref<2048xi32, #tpu.memory_space<hbm>>
      %dma_wait3A_1422 = tpu.memref_slice %arg2[%mul3A_0] : memref<32768xi32, #tpu.memory_space<hbm>> -> memref<2048xi32, #tpu.memory_space<hbm>>
      tpu.wait_dma2 semaphore(%run_scoped3A : memref<!tpu.dma_semaphore, #tpu.memory_space<semaphore_mem>>) src(%dma_wait3A_1422 : memref<2048xi32, #tpu.memory_space<hbm>>) dst(%arg10 : memref<2048xi32, #tpu.memory_space<vmem>>)
      tpu.yield
    }) : () -> ()
    "tpu.region"() ({
      %run_scoped3A = tpu.sem_alloc : memref<!tpu.dma_semaphore, #tpu.memory_space<semaphore_mem>>
      %dma_start3A = tpu.memref_slice %arg3[%mul3A_0] : memref<32768xi32, #tpu.memory_space<hbm>> -> memref<2048xi32, #tpu.memory_space<hbm>>
      %dma_start3A_1421 = tpu.memref_slice %arg3[%mul3A_0] : memref<32768xi32, #tpu.memory_space<hbm>> -> memref<2048xi32, #tpu.memory_space<hbm>>
      tpu.enqueue_dma source(%dma_start3A_1421 : memref<2048xi32, #tpu.memory_space<hbm>>) target(%arg11 : memref<2048xi32, #tpu.memory_space<vmem>>) target_semaphore(%run_scoped3A : memref<!tpu.dma_semaphore, #tpu.memory_space<semaphore_mem>>)
      %dma_wait3A = tpu.memref_slice %arg3[%mul3A_0] : memref<32768xi32, #tpu.memory_space<hbm>> -> memref<2048xi32, #tpu.memory_space<hbm>>
      %dma_wait3A_1422 = tpu.memref_slice %arg3[%mul3A_0] : memref<32768xi32, #tpu.memory_space<hbm>> -> memref<2048xi32, #tpu.memory_space<hbm>>
      tpu.wait_dma2 semaphore(%run_scoped3A : memref<!tpu.dma_semaphore, #tpu.memory_space<semaphore_mem>>) src(%dma_wait3A_1422 : memref<2048xi32, #tpu.memory_space<hbm>>) dst(%arg11 : memref<2048xi32, #tpu.memory_space<vmem>>)
      tpu.yield
    }) : () -> ()
    "tpu.region"() ({
      %run_scoped3A = tpu.sem_alloc : memref<!tpu.dma_semaphore, #tpu.memory_space<semaphore_mem>>
      %dma_start3A = tpu.memref_slice %arg4[%mul3A_0] : memref<32768xf32, #tpu.memory_space<hbm>> -> memref<2048xf32, #tpu.memory_space<hbm>>
      %dma_start3A_1421 = tpu.memref_slice %arg4[%mul3A_0] : memref<32768xf32, #tpu.memory_space<hbm>> -> memref<2048xf32, #tpu.memory_space<hbm>>
      tpu.enqueue_dma source(%dma_start3A_1421 : memref<2048xf32, #tpu.memory_space<hbm>>) target(%arg12 : memref<2048xf32, #tpu.memory_space<vmem>>) target_semaphore(%run_scoped3A : memref<!tpu.dma_semaphore, #tpu.memory_space<semaphore_mem>>)
      %dma_wait3A = tpu.memref_slice %arg4[%mul3A_0] : memref<32768xf32, #tpu.memory_space<hbm>> -> memref<2048xf32, #tpu.memory_space<hbm>>
      %dma_wait3A_1422 = tpu.memref_slice %arg4[%mul3A_0] : memref<32768xf32, #tpu.memory_space<hbm>> -> memref<2048xf32, #tpu.memory_space<hbm>>
      tpu.wait_dma2 semaphore(%run_scoped3A : memref<!tpu.dma_semaphore, #tpu.memory_space<semaphore_mem>>) src(%dma_wait3A_1422 : memref<2048xf32, #tpu.memory_space<hbm>>) dst(%arg12 : memref<2048xf32, #tpu.memory_space<vmem>>)
      tpu.yield
    }) : () -> ()
    "tpu.region"() ({
      %run_scoped3A = tpu.sem_alloc : memref<!tpu.dma_semaphore, #tpu.memory_space<semaphore_mem>>
      %dma_start3A = tpu.memref_slice %arg5[%mul3A_0] : memref<32768xf32, #tpu.memory_space<hbm>> -> memref<2048xf32, #tpu.memory_space<hbm>>
      %dma_start3A_1421 = tpu.memref_slice %arg5[%mul3A_0] : memref<32768xf32, #tpu.memory_space<hbm>> -> memref<2048xf32, #tpu.memory_space<hbm>>
      tpu.enqueue_dma source(%dma_start3A_1421 : memref<2048xf32, #tpu.memory_space<hbm>>) target(%arg13 : memref<2048xf32, #tpu.memory_space<vmem>>) target_semaphore(%run_scoped3A : memref<!tpu.dma_semaphore, #tpu.memory_space<semaphore_mem>>)
      %dma_wait3A = tpu.memref_slice %arg5[%mul3A_0] : memref<32768xf32, #tpu.memory_space<hbm>> -> memref<2048xf32, #tpu.memory_space<hbm>>
      %dma_wait3A_1422 = tpu.memref_slice %arg5[%mul3A_0] : memref<32768xf32, #tpu.memory_space<hbm>> -> memref<2048xf32, #tpu.memory_space<hbm>>
      tpu.wait_dma2 semaphore(%run_scoped3A : memref<!tpu.dma_semaphore, #tpu.memory_space<semaphore_mem>>) src(%dma_wait3A_1422 : memref<2048xf32, #tpu.memory_space<hbm>>) dst(%arg13 : memref<2048xf32, #tpu.memory_space<vmem>>)
      tpu.yield
    }) : () -> ()
    %swap3A = arith.constant 0 : index
    %swap3A_4 = tpu.vector_load %arg15[%swap3A] {strides = array<i32>} : memref<1024xi32, #tpu.memory_space<vmem>>, vector<16xi32>,
    tpu.vector_store %arg15[%swap3A], %broadcast_in_dim3A_3 {strides = array<i32>} : memref<1024xi32, #tpu.memory_space<vmem>>, vector<16xi32>,
    %swap3A_5 = arith.constant 16 : index
    %swap3A_6 = tpu.vector_load %arg15[%swap3A_5] {strides = array<i32>} : memref<1024xi32, #tpu.memory_space<vmem>>, vector<16xi32>,
    tpu.vector_store %arg15[%swap3A_5], %broadcast_in_dim3A_3 {strides = array<i32>} : memref<1024xi32, #tpu.memory_space<vmem>>, vector<16xi32>,
    %swap3A_7 = arith.constant 32 : index
    %swap3A_8 = tpu.vector_load %arg15[%swap3A_7] {strides = array<i32>} : memref<1024xi32, #tpu.memory_space<vmem>>, vector<16xi32>,
    tpu.vector_store %arg15[%swap3A_7], %broadcast_in_dim3A_3 {strides = array<i32>} : memref<1024xi32, #tpu.memory_space<vmem>>, vector<16xi32>,
    %swap3A_9 = arith.constant 48 : index
    %swap3A_10 = tpu.vector_load %arg15[%swap3A_9] {strides = array<i32>} : memref<1024xi32, #tpu.memory_space<vmem>>, vector<16xi32>,
    tpu.vector_store %arg15[%swap3A_9], %broadcast_in_dim3A_3 {strides = array<i32>} : memref<1024xi32, #tpu.memory_space<vmem>>, vector<16xi32>,
    %swap3A_11 = arith.constant 64 : index
    %swap3A_12 = tpu.vector_load %arg15[%swap3A_11] {strides = array<i32>} : memref<1024xi32, #tpu.memory_space<vmem>>, vector<16xi32>,
    tpu.vector_store %arg15[%swap3A_11], %broadcast_in_dim3A_3 {strides = array<i32>} : memref<1024xi32, #tpu.memory_space<vmem>>, vector<16xi32>,
    %swap3A_13 = arith.constant 80 : index
    %swap3A_14 = tpu.vector_load %arg15[%swap3A_13] {strides = array<i32>} : memref<1024xi32, #tpu.memory_space<vmem>>, vector<16xi32>,
    tpu.vector_store %arg15[%swap3A_13], %broadcast_in_dim3A_3 {strides = array<i32>} : memref<1024xi32, #tpu.memory_space<vmem>>, vector<16xi32>,
    %swap3A_15 = arith.constant 96 : index
    %swap3A_16 = tpu.vector_load %arg15[%swap3A_15] {strides = array<i32>} : memref<1024xi32, #tpu.memory_space<vmem>>, vector<16xi32>,
    tpu.vector_store %arg15[%swap3A_15], %broadcast_in_dim3A_3 {strides = array<i32>} : memref<1024xi32, #tpu.memory_space<vmem>>, vector<16xi32>,
    %swap3A_17 = arith.constant 112 : index
    %swap3A_18 = tpu.vector_load %arg15[%swap3A_17] {strides = array<i32>} : memref<1024xi32, #tpu.memory_space<vmem>>, vector<16xi32>,
    tpu.vector_store %arg15[%swap3A_17], %broadcast_in_dim3A_3 {strides = array<i32>} : memref<1024xi32, #tpu.memory_space<vmem>>, vector<16xi32>,
    %swap3A_19 = arith.constant 128 : index
    %swap3A_20 = tpu.vector_load %arg15[%swap3A_19] {strides = array<i32>} : memref<1024xi32, #tpu.memory_space<vmem>>, vector<16xi32>,
    tpu.vector_store %arg15[%swap3A_19], %broadcast_in_dim3A_3 {strides = array<i32>} : memref<1024xi32, #tpu.memory_space<vmem>>, vector<16xi32>,
    %swap3A_21 = arith.constant 144 : index
    %swap3A_22 = tpu.vector_load %arg15[%swap3A_21] {strides = array<i32>} : memref<1024xi32, #tpu.memory_space<vmem>>, vector<16xi32>,
    tpu.vector_store %arg15[%swap3A_21], %broadcast_in_dim3A_3 {strides = array<i32>} : memref<1024xi32, #tpu.memory_space<vmem>>, vector<16xi32>,
    %swap3A_23 = arith.constant 160 : index
    %swap3A_24 = tpu.vector_load %arg15[%swap3A_23] {strides = array<i32>} : memref<1024xi32, #tpu.memory_space<vmem>>, vector<16xi32>,
    tpu.vector_store %arg15[%swap3A_23], %broadcast_in_dim3A_3 {strides = array<i32>} : memref<1024xi32, #tpu.memory_space<vmem>>, vector<16xi32>,
    %swap3A_25 = arith.constant 176 : index
    %swap3A_26 = tpu.vector_load %arg15[%swap3A_25] {strides = array<i32>} : memref<1024xi32, #tpu.memory_space<vmem>>, vector<16xi32>,
    tpu.vector_store %arg15[%swap3A_25], %broadcast_in_dim3A_3 {strides = array<i32>} : memref<1024xi32, #tpu.memory_space<vmem>>, vector<16xi32>,
    %swap3A_27 = arith.constant 192 : index
    %swap3A_28 = tpu.vector_load %arg15[%swap3A_27] {strides = array<i32>} : memref<1024xi32, #tpu.memory_space<vmem>>, vector<16xi32>,
    tpu.vector_store %arg15[%swap3A_27], %broadcast_in_dim3A_3 {strides = array<i32>} : memref<1024xi32, #tpu.memory_space<vmem>>, vector<16xi32>,
    %swap3A_29 = arith.constant 208 : index
    %swap3A_30 = tpu.vector_load %arg15[%swap3A_29] {strides = array<i32>} : memref<1024xi32, #tpu.memory_space<vmem>>, vector<16xi32>,
    tpu.vector_store %arg15[%swap3A_29], %broadcast_in_dim3A_3 {strides = array<i32>} : memref<1024xi32, #tpu.memory_space<vmem>>, vector<16xi32>,
    %swap3A_31 = arith.constant 224 : index
    %swap3A_32 = tpu.vector_load %arg15[%swap3A_31] {strides = array<i32>} : memref<1024xi32, #tpu.memory_space<vmem>>, vector<16xi32>,
    tpu.vector_store %arg15[%swap3A_31], %broadcast_in_dim3A_3 {strides = array<i32>} : memref<1024xi32, #tpu.memory_space<vmem>>, vector<16xi32>,
    %swap3A_33 = arith.constant 240 : index
    %swap3A_34 = tpu.vector_load %arg15[%swap3A_33] {strides = array<i32>} : memref<1024xi32, #tpu.memory_space<vmem>>, vector<16xi32>,
    tpu.vector_store %arg15[%swap3A_33], %broadcast_in_dim3A_3 {strides = array<i32>} : memref<1024xi32, #tpu.memory_space<vmem>>, vector<16xi32>,
    %swap3A_35 = arith.constant 256 : index
    %swap3A_36 = tpu.vector_load %arg15[%swap3A_35] {strides = array<i32>} : memref<1024xi32, #tpu.memory_space<vmem>>, vector<16xi32>,
    tpu.vector_store %arg15[%swap3A_35], %broadcast_in_dim3A_3 {strides = array<i32>} : memref<1024xi32, #tpu.memory_space<vmem>>, vector<16xi32>,
    %swap3A_37 = arith.constant 272 : index
    %swap3A_38 = tpu.vector_load %arg15[%swap3A_37] {strides = array<i32>} : memref<1024xi32, #tpu.memory_space<vmem>>, vector<16xi32>,
    tpu.vector_store %arg15[%swap3A_37], %broadcast_in_dim3A_3 {strides = array<i32>} : memref<1024xi32, #tpu.memory_space<vmem>>, vector<16xi32>,
    %swap3A_39 = arith.constant 288 : index
    %swap3A_40 = tpu.vector_load %arg15[%swap3A_39] {strides = array<i32>} : memref<1024xi32, #tpu.memory_space<vmem>>, vector<16xi32>,
    tpu.vector_store %arg15[%swap3A_39], %broadcast_in_dim3A_3 {strides = array<i32>} : memref<1024xi32, #tpu.memory_space<vmem>>, vector<16xi32>,
    %swap3A_41 = arith.constant 304 : index
    %swap3A_42 = tpu.vector_load %arg15[%swap3A_41] {strides = array<i32>} : memref<1024xi32, #tpu.memory_space<vmem>>, vector<16xi32>,
    tpu.vector_store %arg15[%swap3A_41], %broadcast_in_dim3A_3 {strides = array<i32>} : memref<1024xi32, #tpu.memory_space<vmem>>, vector<16xi32>,
    %swap3A_43 = arith.constant 320 : index
    %swap3A_44 = tpu.vector_load %arg15[%swap3A_43] {strides = array<i32>} : memref<1024xi32, #tpu.memory_space<vmem>>, vector<16xi32>,
    tpu.vector_store %arg15[%swap3A_43], %broadcast_in_dim3A_3 {strides = array<i32>} : memref<1024xi32, #tpu.memory_space<vmem>>, vector<16xi32>,
    %swap3A_45 = arith.constant 336 : index
    %swap3A_46 = tpu.vector_load %arg15[%swap3A_45] {strides = array<i32>} : memref<1024xi32, #tpu.memory_space<vmem>>, vector<16xi32>,
    tpu.vector_store %arg15[%swap3A_45], %broadcast_in_dim3A_3 {strides = array<i32>} : memref<1024xi32, #tpu.memory_space<vmem>>, vector<16xi32>,
    %swap3A_47 = arith.constant 352 : index
    %swap3A_48 = tpu.vector_load %arg15[%swap3A_47] {strides = array<i32>} : memref<1024xi32, #tpu.memory_space<vmem>>, vector<16xi32>,
    tpu.vector_store %arg15[%swap3A_47], %broadcast_in_dim3A_3 {strides = array<i32>} : memref<1024xi32, #tpu.memory_space<vmem>>, vector<16xi32>,
    %swap3A_49 = arith.constant 368 : index
    %swap3A_50 = tpu.vector_load %arg15[%swap3A_49] {strides = array<i32>} : memref<1024xi32, #tpu.memory_space<vmem>>, vector<16xi32>,
    tpu.vector_store %arg15[%swap3A_49], %broadcast_in_dim3A_3 {strides = array<i32>} : memref<1024xi32, #tpu.memory_space<vmem>>, vector<16xi32>,
    %swap3A_51 = arith.constant 384 : index
    %swap3A_52 = tpu.vector_load %arg15[%swap3A_51] {strides = array<i32>} : memref<1024xi32, #tpu.memory_space<vmem>>, vector<16xi32>,
    tpu.vector_store %arg15[%swap3A_51], %broadcast_in_dim3A_3 {strides = array<i32>} : memref<1024xi32, #tpu.memory_space<vmem>>, vector<16xi32>,
    %swap3A_53 = arith.constant 400 : index
    %swap3A_54 = tpu.vector_load %arg15[%swap3A_53] {strides = array<i32>} : memref<1024xi32, #tpu.memory_space<vmem>>, vector<16xi32>,
    tpu.vector_store %arg15[%swap3A_53], %broadcast_in_dim3A_3 {strides = array<i32>} : memref<1024xi32, #tpu.memory_space<vmem>>, vector<16xi32>,
    %swap3A_55 = arith.constant 416 : index
    %swap3A_56 = tpu.vector_load %arg15[%swap3A_55] {strides = array<i32>} : memref<1024xi32, #tpu.memory_space<vmem>>, vector<16xi32>,
    tpu.vector_store %arg15[%swap3A_55], %broadcast_in_dim3A_3 {strides = array<i32>} : memref<1024xi32, #tpu.memory_space<vmem>>, vector<16xi32>,
    %swap3A_57 = arith.constant 432 : index
    %swap3A_58 = tpu.vector_load %arg15[%swap3A_57] {strides = array<i32>} : memref<1024xi32, #tpu.memory_space<vmem>>, vector<16xi32>,
    tpu.vector_store %arg15[%swap3A_57], %broadcast_in_dim3A_3 {strides = array<i32>} : memref<1024xi32, #tpu.memory_space<vmem>>, vector<16xi32>,
    %swap3A_59 = arith.constant 448 : index
    %swap3A_60 = tpu.vector_load %arg15[%swap3A_59] {strides = array<i32>} : memref<1024xi32, #tpu.memory_space<vmem>>, vector<16xi32>,
    tpu.vector_store %arg15[%swap3A_59], %broadcast_in_dim3A_3 {strides = array<i32>} : memref<1024xi32, #tpu.memory_space<vmem>>, vector<16xi32>,
    %swap3A_61 = arith.constant 464 : index
    %swap3A_62 = tpu.vector_load %arg15[%swap3A_61] {strides = array<i32>} : memref<1024xi32, #tpu.memory_space<vmem>>, vector<16xi32>,
    tpu.vector_store %arg15[%swap3A_61], %broadcast_in_dim3A_3 {strides = array<i32>} : memref<1024xi32, #tpu.memory_space<vmem>>, vector<16xi32>,
    %swap3A_63 = arith.constant 480 : index
    %swap3A_64 = tpu.vector_load %arg15[%swap3A_63] {strides = array<i32>} : memref<1024xi32, #tpu.memory_space<vmem>>, vector<16xi32>,
    tpu.vector_store %arg15[%swap3A_63], %broadcast_in_dim3A_3 {strides = array<i32>} : memref<1024xi32, #tpu.memory_space<vmem>>, vector<16xi32>,
    %swap3A_65 = arith.constant 496 : index
    %swap3A_66 = tpu.vector_load %arg15[%swap3A_65] {strides = array<i32>} : memref<1024xi32, #tpu.memory_space<vmem>>, vector<16xi32>,
    tpu.vector_store %arg15[%swap3A_65], %broadcast_in_dim3A_3 {strides = array<i32>} : memref<1024xi32, #tpu.memory_space<vmem>>, vector<16xi32>,
    %swap3A_67 = arith.constant 512 : index
    %swap3A_68 = tpu.vector_load %arg15[%swap3A_67] {strides = array<i32>} : memref<1024xi32, #tpu.memory_space<vmem>>, vector<16xi32>,
    tpu.vector_store %arg15[%swap3A_67], %broadcast_in_dim3A_3 {strides = array<i32>} : memref<1024xi32, #tpu.memory_space<vmem>>, vector<16xi32>,
    %swap3A_69 = arith.constant 528 : index
    %swap3A_70 = tpu.vector_load %arg15[%swap3A_69] {strides = array<i32>} : memref<1024xi32, #tpu.memory_space<vmem>>, vector<16xi32>,
    tpu.vector_store %arg15[%swap3A_69], %broadcast_in_dim3A_3 {strides = array<i32>} : memref<1024xi32, #tpu.memory_space<vmem>>, vector<16xi32>,
    %swap3A_71 = arith.constant 544 : index
    %swap3A_72 = tpu.vector_load %arg15[%swap3A_71] {strides = array<i32>} : memref<1024xi32, #tpu.memory_space<vmem>>, vector<16xi32>,
    tpu.vector_store %arg15[%swap3A_71], %broadcast_in_dim3A_3 {strides = array<i32>} : memref<1024xi32, #tpu.memory_space<vmem>>, vector<16xi32>,
    %swap3A_73 = arith.constant 560 : index
    %swap3A_74 = tpu.vector_load %arg15[%swap3A_73] {strides = array<i32>} : memref<1024xi32, #tpu.memory_space<vmem>>, vector<16xi32>,
    tpu.vector_store %arg15[%swap3A_73], %broadcast_in_dim3A_3 {strides = array<i32>} : memref<1024xi32, #tpu.memory_space<vmem>>, vector<16xi32>,
    %swap3A_75 = arith.constant 576 : index
    %swap3A_76 = tpu.vector_load %arg15[%swap3A_75] {strides = array<i32>} : memref<1024xi32, #tpu.memory_space<vmem>>, vector<16xi32>,
    tpu.vector_store %arg15[%swap3A_75], %broadcast_in_dim3A_3 {strides = array<i32>} : memref<1024xi32, #tpu.memory_space<vmem>>, vector<16xi32>,
    %swap3A_77 = arith.constant 592 : index
    %swap3A_78 = tpu.vector_load %arg15[%swap3A_77] {strides = array<i32>} : memref<1024xi32, #tpu.memory_space<vmem>>, vector<16xi32>,
    tpu.vector_store %arg15[%swap3A_77], %broadcast_in_dim3A_3 {strides = array<i32>} : memref<1024xi32, #tpu.memory_space<vmem>>, vector<16xi32>,
    %swap3A_79 = arith.constant 608 : index
    %swap3A_80 = tpu.vector_load %arg15[%swap3A_79] {strides = array<i32>} : memref<1024xi32, #tpu.memory_space<vmem>>, vector<16xi32>,
    tpu.vector_store %arg15[%swap3A_79], %broadcast_in_dim3A_3 {strides = array<i32>} : memref<1024xi32, #tpu.memory_space<vmem>>, vector<16xi32>,
    %swap3A_81 = arith.constant 624 : index
    %swap3A_82 = tpu.vector_load %arg15[%swap3A_81] {strides = array<i32>} : memref<1024xi32, #tpu.memory_space<vmem>>, vector<16xi32>,
    tpu.vector_store %arg15[%swap3A_81], %broadcast_in_dim3A_3 {strides = array<i32>} : memref<1024xi32, #tpu.memory_space<vmem>>, vector<16xi32>,
    %swap3A_83 = arith.constant 640 : index
    %swap3A_84 = tpu.vector_load %arg15[%swap3A_83] {strides = array<i32>} : memref<1024xi32, #tpu.memory_space<vmem>>, vector<16xi32>,
    tpu.vector_store %arg15[%swap3A_83], %broadcast_in_dim3A_3 {strides = array<i32>} : memref<1024xi32, #tpu.memory_space<vmem>>, vector<16xi32>,
    %swap3A_85 = arith.constant 656 : index
    %swap3A_86 = tpu.vector_load %arg15[%swap3A_85] {strides = array<i32>} : memref<1024xi32, #tpu.memory_space<vmem>>, vector<16xi32>,
    tpu.vector_store %arg15[%swap3A_85], %broadcast_in_dim3A_3 {strides = array<i32>} : memref<1024xi32, #tpu.memory_space<vmem>>, vector<16xi32>,
    %swap3A_87 = arith.constant 672 : index
    %swap3A_88 = tpu.vector_load %arg15[%swap3A_87] {strides = array<i32>} : memref<1024xi32, #tpu.memory_space<vmem>>, vector<16xi32>,
    tpu.vector_store %arg15[%swap3A_87], %broadcast_in_dim3A_3 {strides = array<i32>} : memref<1024xi32, #tpu.memory_space<vmem>>, vector<16xi32>,
    %swap3A_89 = arith.constant 688 : index
    %swap3A_90 = tpu.vector_load %arg15[%swap3A_89] {strides = array<i32>} : memref<1024xi32, #tpu.memory_space<vmem>>, vector<16xi32>,
    tpu.vector_store %arg15[%swap3A_89], %broadcast_in_dim3A_3 {strides = array<i32>} : memref<1024xi32, #tpu.memory_space<vmem>>, vector<16xi32>,
    %swap3A_91 = arith.constant 704 : index
    %swap3A_92 = tpu.vector_load %arg15[%swap3A_91] {strides = array<i32>} : memref<1024xi32, #tpu.memory_space<vmem>>, vector<16xi32>,
    tpu.vector_store %arg15[%swap3A_91], %broadcast_in_dim3A_3 {strides = array<i32>} : memref<1024xi32, #tpu.memory_space<vmem>>, vector<16xi32>,
    %swap3A_93 = arith.constant 720 : index
    %swap3A_94 = tpu.vector_load %arg15[%swap3A_93] {strides = array<i32>} : memref<1024xi32, #tpu.memory_space<vmem>>, vector<16xi32>,
    tpu.vector_store %arg15[%swap3A_93], %broadcast_in_dim3A_3 {strides = array<i32>} : memref<1024xi32, #tpu.memory_space<vmem>>, vector<16xi32>,
    %swap3A_95 = arith.constant 736 : index
    %swap3A_96 = tpu.vector_load %arg15[%swap3A_95] {strides = array<i32>} : memref<1024xi32, #tpu.memory_space<vmem>>, vector<16xi32>,
    tpu.vector_store %arg15[%swap3A_95], %broadcast_in_dim3A_3 {strides = array<i32>} : memref<1024xi32, #tpu.memory_space<vmem>>, vector<16xi32>,
    %swap3A_97 = arith.constant 752 : index
    %swap3A_98 = tpu.vector_load %arg15[%swap3A_97] {strides = array<i32>} : memref<1024xi32, #tpu.memory_space<vmem>>, vector<16xi32>,
    tpu.vector_store %arg15[%swap3A_97], %broadcast_in_dim3A_3 {strides = array<i32>} : memref<1024xi32, #tpu.memory_space<vmem>>, vector<16xi32>,
    %swap3A_99 = arith.constant 768 : index
    %swap3A_100 = tpu.vector_load %arg15[%swap3A_99] {strides = array<i32>} : memref<1024xi32, #tpu.memory_space<vmem>>, vector<16xi32>,
    tpu.vector_store %arg15[%swap3A_99], %broadcast_in_dim3A_3 {strides = array<i32>} : memref<1024xi32, #tpu.memory_space<vmem>>, vector<16xi32>,
    %swap3A_101 = arith.constant 784 : index
    %swap3A_102 = tpu.vector_load %arg15[%swap3A_101] {strides = array<i32>} : memref<1024xi32, #tpu.memory_space<vmem>>, vector<16xi32>,
    tpu.vector_store %arg15[%swap3A_101], %broadcast_in_dim3A_3 {strides = array<i32>} : memref<1024xi32, #tpu.memory_space<vmem>>, vector<16xi32>,
    %swap3A_103 = arith.constant 800 : index
    %swap3A_104 = tpu.vector_load %arg15[%swap3A_103] {strides = array<i32>} : memref<1024xi32, #tpu.memory_space<vmem>>, vector<16xi32>,
    tpu.vector_store %arg15[%swap3A_103], %broadcast_in_dim3A_3 {strides = array<i32>} : memref<1024xi32, #tpu.memory_space<vmem>>, vector<16xi32>,
    %swap3A_105 = arith.constant 816 : index
    %swap3A_106 = tpu.vector_load %arg15[%swap3A_105] {strides = array<i32>} : memref<1024xi32, #tpu.memory_space<vmem>>, vector<16xi32>,
    tpu.vector_store %arg15[%swap3A_105], %broadcast_in_dim3A_3 {strides = array<i32>} : memref<1024xi32, #tpu.memory_space<vmem>>, vector<16xi32>,
    %swap3A_107 = arith.constant 832 : index
    %swap3A_108 = tpu.vector_load %arg15[%swap3A_107] {strides = array<i32>} : memref<1024xi32, #tpu.memory_space<vmem>>, vector<16xi32>,
    tpu.vector_store %arg15[%swap3A_107], %broadcast_in_dim3A_3 {strides = array<i32>} : memref<1024xi32, #tpu.memory_space<vmem>>, vector<16xi32>,
    %swap3A_109 = arith.constant 848 : index
    %swap3A_110 = tpu.vector_load %arg15[%swap3A_109] {strides = array<i32>} : memref<1024xi32, #tpu.memory_space<vmem>>, vector<16xi32>,
    tpu.vector_store %arg15[%swap3A_109], %broadcast_in_dim3A_3 {strides = array<i32>} : memref<1024xi32, #tpu.memory_space<vmem>>, vector<16xi32>,
    %swap3A_111 = arith.constant 864 : index
    %swap3A_112 = tpu.vector_load %arg15[%swap3A_111] {strides = array<i32>} : memref<1024xi32, #tpu.memory_space<vmem>>, vector<16xi32>,
    tpu.vector_store %arg15[%swap3A_111], %broadcast_in_dim3A_3 {strides = array<i32>} : memref<1024xi32, #tpu.memory_space<vmem>>, vector<16xi32>,
    %swap3A_113 = arith.constant 880 : index
    %swap3A_114 = tpu.vector_load %arg15[%swap3A_113] {strides = array<i32>} : memref<1024xi32, #tpu.memory_space<vmem>>, vector<16xi32>,
    tpu.vector_store %arg15[%swap3A_113], %broadcast_in_dim3A_3 {strides = array<i32>} : memref<1024xi32, #tpu.memory_space<vmem>>, vector<16xi32>,
    %swap3A_115 = arith.constant 896 : index
    %swap3A_116 = tpu.vector_load %arg15[%swap3A_115] {strides = array<i32>} : memref<1024xi32, #tpu.memory_space<vmem>>, vector<16xi32>,
    tpu.vector_store %arg15[%swap3A_115], %broadcast_in_dim3A_3 {strides = array<i32>} : memref<1024xi32, #tpu.memory_space<vmem>>, vector<16xi32>,
    %swap3A_117 = arith.constant 912 : index
    %swap3A_118 = tpu.vector_load %arg15[%swap3A_117] {strides = array<i32>} : memref<1024xi32, #tpu.memory_space<vmem>>, vector<16xi32>,
    tpu.vector_store %arg15[%swap3A_117], %broadcast_in_dim3A_3 {strides = array<i32>} : memref<1024xi32, #tpu.memory_space<vmem>>, vector<16xi32>,
    %swap3A_119 = arith.constant 928 : index
    %swap3A_120 = tpu.vector_load %arg15[%swap3A_119] {strides = array<i32>} : memref<1024xi32, #tpu.memory_space<vmem>>, vector<16xi32>,
    tpu.vector_store %arg15[%swap3A_119], %broadcast_in_dim3A_3 {strides = array<i32>} : memref<1024xi32, #tpu.memory_space<vmem>>, vector<16xi32>,
    %swap3A_121 = arith.constant 944 : index
    %swap3A_122 = tpu.vector_load %arg15[%swap3A_121] {strides = array<i32>} : memref<1024xi32, #tpu.memory_space<vmem>>, vector<16xi32>,
    tpu.vector_store %arg15[%swap3A_121], %broadcast_in_dim3A_3 {strides = array<i32>} : memref<1024xi32, #tpu.memory_space<vmem>>, vector<16xi32>,
    %swap3A_123 = arith.constant 960 : index
    %swap3A_124 = tpu.vector_load %arg15[%swap3A_123] {strides = array<i32>} : memref<1024xi32, #tpu.memory_space<vmem>>, vector<16xi32>,
    tpu.vector_store %arg15[%swap3A_123], %broadcast_in_dim3A_3 {strides = array<i32>} : memref<1024xi32, #tpu.memory_space<vmem>>, vector<16xi32>,
    %swap3A_125 = arith.constant 976 : index
    %swap3A_126 = tpu.vector_load %arg15[%swap3A_125] {strides = array<i32>} : memref<1024xi32, #tpu.memory_space<vmem>>, vector<16xi32>,
    tpu.vector_store %arg15[%swap3A_125], %broadcast_in_dim3A_3 {strides = array<i32>} : memref<1024xi32, #tpu.memory_space<vmem>>, vector<16xi32>,
    %swap3A_127 = arith.constant 992 : index
    %swap3A_128 = tpu.vector_load %arg15[%swap3A_127] {strides = array<i32>} : memref<1024xi32, #tpu.memory_space<vmem>>, vector<16xi32>,
    tpu.vector_store %arg15[%swap3A_127], %broadcast_in_dim3A_3 {strides = array<i32>} : memref<1024xi32, #tpu.memory_space<vmem>>, vector<16xi32>,
    %swap3A_129 = arith.constant 1008 : index
    %swap3A_130 = tpu.vector_load %arg15[%swap3A_129] {strides = array<i32>} : memref<1024xi32, #tpu.memory_space<vmem>>, vector<16xi32>,
    tpu.vector_store %arg15[%swap3A_129], %broadcast_in_dim3A_3 {strides = array<i32>} : memref<1024xi32, #tpu.memory_space<vmem>>, vector<16xi32>,
    %scan3A = arith.constant 0 : i32
    %scan3A_131 = arith.constant 0 : i32
    %scan3A_132 = arith.constant 128 : i32
    %scan3A_133 = arith.addi %scan3A_131, %scan3A_132 : i32
    %scan3A_134 = arith.constant 1 : i32
    scf.for %scan3A_1421 = %scan3A_131 to %scan3A_133 step %scan3A_134  : i32 {
      %mul3A_1422 = arith.constant 128 : i32
      %mul3A_1423 = vector.broadcast %mul3A_1422 : i32 to vector<16xi32>
      %mul3A_1424 = arith.muli %iota3A, %mul3A_1423 : vector<16xi32>
      %add3A_1425 = vector.broadcast %scan3A_1421 : i32 to vector<16xi32>
      %add3A_1426 = arith.addi %mul3A_1424, %add3A_1425 : vector<16xi32>
      %gather3A = tpu.vector_load_idx %arg10[%add3A_1426] : memref<2048xi32, #tpu.memory_space<vmem>>[vector<16xi32>], vector<16xi32>,
      %mul3A_1427 = arith.constant 64 : i32
      %mul3A_1428 = vector.broadcast %mul3A_1427 : i32 to vector<16xi32>
      %mul3A_1429 = arith.muli %iota3A, %mul3A_1428 : vector<16xi32>
      %add3A_1430 = arith.addi %mul3A_1429, %gather3A : vector<16xi32>
      %gather3A_1431 = tpu.vector_load_idx %arg15[%add3A_1430] : memref<1024xi32, #tpu.memory_space<vmem>>[vector<16xi32>], vector<16xi32>,
      %mul3A_1432 = arith.constant 256 : i32
      %mul3A_1433 = vector.broadcast %mul3A_1432 : i32 to vector<16xi32>
      %mul3A_1434 = arith.muli %iota3A, %mul3A_1433 : vector<16xi32>
      %mul3A_1435 = arith.constant 2 : i32
      %mul3A_1436 = arith.muli %mul3A_1435, %scan3A_1421 : i32
      %add3A_1437 = vector.broadcast %mul3A_1436 : i32 to vector<16xi32>
      %add3A_1438 = arith.addi %mul3A_1434, %add3A_1437 : vector<16xi32>
      tpu.vector_store_idx %arg14[%add3A_1438], %gather3A_1431 : memref<4096xi32, #tpu.memory_space<vmem>>[vector<16xi32>], vector<16xi32>,
      %mul3A_1439 = arith.constant 64 : i32
      %mul3A_1440 = vector.broadcast %mul3A_1439 : i32 to vector<16xi32>
      %mul3A_1441 = arith.muli %iota3A, %mul3A_1440 : vector<16xi32>
      %add3A_1442 = arith.addi %mul3A_1441, %gather3A : vector<16xi32>
      %add3A_1443 = arith.constant 1 : i32
      %add3A_1444 = vector.broadcast %add3A_1443 : i32 to vector<16xi32>
      %add3A_1445 = arith.addi %gather3A_1431, %add3A_1444 : vector<16xi32>
      tpu.vector_store_idx %arg15[%add3A_1442], %add3A_1445 : memref<1024xi32, #tpu.memory_space<vmem>>[vector<16xi32>], vector<16xi32>,
      %gather3A_1446 = tpu.vector_load_idx %arg11[%add3A_1426] : memref<2048xi32, #tpu.memory_space<vmem>>[vector<16xi32>], vector<16xi32>,
      %mul3A_1447 = arith.constant 64 : i32
      %mul3A_1448 = vector.broadcast %mul3A_1447 : i32 to vector<16xi32>
      %mul3A_1449 = arith.muli %iota3A, %mul3A_1448 : vector<16xi32>
      %add3A_1450 = arith.addi %mul3A_1449, %gather3A_1446 : vector<16xi32>
      %gather3A_1451 = tpu.vector_load_idx %arg15[%add3A_1450] : memref<1024xi32, #tpu.memory_space<vmem>>[vector<16xi32>], vector<16xi32>,
      %mul3A_1452 = arith.constant 256 : i32
      %mul3A_1453 = vector.broadcast %mul3A_1452 : i32 to vector<16xi32>
      %mul3A_1454 = arith.muli %iota3A, %mul3A_1453 : vector<16xi32>
      %mul3A_1455 = arith.constant 2 : i32
      %mul3A_1456 = arith.muli %mul3A_1455, %scan3A_1421 : i32
      %add3A_1457 = vector.broadcast %mul3A_1456 : i32 to vector<16xi32>
      %add3A_1458 = arith.addi %mul3A_1454, %add3A_1457 : vector<16xi32>
      %add3A_1459 = arith.constant 1 : i32
      %add3A_1460 = vector.broadcast %add3A_1459 : i32 to vector<16xi32>
      %add3A_1461 = arith.addi %add3A_1458, %add3A_1460 : vector<16xi32>
      tpu.vector_store_idx %arg14[%add3A_1461], %gather3A_1451 : memref<4096xi32, #tpu.memory_space<vmem>>[vector<16xi32>], vector<16xi32>,
      %mul3A_1462 = arith.constant 64 : i32
      %mul3A_1463 = vector.broadcast %mul3A_1462 : i32 to vector<16xi32>
      %mul3A_1464 = arith.muli %iota3A, %mul3A_1463 : vector<16xi32>
      %add3A_1465 = arith.addi %mul3A_1464, %gather3A_1446 : vector<16xi32>
      %add3A_1466 = arith.constant 1 : i32
      %add3A_1467 = vector.broadcast %add3A_1466 : i32 to vector<16xi32>
      %add3A_1468 = arith.addi %gather3A_1451, %add3A_1467 : vector<16xi32>
      tpu.vector_store_idx %arg15[%add3A_1465], %add3A_1468 : memref<1024xi32, #tpu.memory_space<vmem>>[vector<16xi32>], vector<16xi32>,
    }
    %scan3A_135 = arith.constant 128 : i32
    %swap3A_136 = arith.constant 0 : index
    %swap3A_137 = tpu.vector_load %arg16[%swap3A_136] {strides = array<i32>} : memref<1024xi32, #tpu.memory_space<vmem>>, vector<16xi32>,
    tpu.vector_store %arg16[%swap3A_136], %broadcast_in_dim3A_3 {strides = array<i32>} : memref<1024xi32, #tpu.memory_space<vmem>>, vector<16xi32>,
    %get3A = arith.constant 0 : index
    %get3A_138 = tpu.vector_load %arg15[%get3A] {strides = array<i32>} : memref<1024xi32, #tpu.memory_space<vmem>>, vector<16xi32>,
    %add3A = arith.addi %broadcast_in_dim3A_3, %get3A_138 : vector<16xi32>
    %swap3A_139 = arith.constant 64 : index
    %swap3A_140 = tpu.vector_load %arg16[%swap3A_139] {strides = array<i32>} : memref<1024xi32, #tpu.memory_space<vmem>>, vector<16xi32>,
    tpu.vector_store %arg16[%swap3A_139], %add3A {strides = array<i32>} : memref<1024xi32, #tpu.memory_space<vmem>>, vector<16xi32>,
    %get3A_141 = arith.constant 64 : index
    %get3A_142 = tpu.vector_load %arg15[%get3A_141] {strides = array<i32>} : memref<1024xi32, #tpu.memory_space<vmem>>, vector<16xi32>,
    %add3A_143 = arith.addi %add3A, %get3A_142 : vector<16xi32>
    %swap3A_144 = arith.constant 128 : index
    %swap3A_145 = tpu.vector_load %arg16[%swap3A_144] {strides = array<i32>} : memref<1024xi32, #tpu.memory_space<vmem>>, vector<16xi32>,
    tpu.vector_store %arg16[%swap3A_144], %add3A_143 {strides = array<i32>} : memref<1024xi32, #tpu.memory_space<vmem>>, vector<16xi32>,
    %get3A_146 = arith.constant 128 : index
    %get3A_147 = tpu.vector_load %arg15[%get3A_146] {strides = array<i32>} : memref<1024xi32, #tpu.memory_space<vmem>>, vector<16xi32>,
    %add3A_148 = arith.addi %add3A_143, %get3A_147 : vector<16xi32>
    %swap3A_149 = arith.constant 192 : index
    %swap3A_150 = tpu.vector_load %arg16[%swap3A_149] {strides = array<i32>} : memref<1024xi32, #tpu.memory_space<vmem>>, vector<16xi32>,
    tpu.vector_store %arg16[%swap3A_149], %add3A_148 {strides = array<i32>} : memref<1024xi32, #tpu.memory_space<vmem>>, vector<16xi32>,
    %get3A_151 = arith.constant 192 : index
    %get3A_152 = tpu.vector_load %arg15[%get3A_151] {strides = array<i32>} : memref<1024xi32, #tpu.memory_space<vmem>>, vector<16xi32>,
    %add3A_153 = arith.addi %add3A_148, %get3A_152 : vector<16xi32>
    %swap3A_154 = arith.constant 256 : index
    %swap3A_155 = tpu.vector_load %arg16[%swap3A_154] {strides = array<i32>} : memref<1024xi32, #tpu.memory_space<vmem>>, vector<16xi32>,
    tpu.vector_store %arg16[%swap3A_154], %add3A_153 {strides = array<i32>} : memref<1024xi32, #tpu.memory_space<vmem>>, vector<16xi32>,
    %get3A_156 = arith.constant 256 : index
    %get3A_157 = tpu.vector_load %arg15[%get3A_156] {strides = array<i32>} : memref<1024xi32, #tpu.memory_space<vmem>>, vector<16xi32>,
    %add3A_158 = arith.addi %add3A_153, %get3A_157 : vector<16xi32>
    %swap3A_159 = arith.constant 320 : index
    %swap3A_160 = tpu.vector_load %arg16[%swap3A_159] {strides = array<i32>} : memref<1024xi32, #tpu.memory_space<vmem>>, vector<16xi32>,
    tpu.vector_store %arg16[%swap3A_159], %add3A_158 {strides = array<i32>} : memref<1024xi32, #tpu.memory_space<vmem>>, vector<16xi32>,
    %get3A_161 = arith.constant 320 : index
    %get3A_162 = tpu.vector_load %arg15[%get3A_161] {strides = array<i32>} : memref<1024xi32, #tpu.memory_space<vmem>>, vector<16xi32>,
    %add3A_163 = arith.addi %add3A_158, %get3A_162 : vector<16xi32>
    %swap3A_164 = arith.constant 384 : index
    %swap3A_165 = tpu.vector_load %arg16[%swap3A_164] {strides = array<i32>} : memref<1024xi32, #tpu.memory_space<vmem>>, vector<16xi32>,
    tpu.vector_store %arg16[%swap3A_164], %add3A_163 {strides = array<i32>} : memref<1024xi32, #tpu.memory_space<vmem>>, vector<16xi32>,
    %get3A_166 = arith.constant 384 : index
    %get3A_167 = tpu.vector_load %arg15[%get3A_166] {strides = array<i32>} : memref<1024xi32, #tpu.memory_space<vmem>>, vector<16xi32>,
    %add3A_168 = arith.addi %add3A_163, %get3A_167 : vector<16xi32>
    %swap3A_169 = arith.constant 448 : index
    %swap3A_170 = tpu.vector_load %arg16[%swap3A_169] {strides = array<i32>} : memref<1024xi32, #tpu.memory_space<vmem>>, vector<16xi32>,
    tpu.vector_store %arg16[%swap3A_169], %add3A_168 {strides = array<i32>} : memref<1024xi32, #tpu.memory_space<vmem>>, vector<16xi32>,
    %get3A_171 = arith.constant 448 : index
    %get3A_172 = tpu.vector_load %arg15[%get3A_171] {strides = array<i32>} : memref<1024xi32, #tpu.memory_space<vmem>>, vector<16xi32>,
    %add3A_173 = arith.addi %add3A_168, %get3A_172 : vector<16xi32>
    %swap3A_174 = arith.constant 512 : index
    %swap3A_175 = tpu.vector_load %arg16[%swap3A_174] {strides = array<i32>} : memref<1024xi32, #tpu.memory_space<vmem>>, vector<16xi32>,
    tpu.vector_store %arg16[%swap3A_174], %add3A_173 {strides = array<i32>} : memref<1024xi32, #tpu.memory_space<vmem>>, vector<16xi32>,
    %get3A_176 = arith.constant 512 : index
    %get3A_177 = tpu.vector_load %arg15[%get3A_176] {strides = array<i32>} : memref<1024xi32, #tpu.memory_space<vmem>>, vector<16xi32>,
    %add3A_178 = arith.addi %add3A_173, %get3A_177 : vector<16xi32>
    %swap3A_179 = arith.constant 576 : index
    %swap3A_180 = tpu.vector_load %arg16[%swap3A_179] {strides = array<i32>} : memref<1024xi32, #tpu.memory_space<vmem>>, vector<16xi32>,
    tpu.vector_store %arg16[%swap3A_179], %add3A_178 {strides = array<i32>} : memref<1024xi32, #tpu.memory_space<vmem>>, vector<16xi32>,
    %get3A_181 = arith.constant 576 : index
    %get3A_182 = tpu.vector_load %arg15[%get3A_181] {strides = array<i32>} : memref<1024xi32, #tpu.memory_space<vmem>>, vector<16xi32>,
    %add3A_183 = arith.addi %add3A_178, %get3A_182 : vector<16xi32>
    %swap3A_184 = arith.constant 640 : index
    %swap3A_185 = tpu.vector_load %arg16[%swap3A_184] {strides = array<i32>} : memref<1024xi32, #tpu.memory_space<vmem>>, vector<16xi32>,
    tpu.vector_store %arg16[%swap3A_184], %add3A_183 {strides = array<i32>} : memref<1024xi32, #tpu.memory_space<vmem>>, vector<16xi32>,
    %get3A_186 = arith.constant 640 : index
    %get3A_187 = tpu.vector_load %arg15[%get3A_186] {strides = array<i32>} : memref<1024xi32, #tpu.memory_space<vmem>>, vector<16xi32>,
    %add3A_188 = arith.addi %add3A_183, %get3A_187 : vector<16xi32>
    %swap3A_189 = arith.constant 704 : index
    %swap3A_190 = tpu.vector_load %arg16[%swap3A_189] {strides = array<i32>} : memref<1024xi32, #tpu.memory_space<vmem>>, vector<16xi32>,
    tpu.vector_store %arg16[%swap3A_189], %add3A_188 {strides = array<i32>} : memref<1024xi32, #tpu.memory_space<vmem>>, vector<16xi32>,
    %get3A_191 = arith.constant 704 : index
    %get3A_192 = tpu.vector_load %arg15[%get3A_191] {strides = array<i32>} : memref<1024xi32, #tpu.memory_space<vmem>>, vector<16xi32>,
    %add3A_193 = arith.addi %add3A_188, %get3A_192 : vector<16xi32>
    %swap3A_194 = arith.constant 768 : index
    %swap3A_195 = tpu.vector_load %arg16[%swap3A_194] {strides = array<i32>} : memref<1024xi32, #tpu.memory_space<vmem>>, vector<16xi32>,
    tpu.vector_store %arg16[%swap3A_194], %add3A_193 {strides = array<i32>} : memref<1024xi32, #tpu.memory_space<vmem>>, vector<16xi32>,
    %get3A_196 = arith.constant 768 : index
    %get3A_197 = tpu.vector_load %arg15[%get3A_196] {strides = array<i32>} : memref<1024xi32, #tpu.memory_space<vmem>>, vector<16xi32>,
    %add3A_198 = arith.addi %add3A_193, %get3A_197 : vector<16xi32>
    %swap3A_199 = arith.constant 832 : index
    %swap3A_200 = tpu.vector_load %arg16[%swap3A_199] {strides = array<i32>} : memref<1024xi32, #tpu.memory_space<vmem>>, vector<16xi32>,
    tpu.vector_store %arg16[%swap3A_199], %add3A_198 {strides = array<i32>} : memref<1024xi32, #tpu.memory_space<vmem>>, vector<16xi32>,
    %get3A_201 = arith.constant 832 : index
    %get3A_202 = tpu.vector_load %arg15[%get3A_201] {strides = array<i32>} : memref<1024xi32, #tpu.memory_space<vmem>>, vector<16xi32>,
    %add3A_203 = arith.addi %add3A_198, %get3A_202 : vector<16xi32>
    %swap3A_204 = arith.constant 896 : index
    %swap3A_205 = tpu.vector_load %arg16[%swap3A_204] {strides = array<i32>} : memref<1024xi32, #tpu.memory_space<vmem>>, vector<16xi32>,
    tpu.vector_store %arg16[%swap3A_204], %add3A_203 {strides = array<i32>} : memref<1024xi32, #tpu.memory_space<vmem>>, vector<16xi32>,
    %get3A_206 = arith.constant 896 : index
    %get3A_207 = tpu.vector_load %arg15[%get3A_206] {strides = array<i32>} : memref<1024xi32, #tpu.memory_space<vmem>>, vector<16xi32>,
    %add3A_208 = arith.addi %add3A_203, %get3A_207 : vector<16xi32>
    %swap3A_209 = arith.constant 960 : index
    %swap3A_210 = tpu.vector_load %arg16[%swap3A_209] {strides = array<i32>} : memref<1024xi32, #tpu.memory_space<vmem>>, vector<16xi32>,
    tpu.vector_store %arg16[%swap3A_209], %add3A_208 {strides = array<i32>} : memref<1024xi32, #tpu.memory_space<vmem>>, vector<16xi32>,
    %get3A_211 = arith.constant 960 : index
    %get3A_212 = tpu.vector_load %arg15[%get3A_211] {strides = array<i32>} : memref<1024xi32, #tpu.memory_space<vmem>>, vector<16xi32>,
    %add3A_213 = arith.addi %add3A_208, %get3A_212 : vector<16xi32>
    %swap3A_214 = arith.constant 0 : index
    %swap3A_215 = tpu.vector_load %arg20[%swap3A_214] {strides = array<i32>} : memref<64xi32, #tpu.memory_space<vmem>>, vector<16xi32>,
    tpu.vector_store %arg20[%swap3A_214], %add3A_213 {strides = array<i32>} : memref<64xi32, #tpu.memory_space<vmem>>, vector<16xi32>,
    %swap3A_216 = arith.constant 16 : index
    %swap3A_217 = tpu.vector_load %arg16[%swap3A_216] {strides = array<i32>} : memref<1024xi32, #tpu.memory_space<vmem>>, vector<16xi32>,
    tpu.vector_store %arg16[%swap3A_216], %broadcast_in_dim3A_3 {strides = array<i32>} : memref<1024xi32, #tpu.memory_space<vmem>>, vector<16xi32>,
    %get3A_218 = arith.constant 16 : index
    %get3A_219 = tpu.vector_load %arg15[%get3A_218] {strides = array<i32>} : memref<1024xi32, #tpu.memory_space<vmem>>, vector<16xi32>,
    %add3A_220 = arith.addi %broadcast_in_dim3A_3, %get3A_219 : vector<16xi32>
    %swap3A_221 = arith.constant 80 : index
    %swap3A_222 = tpu.vector_load %arg16[%swap3A_221] {strides = array<i32>} : memref<1024xi32, #tpu.memory_space<vmem>>, vector<16xi32>,
    tpu.vector_store %arg16[%swap3A_221], %add3A_220 {strides = array<i32>} : memref<1024xi32, #tpu.memory_space<vmem>>, vector<16xi32>,
    %get3A_223 = arith.constant 80 : index
    %get3A_224 = tpu.vector_load %arg15[%get3A_223] {strides = array<i32>} : memref<1024xi32, #tpu.memory_space<vmem>>, vector<16xi32>,
    %add3A_225 = arith.addi %add3A_220, %get3A_224 : vector<16xi32>
    %swap3A_226 = arith.constant 144 : index
    %swap3A_227 = tpu.vector_load %arg16[%swap3A_226] {strides = array<i32>} : memref<1024xi32, #tpu.memory_space<vmem>>, vector<16xi32>,
    tpu.vector_store %arg16[%swap3A_226], %add3A_225 {strides = array<i32>} : memref<1024xi32, #tpu.memory_space<vmem>>, vector<16xi32>,
    %get3A_228 = arith.constant 144 : index
    %get3A_229 = tpu.vector_load %arg15[%get3A_228] {strides = array<i32>} : memref<1024xi32, #tpu.memory_space<vmem>>, vector<16xi32>,
    %add3A_230 = arith.addi %add3A_225, %get3A_229 : vector<16xi32>
    %swap3A_231 = arith.constant 208 : index
    %swap3A_232 = tpu.vector_load %arg16[%swap3A_231] {strides = array<i32>} : memref<1024xi32, #tpu.memory_space<vmem>>, vector<16xi32>,
    tpu.vector_store %arg16[%swap3A_231], %add3A_230 {strides = array<i32>} : memref<1024xi32, #tpu.memory_space<vmem>>, vector<16xi32>,
    %get3A_233 = arith.constant 208 : index
    %get3A_234 = tpu.vector_load %arg15[%get3A_233] {strides = array<i32>} : memref<1024xi32, #tpu.memory_space<vmem>>, vector<16xi32>,
    %add3A_235 = arith.addi %add3A_230, %get3A_234 : vector<16xi32>
    %swap3A_236 = arith.constant 272 : index
    %swap3A_237 = tpu.vector_load %arg16[%swap3A_236] {strides = array<i32>} : memref<1024xi32, #tpu.memory_space<vmem>>, vector<16xi32>,
    tpu.vector_store %arg16[%swap3A_236], %add3A_235 {strides = array<i32>} : memref<1024xi32, #tpu.memory_space<vmem>>, vector<16xi32>,
    %get3A_238 = arith.constant 272 : index
    %get3A_239 = tpu.vector_load %arg15[%get3A_238] {strides = array<i32>} : memref<1024xi32, #tpu.memory_space<vmem>>, vector<16xi32>,
    %add3A_240 = arith.addi %add3A_235, %get3A_239 : vector<16xi32>
    %swap3A_241 = arith.constant 336 : index
    %swap3A_242 = tpu.vector_load %arg16[%swap3A_241] {strides = array<i32>} : memref<1024xi32, #tpu.memory_space<vmem>>, vector<16xi32>,
    tpu.vector_store %arg16[%swap3A_241], %add3A_240 {strides = array<i32>} : memref<1024xi32, #tpu.memory_space<vmem>>, vector<16xi32>,
    %get3A_243 = arith.constant 336 : index
    %get3A_244 = tpu.vector_load %arg15[%get3A_243] {strides = array<i32>} : memref<1024xi32, #tpu.memory_space<vmem>>, vector<16xi32>,
    %add3A_245 = arith.addi %add3A_240, %get3A_244 : vector<16xi32>
    %swap3A_246 = arith.constant 400 : index
    %swap3A_247 = tpu.vector_load %arg16[%swap3A_246] {strides = array<i32>} : memref<1024xi32, #tpu.memory_space<vmem>>, vector<16xi32>,
    tpu.vector_store %arg16[%swap3A_246], %add3A_245 {strides = array<i32>} : memref<1024xi32, #tpu.memory_space<vmem>>, vector<16xi32>,
    %get3A_248 = arith.constant 400 : index
    %get3A_249 = tpu.vector_load %arg15[%get3A_248] {strides = array<i32>} : memref<1024xi32, #tpu.memory_space<vmem>>, vector<16xi32>,
    %add3A_250 = arith.addi %add3A_245, %get3A_249 : vector<16xi32>
    %swap3A_251 = arith.constant 464 : index
    %swap3A_252 = tpu.vector_load %arg16[%swap3A_251] {strides = array<i32>} : memref<1024xi32, #tpu.memory_space<vmem>>, vector<16xi32>,
    tpu.vector_store %arg16[%swap3A_251], %add3A_250 {strides = array<i32>} : memref<1024xi32, #tpu.memory_space<vmem>>, vector<16xi32>,
    %get3A_253 = arith.constant 464 : index
    %get3A_254 = tpu.vector_load %arg15[%get3A_253] {strides = array<i32>} : memref<1024xi32, #tpu.memory_space<vmem>>, vector<16xi32>,
    %add3A_255 = arith.addi %add3A_250, %get3A_254 : vector<16xi32>
    %swap3A_256 = arith.constant 528 : index
    %swap3A_257 = tpu.vector_load %arg16[%swap3A_256] {strides = array<i32>} : memref<1024xi32, #tpu.memory_space<vmem>>, vector<16xi32>,
    tpu.vector_store %arg16[%swap3A_256], %add3A_255 {strides = array<i32>} : memref<1024xi32, #tpu.memory_space<vmem>>, vector<16xi32>,
    %get3A_258 = arith.constant 528 : index
    %get3A_259 = tpu.vector_load %arg15[%get3A_258] {strides = array<i32>} : memref<1024xi32, #tpu.memory_space<vmem>>, vector<16xi32>,
    %add3A_260 = arith.addi %add3A_255, %get3A_259 : vector<16xi32>
    %swap3A_261 = arith.constant 592 : index
    %swap3A_262 = tpu.vector_load %arg16[%swap3A_261] {strides = array<i32>} : memref<1024xi32, #tpu.memory_space<vmem>>, vector<16xi32>,
    tpu.vector_store %arg16[%swap3A_261], %add3A_260 {strides = array<i32>} : memref<1024xi32, #tpu.memory_space<vmem>>, vector<16xi32>,
    %get3A_263 = arith.constant 592 : index
    %get3A_264 = tpu.vector_load %arg15[%get3A_263] {strides = array<i32>} : memref<1024xi32, #tpu.memory_space<vmem>>, vector<16xi32>,
    %add3A_265 = arith.addi %add3A_260, %get3A_264 : vector<16xi32>
    %swap3A_266 = arith.constant 656 : index
    %swap3A_267 = tpu.vector_load %arg16[%swap3A_266] {strides = array<i32>} : memref<1024xi32, #tpu.memory_space<vmem>>, vector<16xi32>,
    tpu.vector_store %arg16[%swap3A_266], %add3A_265 {strides = array<i32>} : memref<1024xi32, #tpu.memory_space<vmem>>, vector<16xi32>,
    %get3A_268 = arith.constant 656 : index
    %get3A_269 = tpu.vector_load %arg15[%get3A_268] {strides = array<i32>} : memref<1024xi32, #tpu.memory_space<vmem>>, vector<16xi32>,
    %add3A_270 = arith.addi %add3A_265, %get3A_269 : vector<16xi32>
    %swap3A_271 = arith.constant 720 : index
    %swap3A_272 = tpu.vector_load %arg16[%swap3A_271] {strides = array<i32>} : memref<1024xi32, #tpu.memory_space<vmem>>, vector<16xi32>,
    tpu.vector_store %arg16[%swap3A_271], %add3A_270 {strides = array<i32>} : memref<1024xi32, #tpu.memory_space<vmem>>, vector<16xi32>,
    %get3A_273 = arith.constant 720 : index
    %get3A_274 = tpu.vector_load %arg15[%get3A_273] {strides = array<i32>} : memref<1024xi32, #tpu.memory_space<vmem>>, vector<16xi32>,
    %add3A_275 = arith.addi %add3A_270, %get3A_274 : vector<16xi32>
    %swap3A_276 = arith.constant 784 : index
    %swap3A_277 = tpu.vector_load %arg16[%swap3A_276] {strides = array<i32>} : memref<1024xi32, #tpu.memory_space<vmem>>, vector<16xi32>,
    tpu.vector_store %arg16[%swap3A_276], %add3A_275 {strides = array<i32>} : memref<1024xi32, #tpu.memory_space<vmem>>, vector<16xi32>,
    %get3A_278 = arith.constant 784 : index
    %get3A_279 = tpu.vector_load %arg15[%get3A_278] {strides = array<i32>} : memref<1024xi32, #tpu.memory_space<vmem>>, vector<16xi32>,
    %add3A_280 = arith.addi %add3A_275, %get3A_279 : vector<16xi32>
    %swap3A_281 = arith.constant 848 : index
    %swap3A_282 = tpu.vector_load %arg16[%swap3A_281] {strides = array<i32>} : memref<1024xi32, #tpu.memory_space<vmem>>, vector<16xi32>,
    tpu.vector_store %arg16[%swap3A_281], %add3A_280 {strides = array<i32>} : memref<1024xi32, #tpu.memory_space<vmem>>, vector<16xi32>,
    %get3A_283 = arith.constant 848 : index
    %get3A_284 = tpu.vector_load %arg15[%get3A_283] {strides = array<i32>} : memref<1024xi32, #tpu.memory_space<vmem>>, vector<16xi32>,
    %add3A_285 = arith.addi %add3A_280, %get3A_284 : vector<16xi32>
    %swap3A_286 = arith.constant 912 : index
    %swap3A_287 = tpu.vector_load %arg16[%swap3A_286] {strides = array<i32>} : memref<1024xi32, #tpu.memory_space<vmem>>, vector<16xi32>,
    tpu.vector_store %arg16[%swap3A_286], %add3A_285 {strides = array<i32>} : memref<1024xi32, #tpu.memory_space<vmem>>, vector<16xi32>,
    %get3A_288 = arith.constant 912 : index
    %get3A_289 = tpu.vector_load %arg15[%get3A_288] {strides = array<i32>} : memref<1024xi32, #tpu.memory_space<vmem>>, vector<16xi32>,
    %add3A_290 = arith.addi %add3A_285, %get3A_289 : vector<16xi32>
    %swap3A_291 = arith.constant 976 : index
    %swap3A_292 = tpu.vector_load %arg16[%swap3A_291] {strides = array<i32>} : memref<1024xi32, #tpu.memory_space<vmem>>, vector<16xi32>,
    tpu.vector_store %arg16[%swap3A_291], %add3A_290 {strides = array<i32>} : memref<1024xi32, #tpu.memory_space<vmem>>, vector<16xi32>,
    %get3A_293 = arith.constant 976 : index
    %get3A_294 = tpu.vector_load %arg15[%get3A_293] {strides = array<i32>} : memref<1024xi32, #tpu.memory_space<vmem>>, vector<16xi32>,
    %add3A_295 = arith.addi %add3A_290, %get3A_294 : vector<16xi32>
    %swap3A_296 = arith.constant 16 : index
    %swap3A_297 = tpu.vector_load %arg20[%swap3A_296] {strides = array<i32>} : memref<64xi32, #tpu.memory_space<vmem>>, vector<16xi32>,
    tpu.vector_store %arg20[%swap3A_296], %add3A_295 {strides = array<i32>} : memref<64xi32, #tpu.memory_space<vmem>>, vector<16xi32>,
    %swap3A_298 = arith.constant 32 : index
    %swap3A_299 = tpu.vector_load %arg16[%swap3A_298] {strides = array<i32>} : memref<1024xi32, #tpu.memory_space<vmem>>, vector<16xi32>,
    tpu.vector_store %arg16[%swap3A_298], %broadcast_in_dim3A_3 {strides = array<i32>} : memref<1024xi32, #tpu.memory_space<vmem>>, vector<16xi32>,
    %get3A_300 = arith.constant 32 : index
    %get3A_301 = tpu.vector_load %arg15[%get3A_300] {strides = array<i32>} : memref<1024xi32, #tpu.memory_space<vmem>>, vector<16xi32>,
    %add3A_302 = arith.addi %broadcast_in_dim3A_3, %get3A_301 : vector<16xi32>
    %swap3A_303 = arith.constant 96 : index
    %swap3A_304 = tpu.vector_load %arg16[%swap3A_303] {strides = array<i32>} : memref<1024xi32, #tpu.memory_space<vmem>>, vector<16xi32>,
    tpu.vector_store %arg16[%swap3A_303], %add3A_302 {strides = array<i32>} : memref<1024xi32, #tpu.memory_space<vmem>>, vector<16xi32>,
    %get3A_305 = arith.constant 96 : index
    %get3A_306 = tpu.vector_load %arg15[%get3A_305] {strides = array<i32>} : memref<1024xi32, #tpu.memory_space<vmem>>, vector<16xi32>,
    %add3A_307 = arith.addi %add3A_302, %get3A_306 : vector<16xi32>
    %swap3A_308 = arith.constant 160 : index
    %swap3A_309 = tpu.vector_load %arg16[%swap3A_308] {strides = array<i32>} : memref<1024xi32, #tpu.memory_space<vmem>>, vector<16xi32>,
    tpu.vector_store %arg16[%swap3A_308], %add3A_307 {strides = array<i32>} : memref<1024xi32, #tpu.memory_space<vmem>>, vector<16xi32>,
    %get3A_310 = arith.constant 160 : index
    %get3A_311 = tpu.vector_load %arg15[%get3A_310] {strides = array<i32>} : memref<1024xi32, #tpu.memory_space<vmem>>, vector<16xi32>,
    %add3A_312 = arith.addi %add3A_307, %get3A_311 : vector<16xi32>
    %swap3A_313 = arith.constant 224 : index
    %swap3A_314 = tpu.vector_load %arg16[%swap3A_313] {strides = array<i32>} : memref<1024xi32, #tpu.memory_space<vmem>>, vector<16xi32>,
    tpu.vector_store %arg16[%swap3A_313], %add3A_312 {strides = array<i32>} : memref<1024xi32, #tpu.memory_space<vmem>>, vector<16xi32>,
    %get3A_315 = arith.constant 224 : index
    %get3A_316 = tpu.vector_load %arg15[%get3A_315] {strides = array<i32>} : memref<1024xi32, #tpu.memory_space<vmem>>, vector<16xi32>,
    %add3A_317 = arith.addi %add3A_312, %get3A_316 : vector<16xi32>
    %swap3A_318 = arith.constant 288 : index
    %swap3A_319 = tpu.vector_load %arg16[%swap3A_318] {strides = array<i32>} : memref<1024xi32, #tpu.memory_space<vmem>>, vector<16xi32>,
    tpu.vector_store %arg16[%swap3A_318], %add3A_317 {strides = array<i32>} : memref<1024xi32, #tpu.memory_space<vmem>>, vector<16xi32>,
    %get3A_320 = arith.constant 288 : index
    %get3A_321 = tpu.vector_load %arg15[%get3A_320] {strides = array<i32>} : memref<1024xi32, #tpu.memory_space<vmem>>, vector<16xi32>,
    %add3A_322 = arith.addi %add3A_317, %get3A_321 : vector<16xi32>
    %swap3A_323 = arith.constant 352 : index
    %swap3A_324 = tpu.vector_load %arg16[%swap3A_323] {strides = array<i32>} : memref<1024xi32, #tpu.memory_space<vmem>>, vector<16xi32>,
    tpu.vector_store %arg16[%swap3A_323], %add3A_322 {strides = array<i32>} : memref<1024xi32, #tpu.memory_space<vmem>>, vector<16xi32>,
    %get3A_325 = arith.constant 352 : index
    %get3A_326 = tpu.vector_load %arg15[%get3A_325] {strides = array<i32>} : memref<1024xi32, #tpu.memory_space<vmem>>, vector<16xi32>,
    %add3A_327 = arith.addi %add3A_322, %get3A_326 : vector<16xi32>
    %swap3A_328 = arith.constant 416 : index
    %swap3A_329 = tpu.vector_load %arg16[%swap3A_328] {strides = array<i32>} : memref<1024xi32, #tpu.memory_space<vmem>>, vector<16xi32>,
    tpu.vector_store %arg16[%swap3A_328], %add3A_327 {strides = array<i32>} : memref<1024xi32, #tpu.memory_space<vmem>>, vector<16xi32>,
    %get3A_330 = arith.constant 416 : index
    %get3A_331 = tpu.vector_load %arg15[%get3A_330] {strides = array<i32>} : memref<1024xi32, #tpu.memory_space<vmem>>, vector<16xi32>,
    %add3A_332 = arith.addi %add3A_327, %get3A_331 : vector<16xi32>
    %swap3A_333 = arith.constant 480 : index
    %swap3A_334 = tpu.vector_load %arg16[%swap3A_333] {strides = array<i32>} : memref<1024xi32, #tpu.memory_space<vmem>>, vector<16xi32>,
    tpu.vector_store %arg16[%swap3A_333], %add3A_332 {strides = array<i32>} : memref<1024xi32, #tpu.memory_space<vmem>>, vector<16xi32>,
    %get3A_335 = arith.constant 480 : index
    %get3A_336 = tpu.vector_load %arg15[%get3A_335] {strides = array<i32>} : memref<1024xi32, #tpu.memory_space<vmem>>, vector<16xi32>,
    %add3A_337 = arith.addi %add3A_332, %get3A_336 : vector<16xi32>
    %swap3A_338 = arith.constant 544 : index
    %swap3A_339 = tpu.vector_load %arg16[%swap3A_338] {strides = array<i32>} : memref<1024xi32, #tpu.memory_space<vmem>>, vector<16xi32>,
    tpu.vector_store %arg16[%swap3A_338], %add3A_337 {strides = array<i32>} : memref<1024xi32, #tpu.memory_space<vmem>>, vector<16xi32>,
    %get3A_340 = arith.constant 544 : index
    %get3A_341 = tpu.vector_load %arg15[%get3A_340] {strides = array<i32>} : memref<1024xi32, #tpu.memory_space<vmem>>, vector<16xi32>,
    %add3A_342 = arith.addi %add3A_337, %get3A_341 : vector<16xi32>
    %swap3A_343 = arith.constant 608 : index
    %swap3A_344 = tpu.vector_load %arg16[%swap3A_343] {strides = array<i32>} : memref<1024xi32, #tpu.memory_space<vmem>>, vector<16xi32>,
    tpu.vector_store %arg16[%swap3A_343], %add3A_342 {strides = array<i32>} : memref<1024xi32, #tpu.memory_space<vmem>>, vector<16xi32>,
    %get3A_345 = arith.constant 608 : index
    %get3A_346 = tpu.vector_load %arg15[%get3A_345] {strides = array<i32>} : memref<1024xi32, #tpu.memory_space<vmem>>, vector<16xi32>,
    %add3A_347 = arith.addi %add3A_342, %get3A_346 : vector<16xi32>
    %swap3A_348 = arith.constant 672 : index
    %swap3A_349 = tpu.vector_load %arg16[%swap3A_348] {strides = array<i32>} : memref<1024xi32, #tpu.memory_space<vmem>>, vector<16xi32>,
    tpu.vector_store %arg16[%swap3A_348], %add3A_347 {strides = array<i32>} : memref<1024xi32, #tpu.memory_space<vmem>>, vector<16xi32>,
    %get3A_350 = arith.constant 672 : index
    %get3A_351 = tpu.vector_load %arg15[%get3A_350] {strides = array<i32>} : memref<1024xi32, #tpu.memory_space<vmem>>, vector<16xi32>,
    %add3A_352 = arith.addi %add3A_347, %get3A_351 : vector<16xi32>
    %swap3A_353 = arith.constant 736 : index
    %swap3A_354 = tpu.vector_load %arg16[%swap3A_353] {strides = array<i32>} : memref<1024xi32, #tpu.memory_space<vmem>>, vector<16xi32>,
    tpu.vector_store %arg16[%swap3A_353], %add3A_352 {strides = array<i32>} : memref<1024xi32, #tpu.memory_space<vmem>>, vector<16xi32>,
    %get3A_355 = arith.constant 736 : index
    %get3A_356 = tpu.vector_load %arg15[%get3A_355] {strides = array<i32>} : memref<1024xi32, #tpu.memory_space<vmem>>, vector<16xi32>,
    %add3A_357 = arith.addi %add3A_352, %get3A_356 : vector<16xi32>
    %swap3A_358 = arith.constant 800 : index
    %swap3A_359 = tpu.vector_load %arg16[%swap3A_358] {strides = array<i32>} : memref<1024xi32, #tpu.memory_space<vmem>>, vector<16xi32>,
    tpu.vector_store %arg16[%swap3A_358], %add3A_357 {strides = array<i32>} : memref<1024xi32, #tpu.memory_space<vmem>>, vector<16xi32>,
    %get3A_360 = arith.constant 800 : index
    %get3A_361 = tpu.vector_load %arg15[%get3A_360] {strides = array<i32>} : memref<1024xi32, #tpu.memory_space<vmem>>, vector<16xi32>,
    %add3A_362 = arith.addi %add3A_357, %get3A_361 : vector<16xi32>
    %swap3A_363 = arith.constant 864 : index
    %swap3A_364 = tpu.vector_load %arg16[%swap3A_363] {strides = array<i32>} : memref<1024xi32, #tpu.memory_space<vmem>>, vector<16xi32>,
    tpu.vector_store %arg16[%swap3A_363], %add3A_362 {strides = array<i32>} : memref<1024xi32, #tpu.memory_space<vmem>>, vector<16xi32>,
    %get3A_365 = arith.constant 864 : index
    %get3A_366 = tpu.vector_load %arg15[%get3A_365] {strides = array<i32>} : memref<1024xi32, #tpu.memory_space<vmem>>, vector<16xi32>,
    %add3A_367 = arith.addi %add3A_362, %get3A_366 : vector<16xi32>
    %swap3A_368 = arith.constant 928 : index
    %swap3A_369 = tpu.vector_load %arg16[%swap3A_368] {strides = array<i32>} : memref<1024xi32, #tpu.memory_space<vmem>>, vector<16xi32>,
    tpu.vector_store %arg16[%swap3A_368], %add3A_367 {strides = array<i32>} : memref<1024xi32, #tpu.memory_space<vmem>>, vector<16xi32>,
    %get3A_370 = arith.constant 928 : index
    %get3A_371 = tpu.vector_load %arg15[%get3A_370] {strides = array<i32>} : memref<1024xi32, #tpu.memory_space<vmem>>, vector<16xi32>,
    %add3A_372 = arith.addi %add3A_367, %get3A_371 : vector<16xi32>
    %swap3A_373 = arith.constant 992 : index
    %swap3A_374 = tpu.vector_load %arg16[%swap3A_373] {strides = array<i32>} : memref<1024xi32, #tpu.memory_space<vmem>>, vector<16xi32>,
    tpu.vector_store %arg16[%swap3A_373], %add3A_372 {strides = array<i32>} : memref<1024xi32, #tpu.memory_space<vmem>>, vector<16xi32>,
    %get3A_375 = arith.constant 992 : index
    %get3A_376 = tpu.vector_load %arg15[%get3A_375] {strides = array<i32>} : memref<1024xi32, #tpu.memory_space<vmem>>, vector<16xi32>,
    %add3A_377 = arith.addi %add3A_372, %get3A_376 : vector<16xi32>
    %swap3A_378 = arith.constant 32 : index
    %swap3A_379 = tpu.vector_load %arg20[%swap3A_378] {strides = array<i32>} : memref<64xi32, #tpu.memory_space<vmem>>, vector<16xi32>,
    tpu.vector_store %arg20[%swap3A_378], %add3A_377 {strides = array<i32>} : memref<64xi32, #tpu.memory_space<vmem>>, vector<16xi32>,
    %swap3A_380 = arith.constant 48 : index
    %swap3A_381 = tpu.vector_load %arg16[%swap3A_380] {strides = array<i32>} : memref<1024xi32, #tpu.memory_space<vmem>>, vector<16xi32>,
    tpu.vector_store %arg16[%swap3A_380], %broadcast_in_dim3A_3 {strides = array<i32>} : memref<1024xi32, #tpu.memory_space<vmem>>, vector<16xi32>,
    %get3A_382 = arith.constant 48 : index
    %get3A_383 = tpu.vector_load %arg15[%get3A_382] {strides = array<i32>} : memref<1024xi32, #tpu.memory_space<vmem>>, vector<16xi32>,
    %add3A_384 = arith.addi %broadcast_in_dim3A_3, %get3A_383 : vector<16xi32>
    %swap3A_385 = arith.constant 112 : index
    %swap3A_386 = tpu.vector_load %arg16[%swap3A_385] {strides = array<i32>} : memref<1024xi32, #tpu.memory_space<vmem>>, vector<16xi32>,
    tpu.vector_store %arg16[%swap3A_385], %add3A_384 {strides = array<i32>} : memref<1024xi32, #tpu.memory_space<vmem>>, vector<16xi32>,
    %get3A_387 = arith.constant 112 : index
    %get3A_388 = tpu.vector_load %arg15[%get3A_387] {strides = array<i32>} : memref<1024xi32, #tpu.memory_space<vmem>>, vector<16xi32>,
    %add3A_389 = arith.addi %add3A_384, %get3A_388 : vector<16xi32>
    %swap3A_390 = arith.constant 176 : index
    %swap3A_391 = tpu.vector_load %arg16[%swap3A_390] {strides = array<i32>} : memref<1024xi32, #tpu.memory_space<vmem>>, vector<16xi32>,
    tpu.vector_store %arg16[%swap3A_390], %add3A_389 {strides = array<i32>} : memref<1024xi32, #tpu.memory_space<vmem>>, vector<16xi32>,
    %get3A_392 = arith.constant 176 : index
    %get3A_393 = tpu.vector_load %arg15[%get3A_392] {strides = array<i32>} : memref<1024xi32, #tpu.memory_space<vmem>>, vector<16xi32>,
    %add3A_394 = arith.addi %add3A_389, %get3A_393 : vector<16xi32>
    %swap3A_395 = arith.constant 240 : index
    %swap3A_396 = tpu.vector_load %arg16[%swap3A_395] {strides = array<i32>} : memref<1024xi32, #tpu.memory_space<vmem>>, vector<16xi32>,
    tpu.vector_store %arg16[%swap3A_395], %add3A_394 {strides = array<i32>} : memref<1024xi32, #tpu.memory_space<vmem>>, vector<16xi32>,
    %get3A_397 = arith.constant 240 : index
    %get3A_398 = tpu.vector_load %arg15[%get3A_397] {strides = array<i32>} : memref<1024xi32, #tpu.memory_space<vmem>>, vector<16xi32>,
    %add3A_399 = arith.addi %add3A_394, %get3A_398 : vector<16xi32>
    %swap3A_400 = arith.constant 304 : index
    %swap3A_401 = tpu.vector_load %arg16[%swap3A_400] {strides = array<i32>} : memref<1024xi32, #tpu.memory_space<vmem>>, vector<16xi32>,
    tpu.vector_store %arg16[%swap3A_400], %add3A_399 {strides = array<i32>} : memref<1024xi32, #tpu.memory_space<vmem>>, vector<16xi32>,
    %get3A_402 = arith.constant 304 : index
    %get3A_403 = tpu.vector_load %arg15[%get3A_402] {strides = array<i32>} : memref<1024xi32, #tpu.memory_space<vmem>>, vector<16xi32>,
    %add3A_404 = arith.addi %add3A_399, %get3A_403 : vector<16xi32>
    %swap3A_405 = arith.constant 368 : index
    %swap3A_406 = tpu.vector_load %arg16[%swap3A_405] {strides = array<i32>} : memref<1024xi32, #tpu.memory_space<vmem>>, vector<16xi32>,
    tpu.vector_store %arg16[%swap3A_405], %add3A_404 {strides = array<i32>} : memref<1024xi32, #tpu.memory_space<vmem>>, vector<16xi32>,
    %get3A_407 = arith.constant 368 : index
    %get3A_408 = tpu.vector_load %arg15[%get3A_407] {strides = array<i32>} : memref<1024xi32, #tpu.memory_space<vmem>>, vector<16xi32>,
    %add3A_409 = arith.addi %add3A_404, %get3A_408 : vector<16xi32>
    %swap3A_410 = arith.constant 432 : index
    %swap3A_411 = tpu.vector_load %arg16[%swap3A_410] {strides = array<i32>} : memref<1024xi32, #tpu.memory_space<vmem>>, vector<16xi32>,
    tpu.vector_store %arg16[%swap3A_410], %add3A_409 {strides = array<i32>} : memref<1024xi32, #tpu.memory_space<vmem>>, vector<16xi32>,
    %get3A_412 = arith.constant 432 : index
    %get3A_413 = tpu.vector_load %arg15[%get3A_412] {strides = array<i32>} : memref<1024xi32, #tpu.memory_space<vmem>>, vector<16xi32>,
    %add3A_414 = arith.addi %add3A_409, %get3A_413 : vector<16xi32>
    %swap3A_415 = arith.constant 496 : index
    %swap3A_416 = tpu.vector_load %arg16[%swap3A_415] {strides = array<i32>} : memref<1024xi32, #tpu.memory_space<vmem>>, vector<16xi32>,
    tpu.vector_store %arg16[%swap3A_415], %add3A_414 {strides = array<i32>} : memref<1024xi32, #tpu.memory_space<vmem>>, vector<16xi32>,
    %get3A_417 = arith.constant 496 : index
    %get3A_418 = tpu.vector_load %arg15[%get3A_417] {strides = array<i32>} : memref<1024xi32, #tpu.memory_space<vmem>>, vector<16xi32>,
    %add3A_419 = arith.addi %add3A_414, %get3A_418 : vector<16xi32>
    %swap3A_420 = arith.constant 560 : index
    %swap3A_421 = tpu.vector_load %arg16[%swap3A_420] {strides = array<i32>} : memref<1024xi32, #tpu.memory_space<vmem>>, vector<16xi32>,
    tpu.vector_store %arg16[%swap3A_420], %add3A_419 {strides = array<i32>} : memref<1024xi32, #tpu.memory_space<vmem>>, vector<16xi32>,
    %get3A_422 = arith.constant 560 : index
    %get3A_423 = tpu.vector_load %arg15[%get3A_422] {strides = array<i32>} : memref<1024xi32, #tpu.memory_space<vmem>>, vector<16xi32>,
    %add3A_424 = arith.addi %add3A_419, %get3A_423 : vector<16xi32>
    %swap3A_425 = arith.constant 624 : index
    %swap3A_426 = tpu.vector_load %arg16[%swap3A_425] {strides = array<i32>} : memref<1024xi32, #tpu.memory_space<vmem>>, vector<16xi32>,
    tpu.vector_store %arg16[%swap3A_425], %add3A_424 {strides = array<i32>} : memref<1024xi32, #tpu.memory_space<vmem>>, vector<16xi32>,
    %get3A_427 = arith.constant 624 : index
    %get3A_428 = tpu.vector_load %arg15[%get3A_427] {strides = array<i32>} : memref<1024xi32, #tpu.memory_space<vmem>>, vector<16xi32>,
    %add3A_429 = arith.addi %add3A_424, %get3A_428 : vector<16xi32>
    %swap3A_430 = arith.constant 688 : index
    %swap3A_431 = tpu.vector_load %arg16[%swap3A_430] {strides = array<i32>} : memref<1024xi32, #tpu.memory_space<vmem>>, vector<16xi32>,
    tpu.vector_store %arg16[%swap3A_430], %add3A_429 {strides = array<i32>} : memref<1024xi32, #tpu.memory_space<vmem>>, vector<16xi32>,
    %get3A_432 = arith.constant 688 : index
    %get3A_433 = tpu.vector_load %arg15[%get3A_432] {strides = array<i32>} : memref<1024xi32, #tpu.memory_space<vmem>>, vector<16xi32>,
    %add3A_434 = arith.addi %add3A_429, %get3A_433 : vector<16xi32>
    %swap3A_435 = arith.constant 752 : index
    %swap3A_436 = tpu.vector_load %arg16[%swap3A_435] {strides = array<i32>} : memref<1024xi32, #tpu.memory_space<vmem>>, vector<16xi32>,
    tpu.vector_store %arg16[%swap3A_435], %add3A_434 {strides = array<i32>} : memref<1024xi32, #tpu.memory_space<vmem>>, vector<16xi32>,
    %get3A_437 = arith.constant 752 : index
    %get3A_438 = tpu.vector_load %arg15[%get3A_437] {strides = array<i32>} : memref<1024xi32, #tpu.memory_space<vmem>>, vector<16xi32>,
    %add3A_439 = arith.addi %add3A_434, %get3A_438 : vector<16xi32>
    %swap3A_440 = arith.constant 816 : index
    %swap3A_441 = tpu.vector_load %arg16[%swap3A_440] {strides = array<i32>} : memref<1024xi32, #tpu.memory_space<vmem>>, vector<16xi32>,
    tpu.vector_store %arg16[%swap3A_440], %add3A_439 {strides = array<i32>} : memref<1024xi32, #tpu.memory_space<vmem>>, vector<16xi32>,
    %get3A_442 = arith.constant 816 : index
    %get3A_443 = tpu.vector_load %arg15[%get3A_442] {strides = array<i32>} : memref<1024xi32, #tpu.memory_space<vmem>>, vector<16xi32>,
    %add3A_444 = arith.addi %add3A_439, %get3A_443 : vector<16xi32>
    %swap3A_445 = arith.constant 880 : index
    %swap3A_446 = tpu.vector_load %arg16[%swap3A_445] {strides = array<i32>} : memref<1024xi32, #tpu.memory_space<vmem>>, vector<16xi32>,
    tpu.vector_store %arg16[%swap3A_445], %add3A_444 {strides = array<i32>} : memref<1024xi32, #tpu.memory_space<vmem>>, vector<16xi32>,
    %get3A_447 = arith.constant 880 : index
    %get3A_448 = tpu.vector_load %arg15[%get3A_447] {strides = array<i32>} : memref<1024xi32, #tpu.memory_space<vmem>>, vector<16xi32>,
    %add3A_449 = arith.addi %add3A_444, %get3A_448 : vector<16xi32>
    %swap3A_450 = arith.constant 944 : index
    %swap3A_451 = tpu.vector_load %arg16[%swap3A_450] {strides = array<i32>} : memref<1024xi32, #tpu.memory_space<vmem>>, vector<16xi32>,
    tpu.vector_store %arg16[%swap3A_450], %add3A_449 {strides = array<i32>} : memref<1024xi32, #tpu.memory_space<vmem>>, vector<16xi32>,
    %get3A_452 = arith.constant 944 : index
    %get3A_453 = tpu.vector_load %arg15[%get3A_452] {strides = array<i32>} : memref<1024xi32, #tpu.memory_space<vmem>>, vector<16xi32>,
    %add3A_454 = arith.addi %add3A_449, %get3A_453 : vector<16xi32>
    %swap3A_455 = arith.constant 1008 : index
    %swap3A_456 = tpu.vector_load %arg16[%swap3A_455] {strides = array<i32>} : memref<1024xi32, #tpu.memory_space<vmem>>, vector<16xi32>,
    tpu.vector_store %arg16[%swap3A_455], %add3A_454 {strides = array<i32>} : memref<1024xi32, #tpu.memory_space<vmem>>, vector<16xi32>,
    %get3A_457 = arith.constant 1008 : index
    %get3A_458 = tpu.vector_load %arg15[%get3A_457] {strides = array<i32>} : memref<1024xi32, #tpu.memory_space<vmem>>, vector<16xi32>,
    %add3A_459 = arith.addi %add3A_454, %get3A_458 : vector<16xi32>
    %swap3A_460 = arith.constant 48 : index
    %swap3A_461 = tpu.vector_load %arg20[%swap3A_460] {strides = array<i32>} : memref<64xi32, #tpu.memory_space<vmem>>, vector<16xi32>,
    tpu.vector_store %arg20[%swap3A_460], %add3A_459 {strides = array<i32>} : memref<64xi32, #tpu.memory_space<vmem>>, vector<16xi32>,
    %mul3A_462 = arith.constant 64 : i32
    %mul3A_463 = arith.muli %arg1, %mul3A_462 : i32
    "tpu.region"() ({
      %run_scoped3A = tpu.sem_alloc : memref<!tpu.dma_semaphore, #tpu.memory_space<semaphore_mem>>
      %dma_start3A = tpu.memref_slice %arg22[%mul3A_463] : memref<1024xi32, #tpu.memory_space<vmem_shared>> -> memref<64xi32, #tpu.memory_space<vmem_shared>>
      %dma_start3A_1421 = tpu.memref_slice %arg22[%mul3A_463] : memref<1024xi32, #tpu.memory_space<vmem_shared>> -> memref<64xi32, #tpu.memory_space<vmem_shared>>
      tpu.enqueue_dma source(%arg20 : memref<64xi32, #tpu.memory_space<vmem>>) target(%dma_start3A_1421 : memref<64xi32, #tpu.memory_space<vmem_shared>>) target_semaphore(%run_scoped3A : memref<!tpu.dma_semaphore, #tpu.memory_space<semaphore_mem>>)
      %dma_wait3A = tpu.memref_slice %arg22[%mul3A_463] : memref<1024xi32, #tpu.memory_space<vmem_shared>> -> memref<64xi32, #tpu.memory_space<vmem_shared>>
      %dma_wait3A_1422 = tpu.memref_slice %arg22[%mul3A_463] : memref<1024xi32, #tpu.memory_space<vmem_shared>> -> memref<64xi32, #tpu.memory_space<vmem_shared>>
      tpu.wait_dma2 semaphore(%run_scoped3A : memref<!tpu.dma_semaphore, #tpu.memory_space<semaphore_mem>>) src(%arg20 : memref<64xi32, #tpu.memory_space<vmem>>) dst(%dma_wait3A_1422 : memref<64xi32, #tpu.memory_space<vmem_shared>>)
      tpu.yield
    }) : () -> ()
    %barrier3A = arith.constant 0 : index
    tpu.barrier barrier_id(%barrier3A)
    "tpu.region"() ({
      %run_scoped3A = tpu.sem_alloc : memref<!tpu.dma_semaphore, #tpu.memory_space<semaphore_mem>>
      tpu.enqueue_dma source(%arg22 : memref<1024xi32, #tpu.memory_space<vmem_shared>>) target(%arg21 : memref<1024xi32, #tpu.memory_space<vmem>>) target_semaphore(%run_scoped3A : memref<!tpu.dma_semaphore, #tpu.memory_space<semaphore_mem>>)
      tpu.wait_dma2 semaphore(%run_scoped3A : memref<!tpu.dma_semaphore, #tpu.memory_space<semaphore_mem>>) src(%arg22 : memref<1024xi32, #tpu.memory_space<vmem_shared>>) dst(%arg21 : memref<1024xi32, #tpu.memory_space<vmem>>)
      tpu.yield
    }) : () -> ()
    %get3A_464 = arith.constant 0 : index
    %get3A_465 = tpu.vector_load %arg21[%get3A_464] {strides = array<i32>} : memref<1024xi32, #tpu.memory_space<vmem>>, vector<16xi32>,
    %add3A_466 = arith.addi %broadcast_in_dim3A_3, %get3A_465 : vector<16xi32>
    %gt3A = arith.constant 0 : i32
    %gt3A_467 = arith.cmpi sgt, %arg1, %gt3A : i32
    %jit3A = arith.constant 0 : i32
    %broadcast_in_dim3A_468 = vector.broadcast %jit3A : i32 to vector<16xi32>
    %select_n3A = arith.select %gt3A_467, %get3A_465, %broadcast_in_dim3A_468 : vector<16xi32>
    %add3A_469 = arith.addi %broadcast_in_dim3A_3, %select_n3A : vector<16xi32>
    %get3A_470 = arith.constant 64 : index
    %get3A_471 = tpu.vector_load %arg21[%get3A_470] {strides = array<i32>} : memref<1024xi32, #tpu.memory_space<vmem>>, vector<16xi32>,
    %add3A_472 = arith.addi %add3A_466, %get3A_471 : vector<16xi32>
    %gt3A_473 = arith.constant 1 : i32
    %gt3A_474 = arith.cmpi sgt, %arg1, %gt3A_473 : i32
    %jit3A_475 = arith.constant 0 : i32
    %broadcast_in_dim3A_476 = vector.broadcast %jit3A_475 : i32 to vector<16xi32>
    %select_n3A_477 = arith.select %gt3A_474, %get3A_471, %broadcast_in_dim3A_476 : vector<16xi32>
    %add3A_478 = arith.addi %add3A_469, %select_n3A_477 : vector<16xi32>
    %get3A_479 = arith.constant 128 : index
    %get3A_480 = tpu.vector_load %arg21[%get3A_479] {strides = array<i32>} : memref<1024xi32, #tpu.memory_space<vmem>>, vector<16xi32>,
    %add3A_481 = arith.addi %add3A_472, %get3A_480 : vector<16xi32>
    %gt3A_482 = arith.constant 2 : i32
    %gt3A_483 = arith.cmpi sgt, %arg1, %gt3A_482 : i32
    %jit3A_484 = arith.constant 0 : i32
    %broadcast_in_dim3A_485 = vector.broadcast %jit3A_484 : i32 to vector<16xi32>
    %select_n3A_486 = arith.select %gt3A_483, %get3A_480, %broadcast_in_dim3A_485 : vector<16xi32>
    %add3A_487 = arith.addi %add3A_478, %select_n3A_486 : vector<16xi32>
    %get3A_488 = arith.constant 192 : index
    %get3A_489 = tpu.vector_load %arg21[%get3A_488] {strides = array<i32>} : memref<1024xi32, #tpu.memory_space<vmem>>, vector<16xi32>,
    %add3A_490 = arith.addi %add3A_481, %get3A_489 : vector<16xi32>
    %gt3A_491 = arith.constant 3 : i32
    %gt3A_492 = arith.cmpi sgt, %arg1, %gt3A_491 : i32
    %jit3A_493 = arith.constant 0 : i32
    %broadcast_in_dim3A_494 = vector.broadcast %jit3A_493 : i32 to vector<16xi32>
    %select_n3A_495 = arith.select %gt3A_492, %get3A_489, %broadcast_in_dim3A_494 : vector<16xi32>
    %add3A_496 = arith.addi %add3A_487, %select_n3A_495 : vector<16xi32>
    %get3A_497 = arith.constant 256 : index
    %get3A_498 = tpu.vector_load %arg21[%get3A_497] {strides = array<i32>} : memref<1024xi32, #tpu.memory_space<vmem>>, vector<16xi32>,
    %add3A_499 = arith.addi %add3A_490, %get3A_498 : vector<16xi32>
    %gt3A_500 = arith.constant 4 : i32
    %gt3A_501 = arith.cmpi sgt, %arg1, %gt3A_500 : i32
    %jit3A_502 = arith.constant 0 : i32
    %broadcast_in_dim3A_503 = vector.broadcast %jit3A_502 : i32 to vector<16xi32>
    %select_n3A_504 = arith.select %gt3A_501, %get3A_498, %broadcast_in_dim3A_503 : vector<16xi32>
    %add3A_505 = arith.addi %add3A_496, %select_n3A_504 : vector<16xi32>
    %get3A_506 = arith.constant 320 : index
    %get3A_507 = tpu.vector_load %arg21[%get3A_506] {strides = array<i32>} : memref<1024xi32, #tpu.memory_space<vmem>>, vector<16xi32>,
    %add3A_508 = arith.addi %add3A_499, %get3A_507 : vector<16xi32>
    %gt3A_509 = arith.constant 5 : i32
    %gt3A_510 = arith.cmpi sgt, %arg1, %gt3A_509 : i32
    %jit3A_511 = arith.constant 0 : i32
    %broadcast_in_dim3A_512 = vector.broadcast %jit3A_511 : i32 to vector<16xi32>
    %select_n3A_513 = arith.select %gt3A_510, %get3A_507, %broadcast_in_dim3A_512 : vector<16xi32>
    %add3A_514 = arith.addi %add3A_505, %select_n3A_513 : vector<16xi32>
    %get3A_515 = arith.constant 384 : index
    %get3A_516 = tpu.vector_load %arg21[%get3A_515] {strides = array<i32>} : memref<1024xi32, #tpu.memory_space<vmem>>, vector<16xi32>,
    %add3A_517 = arith.addi %add3A_508, %get3A_516 : vector<16xi32>
    %gt3A_518 = arith.constant 6 : i32
    %gt3A_519 = arith.cmpi sgt, %arg1, %gt3A_518 : i32
    %jit3A_520 = arith.constant 0 : i32
    %broadcast_in_dim3A_521 = vector.broadcast %jit3A_520 : i32 to vector<16xi32>
    %select_n3A_522 = arith.select %gt3A_519, %get3A_516, %broadcast_in_dim3A_521 : vector<16xi32>
    %add3A_523 = arith.addi %add3A_514, %select_n3A_522 : vector<16xi32>
    %get3A_524 = arith.constant 448 : index
    %get3A_525 = tpu.vector_load %arg21[%get3A_524] {strides = array<i32>} : memref<1024xi32, #tpu.memory_space<vmem>>, vector<16xi32>,
    %add3A_526 = arith.addi %add3A_517, %get3A_525 : vector<16xi32>
    %gt3A_527 = arith.constant 7 : i32
    %gt3A_528 = arith.cmpi sgt, %arg1, %gt3A_527 : i32
    %jit3A_529 = arith.constant 0 : i32
    %broadcast_in_dim3A_530 = vector.broadcast %jit3A_529 : i32 to vector<16xi32>
    %select_n3A_531 = arith.select %gt3A_528, %get3A_525, %broadcast_in_dim3A_530 : vector<16xi32>
    %add3A_532 = arith.addi %add3A_523, %select_n3A_531 : vector<16xi32>
    %get3A_533 = arith.constant 512 : index
    %get3A_534 = tpu.vector_load %arg21[%get3A_533] {strides = array<i32>} : memref<1024xi32, #tpu.memory_space<vmem>>, vector<16xi32>,
    %add3A_535 = arith.addi %add3A_526, %get3A_534 : vector<16xi32>
    %gt3A_536 = arith.constant 8 : i32
    %gt3A_537 = arith.cmpi sgt, %arg1, %gt3A_536 : i32
    %jit3A_538 = arith.constant 0 : i32
    %broadcast_in_dim3A_539 = vector.broadcast %jit3A_538 : i32 to vector<16xi32>
    %select_n3A_540 = arith.select %gt3A_537, %get3A_534, %broadcast_in_dim3A_539 : vector<16xi32>
    %add3A_541 = arith.addi %add3A_532, %select_n3A_540 : vector<16xi32>
    %get3A_542 = arith.constant 576 : index
    %get3A_543 = tpu.vector_load %arg21[%get3A_542] {strides = array<i32>} : memref<1024xi32, #tpu.memory_space<vmem>>, vector<16xi32>,
    %add3A_544 = arith.addi %add3A_535, %get3A_543 : vector<16xi32>
    %gt3A_545 = arith.constant 9 : i32
    %gt3A_546 = arith.cmpi sgt, %arg1, %gt3A_545 : i32
    %jit3A_547 = arith.constant 0 : i32
    %broadcast_in_dim3A_548 = vector.broadcast %jit3A_547 : i32 to vector<16xi32>
    %select_n3A_549 = arith.select %gt3A_546, %get3A_543, %broadcast_in_dim3A_548 : vector<16xi32>
    %add3A_550 = arith.addi %add3A_541, %select_n3A_549 : vector<16xi32>
    %get3A_551 = arith.constant 640 : index
    %get3A_552 = tpu.vector_load %arg21[%get3A_551] {strides = array<i32>} : memref<1024xi32, #tpu.memory_space<vmem>>, vector<16xi32>,
    %add3A_553 = arith.addi %add3A_544, %get3A_552 : vector<16xi32>
    %gt3A_554 = arith.constant 10 : i32
    %gt3A_555 = arith.cmpi sgt, %arg1, %gt3A_554 : i32
    %jit3A_556 = arith.constant 0 : i32
    %broadcast_in_dim3A_557 = vector.broadcast %jit3A_556 : i32 to vector<16xi32>
    %select_n3A_558 = arith.select %gt3A_555, %get3A_552, %broadcast_in_dim3A_557 : vector<16xi32>
    %add3A_559 = arith.addi %add3A_550, %select_n3A_558 : vector<16xi32>
    %get3A_560 = arith.constant 704 : index
    %get3A_561 = tpu.vector_load %arg21[%get3A_560] {strides = array<i32>} : memref<1024xi32, #tpu.memory_space<vmem>>, vector<16xi32>,
    %add3A_562 = arith.addi %add3A_553, %get3A_561 : vector<16xi32>
    %gt3A_563 = arith.constant 11 : i32
    %gt3A_564 = arith.cmpi sgt, %arg1, %gt3A_563 : i32
    %jit3A_565 = arith.constant 0 : i32
    %broadcast_in_dim3A_566 = vector.broadcast %jit3A_565 : i32 to vector<16xi32>
    %select_n3A_567 = arith.select %gt3A_564, %get3A_561, %broadcast_in_dim3A_566 : vector<16xi32>
    %add3A_568 = arith.addi %add3A_559, %select_n3A_567 : vector<16xi32>
    %get3A_569 = arith.constant 768 : index
    %get3A_570 = tpu.vector_load %arg21[%get3A_569] {strides = array<i32>} : memref<1024xi32, #tpu.memory_space<vmem>>, vector<16xi32>,
    %add3A_571 = arith.addi %add3A_562, %get3A_570 : vector<16xi32>
    %gt3A_572 = arith.constant 12 : i32
    %gt3A_573 = arith.cmpi sgt, %arg1, %gt3A_572 : i32
    %jit3A_574 = arith.constant 0 : i32
    %broadcast_in_dim3A_575 = vector.broadcast %jit3A_574 : i32 to vector<16xi32>
    %select_n3A_576 = arith.select %gt3A_573, %get3A_570, %broadcast_in_dim3A_575 : vector<16xi32>
    %add3A_577 = arith.addi %add3A_568, %select_n3A_576 : vector<16xi32>
    %get3A_578 = arith.constant 832 : index
    %get3A_579 = tpu.vector_load %arg21[%get3A_578] {strides = array<i32>} : memref<1024xi32, #tpu.memory_space<vmem>>, vector<16xi32>,
    %add3A_580 = arith.addi %add3A_571, %get3A_579 : vector<16xi32>
    %gt3A_581 = arith.constant 13 : i32
    %gt3A_582 = arith.cmpi sgt, %arg1, %gt3A_581 : i32
    %jit3A_583 = arith.constant 0 : i32
    %broadcast_in_dim3A_584 = vector.broadcast %jit3A_583 : i32 to vector<16xi32>
    %select_n3A_585 = arith.select %gt3A_582, %get3A_579, %broadcast_in_dim3A_584 : vector<16xi32>
    %add3A_586 = arith.addi %add3A_577, %select_n3A_585 : vector<16xi32>
    %get3A_587 = arith.constant 896 : index
    %get3A_588 = tpu.vector_load %arg21[%get3A_587] {strides = array<i32>} : memref<1024xi32, #tpu.memory_space<vmem>>, vector<16xi32>,
    %add3A_589 = arith.addi %add3A_580, %get3A_588 : vector<16xi32>
    %gt3A_590 = arith.constant 14 : i32
    %gt3A_591 = arith.cmpi sgt, %arg1, %gt3A_590 : i32
    %jit3A_592 = arith.constant 0 : i32
    %broadcast_in_dim3A_593 = vector.broadcast %jit3A_592 : i32 to vector<16xi32>
    %select_n3A_594 = arith.select %gt3A_591, %get3A_588, %broadcast_in_dim3A_593 : vector<16xi32>
    %add3A_595 = arith.addi %add3A_586, %select_n3A_594 : vector<16xi32>
    %get3A_596 = arith.constant 960 : index
    %get3A_597 = tpu.vector_load %arg21[%get3A_596] {strides = array<i32>} : memref<1024xi32, #tpu.memory_space<vmem>>, vector<16xi32>,
    %add3A_598 = arith.addi %add3A_589, %get3A_597 : vector<16xi32>
    %gt3A_599 = arith.constant 15 : i32
    %gt3A_600 = arith.cmpi sgt, %arg1, %gt3A_599 : i32
    %jit3A_601 = arith.constant 0 : i32
    %broadcast_in_dim3A_602 = vector.broadcast %jit3A_601 : i32 to vector<16xi32>
    %select_n3A_603 = arith.select %gt3A_600, %get3A_597, %broadcast_in_dim3A_602 : vector<16xi32>
    %add3A_604 = arith.addi %add3A_595, %select_n3A_603 : vector<16xi32>
    %swap3A_605 = arith.constant 0 : index
    %swap3A_606 = tpu.vector_load %arg20[%swap3A_605] {strides = array<i32>} : memref<64xi32, #tpu.memory_space<vmem>>, vector<16xi32>,
    tpu.vector_store %arg20[%swap3A_605], %add3A_598 {strides = array<i32>} : memref<64xi32, #tpu.memory_space<vmem>>, vector<16xi32>,
    %broadcast_in_dim3A_607 = arith.constant true
    %broadcast_in_dim3A_608 = vector.broadcast %broadcast_in_dim3A_607 : i1 to vector<16xi1>
    %masked_cumsum3A = tpu.scan <sum>, %add3A_598 masked %broadcast_in_dim3A_608 : vector<16xi32>, vector<16xi1> -> vector<16xi32>
    %sub3A = arith.subi %masked_cumsum3A, %add3A_598 : vector<16xi32>
    %add3A_609 = arith.constant 0 : i32
    %add3A_610 = vector.broadcast %add3A_609 : i32 to vector<16xi32>
    %add3A_611 = arith.addi %sub3A, %add3A_610 : vector<16xi32>
    %reduce_sum3A = arith.constant true
    %reduce_sum3A_612 = vector.broadcast %reduce_sum3A : i1 to vector<16xi1>
    %reduce_sum3A_613 = tpu.scan <sum>, %add3A_598 masked %reduce_sum3A_612 : vector<16xi32>, vector<16xi1> -> vector<16xi32>
    %reduce_sum3A_614 = vector.extract %reduce_sum3A_613[15] : i32 from vector<16xi32>
    %add3A_615 = arith.constant 0 : i32
    %add3A_616 = arith.addi %add3A_615, %reduce_sum3A_614 : i32
    %add3A_617 = arith.addi %add3A_611, %add3A_604 : vector<16xi32>
    %get3A_618 = arith.constant 0 : index
    %get3A_619 = tpu.vector_load %arg16[%get3A_618] {strides = array<i32>} : memref<1024xi32, #tpu.memory_space<vmem>>, vector<16xi32>,
    %add3A_620 = arith.addi %get3A_619, %add3A_617 : vector<16xi32>
    %swap3A_621 = arith.constant 0 : index
    %swap3A_622 = tpu.vector_load %arg16[%swap3A_621] {strides = array<i32>} : memref<1024xi32, #tpu.memory_space<vmem>>, vector<16xi32>,
    tpu.vector_store %arg16[%swap3A_621], %add3A_620 {strides = array<i32>} : memref<1024xi32, #tpu.memory_space<vmem>>, vector<16xi32>,
    %get3A_623 = arith.constant 64 : index
    %get3A_624 = tpu.vector_load %arg16[%get3A_623] {strides = array<i32>} : memref<1024xi32, #tpu.memory_space<vmem>>, vector<16xi32>,
    %add3A_625 = arith.addi %get3A_624, %add3A_617 : vector<16xi32>
    %swap3A_626 = arith.constant 64 : index
    %swap3A_627 = tpu.vector_load %arg16[%swap3A_626] {strides = array<i32>} : memref<1024xi32, #tpu.memory_space<vmem>>, vector<16xi32>,
    tpu.vector_store %arg16[%swap3A_626], %add3A_625 {strides = array<i32>} : memref<1024xi32, #tpu.memory_space<vmem>>, vector<16xi32>,
    %get3A_628 = arith.constant 128 : index
    %get3A_629 = tpu.vector_load %arg16[%get3A_628] {strides = array<i32>} : memref<1024xi32, #tpu.memory_space<vmem>>, vector<16xi32>,
    %add3A_630 = arith.addi %get3A_629, %add3A_617 : vector<16xi32>
    %swap3A_631 = arith.constant 128 : index
    %swap3A_632 = tpu.vector_load %arg16[%swap3A_631] {strides = array<i32>} : memref<1024xi32, #tpu.memory_space<vmem>>, vector<16xi32>,
    tpu.vector_store %arg16[%swap3A_631], %add3A_630 {strides = array<i32>} : memref<1024xi32, #tpu.memory_space<vmem>>, vector<16xi32>,
    %get3A_633 = arith.constant 192 : index
    %get3A_634 = tpu.vector_load %arg16[%get3A_633] {strides = array<i32>} : memref<1024xi32, #tpu.memory_space<vmem>>, vector<16xi32>,
    %add3A_635 = arith.addi %get3A_634, %add3A_617 : vector<16xi32>
    %swap3A_636 = arith.constant 192 : index
    %swap3A_637 = tpu.vector_load %arg16[%swap3A_636] {strides = array<i32>} : memref<1024xi32, #tpu.memory_space<vmem>>, vector<16xi32>,
    tpu.vector_store %arg16[%swap3A_636], %add3A_635 {strides = array<i32>} : memref<1024xi32, #tpu.memory_space<vmem>>, vector<16xi32>,
    %get3A_638 = arith.constant 256 : index
    %get3A_639 = tpu.vector_load %arg16[%get3A_638] {strides = array<i32>} : memref<1024xi32, #tpu.memory_space<vmem>>, vector<16xi32>,
    %add3A_640 = arith.addi %get3A_639, %add3A_617 : vector<16xi32>
    %swap3A_641 = arith.constant 256 : index
    %swap3A_642 = tpu.vector_load %arg16[%swap3A_641] {strides = array<i32>} : memref<1024xi32, #tpu.memory_space<vmem>>, vector<16xi32>,
    tpu.vector_store %arg16[%swap3A_641], %add3A_640 {strides = array<i32>} : memref<1024xi32, #tpu.memory_space<vmem>>, vector<16xi32>,
    %get3A_643 = arith.constant 320 : index
    %get3A_644 = tpu.vector_load %arg16[%get3A_643] {strides = array<i32>} : memref<1024xi32, #tpu.memory_space<vmem>>, vector<16xi32>,
    %add3A_645 = arith.addi %get3A_644, %add3A_617 : vector<16xi32>
    %swap3A_646 = arith.constant 320 : index
    %swap3A_647 = tpu.vector_load %arg16[%swap3A_646] {strides = array<i32>} : memref<1024xi32, #tpu.memory_space<vmem>>, vector<16xi32>,
    tpu.vector_store %arg16[%swap3A_646], %add3A_645 {strides = array<i32>} : memref<1024xi32, #tpu.memory_space<vmem>>, vector<16xi32>,
    %get3A_648 = arith.constant 384 : index
    %get3A_649 = tpu.vector_load %arg16[%get3A_648] {strides = array<i32>} : memref<1024xi32, #tpu.memory_space<vmem>>, vector<16xi32>,
    %add3A_650 = arith.addi %get3A_649, %add3A_617 : vector<16xi32>
    %swap3A_651 = arith.constant 384 : index
    %swap3A_652 = tpu.vector_load %arg16[%swap3A_651] {strides = array<i32>} : memref<1024xi32, #tpu.memory_space<vmem>>, vector<16xi32>,
    tpu.vector_store %arg16[%swap3A_651], %add3A_650 {strides = array<i32>} : memref<1024xi32, #tpu.memory_space<vmem>>, vector<16xi32>,
    %get3A_653 = arith.constant 448 : index
    %get3A_654 = tpu.vector_load %arg16[%get3A_653] {strides = array<i32>} : memref<1024xi32, #tpu.memory_space<vmem>>, vector<16xi32>,
    %add3A_655 = arith.addi %get3A_654, %add3A_617 : vector<16xi32>
    %swap3A_656 = arith.constant 448 : index
    %swap3A_657 = tpu.vector_load %arg16[%swap3A_656] {strides = array<i32>} : memref<1024xi32, #tpu.memory_space<vmem>>, vector<16xi32>,
    tpu.vector_store %arg16[%swap3A_656], %add3A_655 {strides = array<i32>} : memref<1024xi32, #tpu.memory_space<vmem>>, vector<16xi32>,
    %get3A_658 = arith.constant 512 : index
    %get3A_659 = tpu.vector_load %arg16[%get3A_658] {strides = array<i32>} : memref<1024xi32, #tpu.memory_space<vmem>>, vector<16xi32>,
    %add3A_660 = arith.addi %get3A_659, %add3A_617 : vector<16xi32>
    %swap3A_661 = arith.constant 512 : index
    %swap3A_662 = tpu.vector_load %arg16[%swap3A_661] {strides = array<i32>} : memref<1024xi32, #tpu.memory_space<vmem>>, vector<16xi32>,
    tpu.vector_store %arg16[%swap3A_661], %add3A_660 {strides = array<i32>} : memref<1024xi32, #tpu.memory_space<vmem>>, vector<16xi32>,
    %get3A_663 = arith.constant 576 : index
    %get3A_664 = tpu.vector_load %arg16[%get3A_663] {strides = array<i32>} : memref<1024xi32, #tpu.memory_space<vmem>>, vector<16xi32>,
    %add3A_665 = arith.addi %get3A_664, %add3A_617 : vector<16xi32>
    %swap3A_666 = arith.constant 576 : index
    %swap3A_667 = tpu.vector_load %arg16[%swap3A_666] {strides = array<i32>} : memref<1024xi32, #tpu.memory_space<vmem>>, vector<16xi32>,
    tpu.vector_store %arg16[%swap3A_666], %add3A_665 {strides = array<i32>} : memref<1024xi32, #tpu.memory_space<vmem>>, vector<16xi32>,
    %get3A_668 = arith.constant 640 : index
    %get3A_669 = tpu.vector_load %arg16[%get3A_668] {strides = array<i32>} : memref<1024xi32, #tpu.memory_space<vmem>>, vector<16xi32>,
    %add3A_670 = arith.addi %get3A_669, %add3A_617 : vector<16xi32>
    %swap3A_671 = arith.constant 640 : index
    %swap3A_672 = tpu.vector_load %arg16[%swap3A_671] {strides = array<i32>} : memref<1024xi32, #tpu.memory_space<vmem>>, vector<16xi32>,
    tpu.vector_store %arg16[%swap3A_671], %add3A_670 {strides = array<i32>} : memref<1024xi32, #tpu.memory_space<vmem>>, vector<16xi32>,
    %get3A_673 = arith.constant 704 : index
    %get3A_674 = tpu.vector_load %arg16[%get3A_673] {strides = array<i32>} : memref<1024xi32, #tpu.memory_space<vmem>>, vector<16xi32>,
    %add3A_675 = arith.addi %get3A_674, %add3A_617 : vector<16xi32>
    %swap3A_676 = arith.constant 704 : index
    %swap3A_677 = tpu.vector_load %arg16[%swap3A_676] {strides = array<i32>} : memref<1024xi32, #tpu.memory_space<vmem>>, vector<16xi32>,
    tpu.vector_store %arg16[%swap3A_676], %add3A_675 {strides = array<i32>} : memref<1024xi32, #tpu.memory_space<vmem>>, vector<16xi32>,
    %get3A_678 = arith.constant 768 : index
    %get3A_679 = tpu.vector_load %arg16[%get3A_678] {strides = array<i32>} : memref<1024xi32, #tpu.memory_space<vmem>>, vector<16xi32>,
    %add3A_680 = arith.addi %get3A_679, %add3A_617 : vector<16xi32>
    %swap3A_681 = arith.constant 768 : index
    %swap3A_682 = tpu.vector_load %arg16[%swap3A_681] {strides = array<i32>} : memref<1024xi32, #tpu.memory_space<vmem>>, vector<16xi32>,
    tpu.vector_store %arg16[%swap3A_681], %add3A_680 {strides = array<i32>} : memref<1024xi32, #tpu.memory_space<vmem>>, vector<16xi32>,
    %get3A_683 = arith.constant 832 : index
    %get3A_684 = tpu.vector_load %arg16[%get3A_683] {strides = array<i32>} : memref<1024xi32, #tpu.memory_space<vmem>>, vector<16xi32>,
    %add3A_685 = arith.addi %get3A_684, %add3A_617 : vector<16xi32>
    %swap3A_686 = arith.constant 832 : index
    %swap3A_687 = tpu.vector_load %arg16[%swap3A_686] {strides = array<i32>} : memref<1024xi32, #tpu.memory_space<vmem>>, vector<16xi32>,
    tpu.vector_store %arg16[%swap3A_686], %add3A_685 {strides = array<i32>} : memref<1024xi32, #tpu.memory_space<vmem>>, vector<16xi32>,
    %get3A_688 = arith.constant 896 : index
    %get3A_689 = tpu.vector_load %arg16[%get3A_688] {strides = array<i32>} : memref<1024xi32, #tpu.memory_space<vmem>>, vector<16xi32>,
    %add3A_690 = arith.addi %get3A_689, %add3A_617 : vector<16xi32>
    %swap3A_691 = arith.constant 896 : index
    %swap3A_692 = tpu.vector_load %arg16[%swap3A_691] {strides = array<i32>} : memref<1024xi32, #tpu.memory_space<vmem>>, vector<16xi32>,
    tpu.vector_store %arg16[%swap3A_691], %add3A_690 {strides = array<i32>} : memref<1024xi32, #tpu.memory_space<vmem>>, vector<16xi32>,
    %get3A_693 = arith.constant 960 : index
    %get3A_694 = tpu.vector_load %arg16[%get3A_693] {strides = array<i32>} : memref<1024xi32, #tpu.memory_space<vmem>>, vector<16xi32>,
    %add3A_695 = arith.addi %get3A_694, %add3A_617 : vector<16xi32>
    %swap3A_696 = arith.constant 960 : index
    %swap3A_697 = tpu.vector_load %arg16[%swap3A_696] {strides = array<i32>} : memref<1024xi32, #tpu.memory_space<vmem>>, vector<16xi32>,
    tpu.vector_store %arg16[%swap3A_696], %add3A_695 {strides = array<i32>} : memref<1024xi32, #tpu.memory_space<vmem>>, vector<16xi32>,
    %get3A_698 = arith.constant 16 : index
    %get3A_699 = tpu.vector_load %arg21[%get3A_698] {strides = array<i32>} : memref<1024xi32, #tpu.memory_space<vmem>>, vector<16xi32>,
    %add3A_700 = arith.addi %broadcast_in_dim3A_3, %get3A_699 : vector<16xi32>
    %gt3A_701 = arith.constant 0 : i32
    %gt3A_702 = arith.cmpi sgt, %arg1, %gt3A_701 : i32
    %jit3A_703 = arith.constant 0 : i32
    %broadcast_in_dim3A_704 = vector.broadcast %jit3A_703 : i32 to vector<16xi32>
    %select_n3A_705 = arith.select %gt3A_702, %get3A_699, %broadcast_in_dim3A_704 : vector<16xi32>
    %add3A_706 = arith.addi %broadcast_in_dim3A_3, %select_n3A_705 : vector<16xi32>
    %get3A_707 = arith.constant 80 : index
    %get3A_708 = tpu.vector_load %arg21[%get3A_707] {strides = array<i32>} : memref<1024xi32, #tpu.memory_space<vmem>>, vector<16xi32>,
    %add3A_709 = arith.addi %add3A_700, %get3A_708 : vector<16xi32>
    %gt3A_710 = arith.constant 1 : i32
    %gt3A_711 = arith.cmpi sgt, %arg1, %gt3A_710 : i32
    %jit3A_712 = arith.constant 0 : i32
    %broadcast_in_dim3A_713 = vector.broadcast %jit3A_712 : i32 to vector<16xi32>
    %select_n3A_714 = arith.select %gt3A_711, %get3A_708, %broadcast_in_dim3A_713 : vector<16xi32>
    %add3A_715 = arith.addi %add3A_706, %select_n3A_714 : vector<16xi32>
    %get3A_716 = arith.constant 144 : index
    %get3A_717 = tpu.vector_load %arg21[%get3A_716] {strides = array<i32>} : memref<1024xi32, #tpu.memory_space<vmem>>, vector<16xi32>,
    %add3A_718 = arith.addi %add3A_709, %get3A_717 : vector<16xi32>
    %gt3A_719 = arith.constant 2 : i32
    %gt3A_720 = arith.cmpi sgt, %arg1, %gt3A_719 : i32
    %jit3A_721 = arith.constant 0 : i32
    %broadcast_in_dim3A_722 = vector.broadcast %jit3A_721 : i32 to vector<16xi32>
    %select_n3A_723 = arith.select %gt3A_720, %get3A_717, %broadcast_in_dim3A_722 : vector<16xi32>
    %add3A_724 = arith.addi %add3A_715, %select_n3A_723 : vector<16xi32>
    %get3A_725 = arith.constant 208 : index
    %get3A_726 = tpu.vector_load %arg21[%get3A_725] {strides = array<i32>} : memref<1024xi32, #tpu.memory_space<vmem>>, vector<16xi32>,
    %add3A_727 = arith.addi %add3A_718, %get3A_726 : vector<16xi32>
    %gt3A_728 = arith.constant 3 : i32
    %gt3A_729 = arith.cmpi sgt, %arg1, %gt3A_728 : i32
    %jit3A_730 = arith.constant 0 : i32
    %broadcast_in_dim3A_731 = vector.broadcast %jit3A_730 : i32 to vector<16xi32>
    %select_n3A_732 = arith.select %gt3A_729, %get3A_726, %broadcast_in_dim3A_731 : vector<16xi32>
    %add3A_733 = arith.addi %add3A_724, %select_n3A_732 : vector<16xi32>
    %get3A_734 = arith.constant 272 : index
    %get3A_735 = tpu.vector_load %arg21[%get3A_734] {strides = array<i32>} : memref<1024xi32, #tpu.memory_space<vmem>>, vector<16xi32>,
    %add3A_736 = arith.addi %add3A_727, %get3A_735 : vector<16xi32>
    %gt3A_737 = arith.constant 4 : i32
    %gt3A_738 = arith.cmpi sgt, %arg1, %gt3A_737 : i32
    %jit3A_739 = arith.constant 0 : i32
    %broadcast_in_dim3A_740 = vector.broadcast %jit3A_739 : i32 to vector<16xi32>
    %select_n3A_741 = arith.select %gt3A_738, %get3A_735, %broadcast_in_dim3A_740 : vector<16xi32>
    %add3A_742 = arith.addi %add3A_733, %select_n3A_741 : vector<16xi32>
    %get3A_743 = arith.constant 336 : index
    %get3A_744 = tpu.vector_load %arg21[%get3A_743] {strides = array<i32>} : memref<1024xi32, #tpu.memory_space<vmem>>, vector<16xi32>,
    %add3A_745 = arith.addi %add3A_736, %get3A_744 : vector<16xi32>
    %gt3A_746 = arith.constant 5 : i32
    %gt3A_747 = arith.cmpi sgt, %arg1, %gt3A_746 : i32
    %jit3A_748 = arith.constant 0 : i32
    %broadcast_in_dim3A_749 = vector.broadcast %jit3A_748 : i32 to vector<16xi32>
    %select_n3A_750 = arith.select %gt3A_747, %get3A_744, %broadcast_in_dim3A_749 : vector<16xi32>
    %add3A_751 = arith.addi %add3A_742, %select_n3A_750 : vector<16xi32>
    %get3A_752 = arith.constant 400 : index
    %get3A_753 = tpu.vector_load %arg21[%get3A_752] {strides = array<i32>} : memref<1024xi32, #tpu.memory_space<vmem>>, vector<16xi32>,
    %add3A_754 = arith.addi %add3A_745, %get3A_753 : vector<16xi32>
    %gt3A_755 = arith.constant 6 : i32
    %gt3A_756 = arith.cmpi sgt, %arg1, %gt3A_755 : i32
    %jit3A_757 = arith.constant 0 : i32
    %broadcast_in_dim3A_758 = vector.broadcast %jit3A_757 : i32 to vector<16xi32>
    %select_n3A_759 = arith.select %gt3A_756, %get3A_753, %broadcast_in_dim3A_758 : vector<16xi32>
    %add3A_760 = arith.addi %add3A_751, %select_n3A_759 : vector<16xi32>
    %get3A_761 = arith.constant 464 : index
    %get3A_762 = tpu.vector_load %arg21[%get3A_761] {strides = array<i32>} : memref<1024xi32, #tpu.memory_space<vmem>>, vector<16xi32>,
    %add3A_763 = arith.addi %add3A_754, %get3A_762 : vector<16xi32>
    %gt3A_764 = arith.constant 7 : i32
    %gt3A_765 = arith.cmpi sgt, %arg1, %gt3A_764 : i32
    %jit3A_766 = arith.constant 0 : i32
    %broadcast_in_dim3A_767 = vector.broadcast %jit3A_766 : i32 to vector<16xi32>
    %select_n3A_768 = arith.select %gt3A_765, %get3A_762, %broadcast_in_dim3A_767 : vector<16xi32>
    %add3A_769 = arith.addi %add3A_760, %select_n3A_768 : vector<16xi32>
    %get3A_770 = arith.constant 528 : index
    %get3A_771 = tpu.vector_load %arg21[%get3A_770] {strides = array<i32>} : memref<1024xi32, #tpu.memory_space<vmem>>, vector<16xi32>,
    %add3A_772 = arith.addi %add3A_763, %get3A_771 : vector<16xi32>
    %gt3A_773 = arith.constant 8 : i32
    %gt3A_774 = arith.cmpi sgt, %arg1, %gt3A_773 : i32
    %jit3A_775 = arith.constant 0 : i32
    %broadcast_in_dim3A_776 = vector.broadcast %jit3A_775 : i32 to vector<16xi32>
    %select_n3A_777 = arith.select %gt3A_774, %get3A_771, %broadcast_in_dim3A_776 : vector<16xi32>
    %add3A_778 = arith.addi %add3A_769, %select_n3A_777 : vector<16xi32>
    %get3A_779 = arith.constant 592 : index
    %get3A_780 = tpu.vector_load %arg21[%get3A_779] {strides = array<i32>} : memref<1024xi32, #tpu.memory_space<vmem>>, vector<16xi32>,
    %add3A_781 = arith.addi %add3A_772, %get3A_780 : vector<16xi32>
    %gt3A_782 = arith.constant 9 : i32
    %gt3A_783 = arith.cmpi sgt, %arg1, %gt3A_782 : i32
    %jit3A_784 = arith.constant 0 : i32
    %broadcast_in_dim3A_785 = vector.broadcast %jit3A_784 : i32 to vector<16xi32>
    %select_n3A_786 = arith.select %gt3A_783, %get3A_780, %broadcast_in_dim3A_785 : vector<16xi32>
    %add3A_787 = arith.addi %add3A_778, %select_n3A_786 : vector<16xi32>
    %get3A_788 = arith.constant 656 : index
    %get3A_789 = tpu.vector_load %arg21[%get3A_788] {strides = array<i32>} : memref<1024xi32, #tpu.memory_space<vmem>>, vector<16xi32>,
    %add3A_790 = arith.addi %add3A_781, %get3A_789 : vector<16xi32>
    %gt3A_791 = arith.constant 10 : i32
    %gt3A_792 = arith.cmpi sgt, %arg1, %gt3A_791 : i32
    %jit3A_793 = arith.constant 0 : i32
    %broadcast_in_dim3A_794 = vector.broadcast %jit3A_793 : i32 to vector<16xi32>
    %select_n3A_795 = arith.select %gt3A_792, %get3A_789, %broadcast_in_dim3A_794 : vector<16xi32>
    %add3A_796 = arith.addi %add3A_787, %select_n3A_795 : vector<16xi32>
    %get3A_797 = arith.constant 720 : index
    %get3A_798 = tpu.vector_load %arg21[%get3A_797] {strides = array<i32>} : memref<1024xi32, #tpu.memory_space<vmem>>, vector<16xi32>,
    %add3A_799 = arith.addi %add3A_790, %get3A_798 : vector<16xi32>
    %gt3A_800 = arith.constant 11 : i32
    %gt3A_801 = arith.cmpi sgt, %arg1, %gt3A_800 : i32
    %jit3A_802 = arith.constant 0 : i32
    %broadcast_in_dim3A_803 = vector.broadcast %jit3A_802 : i32 to vector<16xi32>
    %select_n3A_804 = arith.select %gt3A_801, %get3A_798, %broadcast_in_dim3A_803 : vector<16xi32>
    %add3A_805 = arith.addi %add3A_796, %select_n3A_804 : vector<16xi32>
    %get3A_806 = arith.constant 784 : index
    %get3A_807 = tpu.vector_load %arg21[%get3A_806] {strides = array<i32>} : memref<1024xi32, #tpu.memory_space<vmem>>, vector<16xi32>,
    %add3A_808 = arith.addi %add3A_799, %get3A_807 : vector<16xi32>
    %gt3A_809 = arith.constant 12 : i32
    %gt3A_810 = arith.cmpi sgt, %arg1, %gt3A_809 : i32
    %jit3A_811 = arith.constant 0 : i32
    %broadcast_in_dim3A_812 = vector.broadcast %jit3A_811 : i32 to vector<16xi32>
    %select_n3A_813 = arith.select %gt3A_810, %get3A_807, %broadcast_in_dim3A_812 : vector<16xi32>
    %add3A_814 = arith.addi %add3A_805, %select_n3A_813 : vector<16xi32>
    %get3A_815 = arith.constant 848 : index
    %get3A_816 = tpu.vector_load %arg21[%get3A_815] {strides = array<i32>} : memref<1024xi32, #tpu.memory_space<vmem>>, vector<16xi32>,
    %add3A_817 = arith.addi %add3A_808, %get3A_816 : vector<16xi32>
    %gt3A_818 = arith.constant 13 : i32
    %gt3A_819 = arith.cmpi sgt, %arg1, %gt3A_818 : i32
    %jit3A_820 = arith.constant 0 : i32
    %broadcast_in_dim3A_821 = vector.broadcast %jit3A_820 : i32 to vector<16xi32>
    %select_n3A_822 = arith.select %gt3A_819, %get3A_816, %broadcast_in_dim3A_821 : vector<16xi32>
    %add3A_823 = arith.addi %add3A_814, %select_n3A_822 : vector<16xi32>
    %get3A_824 = arith.constant 912 : index
    %get3A_825 = tpu.vector_load %arg21[%get3A_824] {strides = array<i32>} : memref<1024xi32, #tpu.memory_space<vmem>>, vector<16xi32>,
    %add3A_826 = arith.addi %add3A_817, %get3A_825 : vector<16xi32>
    %gt3A_827 = arith.constant 14 : i32
    %gt3A_828 = arith.cmpi sgt, %arg1, %gt3A_827 : i32
    %jit3A_829 = arith.constant 0 : i32
    %broadcast_in_dim3A_830 = vector.broadcast %jit3A_829 : i32 to vector<16xi32>
    %select_n3A_831 = arith.select %gt3A_828, %get3A_825, %broadcast_in_dim3A_830 : vector<16xi32>
    %add3A_832 = arith.addi %add3A_823, %select_n3A_831 : vector<16xi32>
    %get3A_833 = arith.constant 976 : index
    %get3A_834 = tpu.vector_load %arg21[%get3A_833] {strides = array<i32>} : memref<1024xi32, #tpu.memory_space<vmem>>, vector<16xi32>,
    %add3A_835 = arith.addi %add3A_826, %get3A_834 : vector<16xi32>
    %gt3A_836 = arith.constant 15 : i32
    %gt3A_837 = arith.cmpi sgt, %arg1, %gt3A_836 : i32
    %jit3A_838 = arith.constant 0 : i32
    %broadcast_in_dim3A_839 = vector.broadcast %jit3A_838 : i32 to vector<16xi32>
    %select_n3A_840 = arith.select %gt3A_837, %get3A_834, %broadcast_in_dim3A_839 : vector<16xi32>
    %add3A_841 = arith.addi %add3A_832, %select_n3A_840 : vector<16xi32>
    %swap3A_842 = arith.constant 16 : index
    %swap3A_843 = tpu.vector_load %arg20[%swap3A_842] {strides = array<i32>} : memref<64xi32, #tpu.memory_space<vmem>>, vector<16xi32>,
    tpu.vector_store %arg20[%swap3A_842], %add3A_835 {strides = array<i32>} : memref<64xi32, #tpu.memory_space<vmem>>, vector<16xi32>,
    %broadcast_in_dim3A_844 = arith.constant true
    %broadcast_in_dim3A_845 = vector.broadcast %broadcast_in_dim3A_844 : i1 to vector<16xi1>
    %masked_cumsum3A_846 = tpu.scan <sum>, %add3A_835 masked %broadcast_in_dim3A_845 : vector<16xi32>, vector<16xi1> -> vector<16xi32>
    %sub3A_847 = arith.subi %masked_cumsum3A_846, %add3A_835 : vector<16xi32>
    %add3A_848 = vector.broadcast %add3A_616 : i32 to vector<16xi32>
    %add3A_849 = arith.addi %sub3A_847, %add3A_848 : vector<16xi32>
    %reduce_sum3A_850 = arith.constant true
    %reduce_sum3A_851 = vector.broadcast %reduce_sum3A_850 : i1 to vector<16xi1>
    %reduce_sum3A_852 = tpu.scan <sum>, %add3A_835 masked %reduce_sum3A_851 : vector<16xi32>, vector<16xi1> -> vector<16xi32>
    %reduce_sum3A_853 = vector.extract %reduce_sum3A_852[15] : i32 from vector<16xi32>
    %add3A_854 = arith.addi %add3A_616, %reduce_sum3A_853 : i32
    %add3A_855 = arith.addi %add3A_849, %add3A_841 : vector<16xi32>
    %get3A_856 = arith.constant 16 : index
    %get3A_857 = tpu.vector_load %arg16[%get3A_856] {strides = array<i32>} : memref<1024xi32, #tpu.memory_space<vmem>>, vector<16xi32>,
    %add3A_858 = arith.addi %get3A_857, %add3A_855 : vector<16xi32>
    %swap3A_859 = arith.constant 16 : index
    %swap3A_860 = tpu.vector_load %arg16[%swap3A_859] {strides = array<i32>} : memref<1024xi32, #tpu.memory_space<vmem>>, vector<16xi32>,
    tpu.vector_store %arg16[%swap3A_859], %add3A_858 {strides = array<i32>} : memref<1024xi32, #tpu.memory_space<vmem>>, vector<16xi32>,
    %get3A_861 = arith.constant 80 : index
    %get3A_862 = tpu.vector_load %arg16[%get3A_861] {strides = array<i32>} : memref<1024xi32, #tpu.memory_space<vmem>>, vector<16xi32>,
    %add3A_863 = arith.addi %get3A_862, %add3A_855 : vector<16xi32>
    %swap3A_864 = arith.constant 80 : index
    %swap3A_865 = tpu.vector_load %arg16[%swap3A_864] {strides = array<i32>} : memref<1024xi32, #tpu.memory_space<vmem>>, vector<16xi32>,
    tpu.vector_store %arg16[%swap3A_864], %add3A_863 {strides = array<i32>} : memref<1024xi32, #tpu.memory_space<vmem>>, vector<16xi32>,
    %get3A_866 = arith.constant 144 : index
    %get3A_867 = tpu.vector_load %arg16[%get3A_866] {strides = array<i32>} : memref<1024xi32, #tpu.memory_space<vmem>>, vector<16xi32>,
    %add3A_868 = arith.addi %get3A_867, %add3A_855 : vector<16xi32>
    %swap3A_869 = arith.constant 144 : index
    %swap3A_870 = tpu.vector_load %arg16[%swap3A_869] {strides = array<i32>} : memref<1024xi32, #tpu.memory_space<vmem>>, vector<16xi32>,
    tpu.vector_store %arg16[%swap3A_869], %add3A_868 {strides = array<i32>} : memref<1024xi32, #tpu.memory_space<vmem>>, vector<16xi32>,
    %get3A_871 = arith.constant 208 : index
    %get3A_872 = tpu.vector_load %arg16[%get3A_871] {strides = array<i32>} : memref<1024xi32, #tpu.memory_space<vmem>>, vector<16xi32>,
    %add3A_873 = arith.addi %get3A_872, %add3A_855 : vector<16xi32>
    %swap3A_874 = arith.constant 208 : index
    %swap3A_875 = tpu.vector_load %arg16[%swap3A_874] {strides = array<i32>} : memref<1024xi32, #tpu.memory_space<vmem>>, vector<16xi32>,
    tpu.vector_store %arg16[%swap3A_874], %add3A_873 {strides = array<i32>} : memref<1024xi32, #tpu.memory_space<vmem>>, vector<16xi32>,
    %get3A_876 = arith.constant 272 : index
    %get3A_877 = tpu.vector_load %arg16[%get3A_876] {strides = array<i32>} : memref<1024xi32, #tpu.memory_space<vmem>>, vector<16xi32>,
    %add3A_878 = arith.addi %get3A_877, %add3A_855 : vector<16xi32>
    %swap3A_879 = arith.constant 272 : index
    %swap3A_880 = tpu.vector_load %arg16[%swap3A_879] {strides = array<i32>} : memref<1024xi32, #tpu.memory_space<vmem>>, vector<16xi32>,
    tpu.vector_store %arg16[%swap3A_879], %add3A_878 {strides = array<i32>} : memref<1024xi32, #tpu.memory_space<vmem>>, vector<16xi32>,
    %get3A_881 = arith.constant 336 : index
    %get3A_882 = tpu.vector_load %arg16[%get3A_881] {strides = array<i32>} : memref<1024xi32, #tpu.memory_space<vmem>>, vector<16xi32>,
    %add3A_883 = arith.addi %get3A_882, %add3A_855 : vector<16xi32>
    %swap3A_884 = arith.constant 336 : index
    %swap3A_885 = tpu.vector_load %arg16[%swap3A_884] {strides = array<i32>} : memref<1024xi32, #tpu.memory_space<vmem>>, vector<16xi32>,
    tpu.vector_store %arg16[%swap3A_884], %add3A_883 {strides = array<i32>} : memref<1024xi32, #tpu.memory_space<vmem>>, vector<16xi32>,
    %get3A_886 = arith.constant 400 : index
    %get3A_887 = tpu.vector_load %arg16[%get3A_886] {strides = array<i32>} : memref<1024xi32, #tpu.memory_space<vmem>>, vector<16xi32>,
    %add3A_888 = arith.addi %get3A_887, %add3A_855 : vector<16xi32>
    %swap3A_889 = arith.constant 400 : index
    %swap3A_890 = tpu.vector_load %arg16[%swap3A_889] {strides = array<i32>} : memref<1024xi32, #tpu.memory_space<vmem>>, vector<16xi32>,
    tpu.vector_store %arg16[%swap3A_889], %add3A_888 {strides = array<i32>} : memref<1024xi32, #tpu.memory_space<vmem>>, vector<16xi32>,
    %get3A_891 = arith.constant 464 : index
    %get3A_892 = tpu.vector_load %arg16[%get3A_891] {strides = array<i32>} : memref<1024xi32, #tpu.memory_space<vmem>>, vector<16xi32>,
    %add3A_893 = arith.addi %get3A_892, %add3A_855 : vector<16xi32>
    %swap3A_894 = arith.constant 464 : index
    %swap3A_895 = tpu.vector_load %arg16[%swap3A_894] {strides = array<i32>} : memref<1024xi32, #tpu.memory_space<vmem>>, vector<16xi32>,
    tpu.vector_store %arg16[%swap3A_894], %add3A_893 {strides = array<i32>} : memref<1024xi32, #tpu.memory_space<vmem>>, vector<16xi32>,
    %get3A_896 = arith.constant 528 : index
    %get3A_897 = tpu.vector_load %arg16[%get3A_896] {strides = array<i32>} : memref<1024xi32, #tpu.memory_space<vmem>>, vector<16xi32>,
    %add3A_898 = arith.addi %get3A_897, %add3A_855 : vector<16xi32>
    %swap3A_899 = arith.constant 528 : index
    %swap3A_900 = tpu.vector_load %arg16[%swap3A_899] {strides = array<i32>} : memref<1024xi32, #tpu.memory_space<vmem>>, vector<16xi32>,
    tpu.vector_store %arg16[%swap3A_899], %add3A_898 {strides = array<i32>} : memref<1024xi32, #tpu.memory_space<vmem>>, vector<16xi32>,
    %get3A_901 = arith.constant 592 : index
    %get3A_902 = tpu.vector_load %arg16[%get3A_901] {strides = array<i32>} : memref<1024xi32, #tpu.memory_space<vmem>>, vector<16xi32>,
    %add3A_903 = arith.addi %get3A_902, %add3A_855 : vector<16xi32>
    %swap3A_904 = arith.constant 592 : index
    %swap3A_905 = tpu.vector_load %arg16[%swap3A_904] {strides = array<i32>} : memref<1024xi32, #tpu.memory_space<vmem>>, vector<16xi32>,
    tpu.vector_store %arg16[%swap3A_904], %add3A_903 {strides = array<i32>} : memref<1024xi32, #tpu.memory_space<vmem>>, vector<16xi32>,
    %get3A_906 = arith.constant 656 : index
    %get3A_907 = tpu.vector_load %arg16[%get3A_906] {strides = array<i32>} : memref<1024xi32, #tpu.memory_space<vmem>>, vector<16xi32>,
    %add3A_908 = arith.addi %get3A_907, %add3A_855 : vector<16xi32>
    %swap3A_909 = arith.constant 656 : index
    %swap3A_910 = tpu.vector_load %arg16[%swap3A_909] {strides = array<i32>} : memref<1024xi32, #tpu.memory_space<vmem>>, vector<16xi32>,
    tpu.vector_store %arg16[%swap3A_909], %add3A_908 {strides = array<i32>} : memref<1024xi32, #tpu.memory_space<vmem>>, vector<16xi32>,
    %get3A_911 = arith.constant 720 : index
    %get3A_912 = tpu.vector_load %arg16[%get3A_911] {strides = array<i32>} : memref<1024xi32, #tpu.memory_space<vmem>>, vector<16xi32>,
    %add3A_913 = arith.addi %get3A_912, %add3A_855 : vector<16xi32>
    %swap3A_914 = arith.constant 720 : index
    %swap3A_915 = tpu.vector_load %arg16[%swap3A_914] {strides = array<i32>} : memref<1024xi32, #tpu.memory_space<vmem>>, vector<16xi32>,
    tpu.vector_store %arg16[%swap3A_914], %add3A_913 {strides = array<i32>} : memref<1024xi32, #tpu.memory_space<vmem>>, vector<16xi32>,
    %get3A_916 = arith.constant 784 : index
    %get3A_917 = tpu.vector_load %arg16[%get3A_916] {strides = array<i32>} : memref<1024xi32, #tpu.memory_space<vmem>>, vector<16xi32>,
    %add3A_918 = arith.addi %get3A_917, %add3A_855 : vector<16xi32>
    %swap3A_919 = arith.constant 784 : index
    %swap3A_920 = tpu.vector_load %arg16[%swap3A_919] {strides = array<i32>} : memref<1024xi32, #tpu.memory_space<vmem>>, vector<16xi32>,
    tpu.vector_store %arg16[%swap3A_919], %add3A_918 {strides = array<i32>} : memref<1024xi32, #tpu.memory_space<vmem>>, vector<16xi32>,
    %get3A_921 = arith.constant 848 : index
    %get3A_922 = tpu.vector_load %arg16[%get3A_921] {strides = array<i32>} : memref<1024xi32, #tpu.memory_space<vmem>>, vector<16xi32>,
    %add3A_923 = arith.addi %get3A_922, %add3A_855 : vector<16xi32>
    %swap3A_924 = arith.constant 848 : index
    %swap3A_925 = tpu.vector_load %arg16[%swap3A_924] {strides = array<i32>} : memref<1024xi32, #tpu.memory_space<vmem>>, vector<16xi32>,
    tpu.vector_store %arg16[%swap3A_924], %add3A_923 {strides = array<i32>} : memref<1024xi32, #tpu.memory_space<vmem>>, vector<16xi32>,
    %get3A_926 = arith.constant 912 : index
    %get3A_927 = tpu.vector_load %arg16[%get3A_926] {strides = array<i32>} : memref<1024xi32, #tpu.memory_space<vmem>>, vector<16xi32>,
    %add3A_928 = arith.addi %get3A_927, %add3A_855 : vector<16xi32>
    %swap3A_929 = arith.constant 912 : index
    %swap3A_930 = tpu.vector_load %arg16[%swap3A_929] {strides = array<i32>} : memref<1024xi32, #tpu.memory_space<vmem>>, vector<16xi32>,
    tpu.vector_store %arg16[%swap3A_929], %add3A_928 {strides = array<i32>} : memref<1024xi32, #tpu.memory_space<vmem>>, vector<16xi32>,
    %get3A_931 = arith.constant 976 : index
    %get3A_932 = tpu.vector_load %arg16[%get3A_931] {strides = array<i32>} : memref<1024xi32, #tpu.memory_space<vmem>>, vector<16xi32>,
    %add3A_933 = arith.addi %get3A_932, %add3A_855 : vector<16xi32>
    %swap3A_934 = arith.constant 976 : index
    %swap3A_935 = tpu.vector_load %arg16[%swap3A_934] {strides = array<i32>} : memref<1024xi32, #tpu.memory_space<vmem>>, vector<16xi32>,
    tpu.vector_store %arg16[%swap3A_934], %add3A_933 {strides = array<i32>} : memref<1024xi32, #tpu.memory_space<vmem>>, vector<16xi32>,
    %get3A_936 = arith.constant 32 : index
    %get3A_937 = tpu.vector_load %arg21[%get3A_936] {strides = array<i32>} : memref<1024xi32, #tpu.memory_space<vmem>>, vector<16xi32>,
    %add3A_938 = arith.addi %broadcast_in_dim3A_3, %get3A_937 : vector<16xi32>
    %gt3A_939 = arith.constant 0 : i32
    %gt3A_940 = arith.cmpi sgt, %arg1, %gt3A_939 : i32
    %jit3A_941 = arith.constant 0 : i32
    %broadcast_in_dim3A_942 = vector.broadcast %jit3A_941 : i32 to vector<16xi32>
    %select_n3A_943 = arith.select %gt3A_940, %get3A_937, %broadcast_in_dim3A_942 : vector<16xi32>
    %add3A_944 = arith.addi %broadcast_in_dim3A_3, %select_n3A_943 : vector<16xi32>
    %get3A_945 = arith.constant 96 : index
    %get3A_946 = tpu.vector_load %arg21[%get3A_945] {strides = array<i32>} : memref<1024xi32, #tpu.memory_space<vmem>>, vector<16xi32>,
    %add3A_947 = arith.addi %add3A_938, %get3A_946 : vector<16xi32>
    %gt3A_948 = arith.constant 1 : i32
    %gt3A_949 = arith.cmpi sgt, %arg1, %gt3A_948 : i32
    %jit3A_950 = arith.constant 0 : i32
    %broadcast_in_dim3A_951 = vector.broadcast %jit3A_950 : i32 to vector<16xi32>
    %select_n3A_952 = arith.select %gt3A_949, %get3A_946, %broadcast_in_dim3A_951 : vector<16xi32>
    %add3A_953 = arith.addi %add3A_944, %select_n3A_952 : vector<16xi32>
    %get3A_954 = arith.constant 160 : index
    %get3A_955 = tpu.vector_load %arg21[%get3A_954] {strides = array<i32>} : memref<1024xi32, #tpu.memory_space<vmem>>, vector<16xi32>,
    %add3A_956 = arith.addi %add3A_947, %get3A_955 : vector<16xi32>
    %gt3A_957 = arith.constant 2 : i32
    %gt3A_958 = arith.cmpi sgt, %arg1, %gt3A_957 : i32
    %jit3A_959 = arith.constant 0 : i32
    %broadcast_in_dim3A_960 = vector.broadcast %jit3A_959 : i32 to vector<16xi32>
    %select_n3A_961 = arith.select %gt3A_958, %get3A_955, %broadcast_in_dim3A_960 : vector<16xi32>
    %add3A_962 = arith.addi %add3A_953, %select_n3A_961 : vector<16xi32>
    %get3A_963 = arith.constant 224 : index
    %get3A_964 = tpu.vector_load %arg21[%get3A_963] {strides = array<i32>} : memref<1024xi32, #tpu.memory_space<vmem>>, vector<16xi32>,
    %add3A_965 = arith.addi %add3A_956, %get3A_964 : vector<16xi32>
    %gt3A_966 = arith.constant 3 : i32
    %gt3A_967 = arith.cmpi sgt, %arg1, %gt3A_966 : i32
    %jit3A_968 = arith.constant 0 : i32
    %broadcast_in_dim3A_969 = vector.broadcast %jit3A_968 : i32 to vector<16xi32>
    %select_n3A_970 = arith.select %gt3A_967, %get3A_964, %broadcast_in_dim3A_969 : vector<16xi32>
    %add3A_971 = arith.addi %add3A_962, %select_n3A_970 : vector<16xi32>
    %get3A_972 = arith.constant 288 : index
    %get3A_973 = tpu.vector_load %arg21[%get3A_972] {strides = array<i32>} : memref<1024xi32, #tpu.memory_space<vmem>>, vector<16xi32>,
    %add3A_974 = arith.addi %add3A_965, %get3A_973 : vector<16xi32>
    %gt3A_975 = arith.constant 4 : i32
    %gt3A_976 = arith.cmpi sgt, %arg1, %gt3A_975 : i32
    %jit3A_977 = arith.constant 0 : i32
    %broadcast_in_dim3A_978 = vector.broadcast %jit3A_977 : i32 to vector<16xi32>
    %select_n3A_979 = arith.select %gt3A_976, %get3A_973, %broadcast_in_dim3A_978 : vector<16xi32>
    %add3A_980 = arith.addi %add3A_971, %select_n3A_979 : vector<16xi32>
    %get3A_981 = arith.constant 352 : index
    %get3A_982 = tpu.vector_load %arg21[%get3A_981] {strides = array<i32>} : memref<1024xi32, #tpu.memory_space<vmem>>, vector<16xi32>,
    %add3A_983 = arith.addi %add3A_974, %get3A_982 : vector<16xi32>
    %gt3A_984 = arith.constant 5 : i32
    %gt3A_985 = arith.cmpi sgt, %arg1, %gt3A_984 : i32
    %jit3A_986 = arith.constant 0 : i32
    %broadcast_in_dim3A_987 = vector.broadcast %jit3A_986 : i32 to vector<16xi32>
    %select_n3A_988 = arith.select %gt3A_985, %get3A_982, %broadcast_in_dim3A_987 : vector<16xi32>
    %add3A_989 = arith.addi %add3A_980, %select_n3A_988 : vector<16xi32>
    %get3A_990 = arith.constant 416 : index
    %get3A_991 = tpu.vector_load %arg21[%get3A_990] {strides = array<i32>} : memref<1024xi32, #tpu.memory_space<vmem>>, vector<16xi32>,
    %add3A_992 = arith.addi %add3A_983, %get3A_991 : vector<16xi32>
    %gt3A_993 = arith.constant 6 : i32
    %gt3A_994 = arith.cmpi sgt, %arg1, %gt3A_993 : i32
    %jit3A_995 = arith.constant 0 : i32
    %broadcast_in_dim3A_996 = vector.broadcast %jit3A_995 : i32 to vector<16xi32>
    %select_n3A_997 = arith.select %gt3A_994, %get3A_991, %broadcast_in_dim3A_996 : vector<16xi32>
    %add3A_998 = arith.addi %add3A_989, %select_n3A_997 : vector<16xi32>
    %get3A_999 = arith.constant 480 : index
    %get3A_1000 = tpu.vector_load %arg21[%get3A_999] {strides = array<i32>} : memref<1024xi32, #tpu.memory_space<vmem>>, vector<16xi32>,
    %add3A_1001 = arith.addi %add3A_992, %get3A_1000 : vector<16xi32>
    %gt3A_1002 = arith.constant 7 : i32
    %gt3A_1003 = arith.cmpi sgt, %arg1, %gt3A_1002 : i32
    %jit3A_1004 = arith.constant 0 : i32
    %broadcast_in_dim3A_1005 = vector.broadcast %jit3A_1004 : i32 to vector<16xi32>
    %select_n3A_1006 = arith.select %gt3A_1003, %get3A_1000, %broadcast_in_dim3A_1005 : vector<16xi32>
    %add3A_1007 = arith.addi %add3A_998, %select_n3A_1006 : vector<16xi32>
    %get3A_1008 = arith.constant 544 : index
    %get3A_1009 = tpu.vector_load %arg21[%get3A_1008] {strides = array<i32>} : memref<1024xi32, #tpu.memory_space<vmem>>, vector<16xi32>,
    %add3A_1010 = arith.addi %add3A_1001, %get3A_1009 : vector<16xi32>
    %gt3A_1011 = arith.constant 8 : i32
    %gt3A_1012 = arith.cmpi sgt, %arg1, %gt3A_1011 : i32
    %jit3A_1013 = arith.constant 0 : i32
    %broadcast_in_dim3A_1014 = vector.broadcast %jit3A_1013 : i32 to vector<16xi32>
    %select_n3A_1015 = arith.select %gt3A_1012, %get3A_1009, %broadcast_in_dim3A_1014 : vector<16xi32>
    %add3A_1016 = arith.addi %add3A_1007, %select_n3A_1015 : vector<16xi32>
    %get3A_1017 = arith.constant 608 : index
    %get3A_1018 = tpu.vector_load %arg21[%get3A_1017] {strides = array<i32>} : memref<1024xi32, #tpu.memory_space<vmem>>, vector<16xi32>,
    %add3A_1019 = arith.addi %add3A_1010, %get3A_1018 : vector<16xi32>
    %gt3A_1020 = arith.constant 9 : i32
    %gt3A_1021 = arith.cmpi sgt, %arg1, %gt3A_1020 : i32
    %jit3A_1022 = arith.constant 0 : i32
    %broadcast_in_dim3A_1023 = vector.broadcast %jit3A_1022 : i32 to vector<16xi32>
    %select_n3A_1024 = arith.select %gt3A_1021, %get3A_1018, %broadcast_in_dim3A_1023 : vector<16xi32>
    %add3A_1025 = arith.addi %add3A_1016, %select_n3A_1024 : vector<16xi32>
    %get3A_1026 = arith.constant 672 : index
    %get3A_1027 = tpu.vector_load %arg21[%get3A_1026] {strides = array<i32>} : memref<1024xi32, #tpu.memory_space<vmem>>, vector<16xi32>,
    %add3A_1028 = arith.addi %add3A_1019, %get3A_1027 : vector<16xi32>
    %gt3A_1029 = arith.constant 10 : i32
    %gt3A_1030 = arith.cmpi sgt, %arg1, %gt3A_1029 : i32
    %jit3A_1031 = arith.constant 0 : i32
    %broadcast_in_dim3A_1032 = vector.broadcast %jit3A_1031 : i32 to vector<16xi32>
    %select_n3A_1033 = arith.select %gt3A_1030, %get3A_1027, %broadcast_in_dim3A_1032 : vector<16xi32>
    %add3A_1034 = arith.addi %add3A_1025, %select_n3A_1033 : vector<16xi32>
    %get3A_1035 = arith.constant 736 : index
    %get3A_1036 = tpu.vector_load %arg21[%get3A_1035] {strides = array<i32>} : memref<1024xi32, #tpu.memory_space<vmem>>, vector<16xi32>,
    %add3A_1037 = arith.addi %add3A_1028, %get3A_1036 : vector<16xi32>
    %gt3A_1038 = arith.constant 11 : i32
    %gt3A_1039 = arith.cmpi sgt, %arg1, %gt3A_1038 : i32
    %jit3A_1040 = arith.constant 0 : i32
    %broadcast_in_dim3A_1041 = vector.broadcast %jit3A_1040 : i32 to vector<16xi32>
    %select_n3A_1042 = arith.select %gt3A_1039, %get3A_1036, %broadcast_in_dim3A_1041 : vector<16xi32>
    %add3A_1043 = arith.addi %add3A_1034, %select_n3A_1042 : vector<16xi32>
    %get3A_1044 = arith.constant 800 : index
    %get3A_1045 = tpu.vector_load %arg21[%get3A_1044] {strides = array<i32>} : memref<1024xi32, #tpu.memory_space<vmem>>, vector<16xi32>,
    %add3A_1046 = arith.addi %add3A_1037, %get3A_1045 : vector<16xi32>
    %gt3A_1047 = arith.constant 12 : i32
    %gt3A_1048 = arith.cmpi sgt, %arg1, %gt3A_1047 : i32
    %jit3A_1049 = arith.constant 0 : i32
    %broadcast_in_dim3A_1050 = vector.broadcast %jit3A_1049 : i32 to vector<16xi32>
    %select_n3A_1051 = arith.select %gt3A_1048, %get3A_1045, %broadcast_in_dim3A_1050 : vector<16xi32>
    %add3A_1052 = arith.addi %add3A_1043, %select_n3A_1051 : vector<16xi32>
    %get3A_1053 = arith.constant 864 : index
    %get3A_1054 = tpu.vector_load %arg21[%get3A_1053] {strides = array<i32>} : memref<1024xi32, #tpu.memory_space<vmem>>, vector<16xi32>,
    %add3A_1055 = arith.addi %add3A_1046, %get3A_1054 : vector<16xi32>
    %gt3A_1056 = arith.constant 13 : i32
    %gt3A_1057 = arith.cmpi sgt, %arg1, %gt3A_1056 : i32
    %jit3A_1058 = arith.constant 0 : i32
    %broadcast_in_dim3A_1059 = vector.broadcast %jit3A_1058 : i32 to vector<16xi32>
    %select_n3A_1060 = arith.select %gt3A_1057, %get3A_1054, %broadcast_in_dim3A_1059 : vector<16xi32>
    %add3A_1061 = arith.addi %add3A_1052, %select_n3A_1060 : vector<16xi32>
    %get3A_1062 = arith.constant 928 : index
    %get3A_1063 = tpu.vector_load %arg21[%get3A_1062] {strides = array<i32>} : memref<1024xi32, #tpu.memory_space<vmem>>, vector<16xi32>,
    %add3A_1064 = arith.addi %add3A_1055, %get3A_1063 : vector<16xi32>
    %gt3A_1065 = arith.constant 14 : i32
    %gt3A_1066 = arith.cmpi sgt, %arg1, %gt3A_1065 : i32
    %jit3A_1067 = arith.constant 0 : i32
    %broadcast_in_dim3A_1068 = vector.broadcast %jit3A_1067 : i32 to vector<16xi32>
    %select_n3A_1069 = arith.select %gt3A_1066, %get3A_1063, %broadcast_in_dim3A_1068 : vector<16xi32>
    %add3A_1070 = arith.addi %add3A_1061, %select_n3A_1069 : vector<16xi32>
    %get3A_1071 = arith.constant 992 : index
    %get3A_1072 = tpu.vector_load %arg21[%get3A_1071] {strides = array<i32>} : memref<1024xi32, #tpu.memory_space<vmem>>, vector<16xi32>,
    %add3A_1073 = arith.addi %add3A_1064, %get3A_1072 : vector<16xi32>
    %gt3A_1074 = arith.constant 15 : i32
    %gt3A_1075 = arith.cmpi sgt, %arg1, %gt3A_1074 : i32
    %jit3A_1076 = arith.constant 0 : i32
    %broadcast_in_dim3A_1077 = vector.broadcast %jit3A_1076 : i32 to vector<16xi32>
    %select_n3A_1078 = arith.select %gt3A_1075, %get3A_1072, %broadcast_in_dim3A_1077 : vector<16xi32>
    %add3A_1079 = arith.addi %add3A_1070, %select_n3A_1078 : vector<16xi32>
    %swap3A_1080 = arith.constant 32 : index
    %swap3A_1081 = tpu.vector_load %arg20[%swap3A_1080] {strides = array<i32>} : memref<64xi32, #tpu.memory_space<vmem>>, vector<16xi32>,
    tpu.vector_store %arg20[%swap3A_1080], %add3A_1073 {strides = array<i32>} : memref<64xi32, #tpu.memory_space<vmem>>, vector<16xi32>,
    %broadcast_in_dim3A_1082 = arith.constant true
    %broadcast_in_dim3A_1083 = vector.broadcast %broadcast_in_dim3A_1082 : i1 to vector<16xi1>
    %masked_cumsum3A_1084 = tpu.scan <sum>, %add3A_1073 masked %broadcast_in_dim3A_1083 : vector<16xi32>, vector<16xi1> -> vector<16xi32>
    %sub3A_1085 = arith.subi %masked_cumsum3A_1084, %add3A_1073 : vector<16xi32>
    %add3A_1086 = vector.broadcast %add3A_854 : i32 to vector<16xi32>
    %add3A_1087 = arith.addi %sub3A_1085, %add3A_1086 : vector<16xi32>
    %reduce_sum3A_1088 = arith.constant true
    %reduce_sum3A_1089 = vector.broadcast %reduce_sum3A_1088 : i1 to vector<16xi1>
    %reduce_sum3A_1090 = tpu.scan <sum>, %add3A_1073 masked %reduce_sum3A_1089 : vector<16xi32>, vector<16xi1> -> vector<16xi32>
    %reduce_sum3A_1091 = vector.extract %reduce_sum3A_1090[15] : i32 from vector<16xi32>
    %add3A_1092 = arith.addi %add3A_854, %reduce_sum3A_1091 : i32
    %add3A_1093 = arith.addi %add3A_1087, %add3A_1079 : vector<16xi32>
    %get3A_1094 = arith.constant 32 : index
    %get3A_1095 = tpu.vector_load %arg16[%get3A_1094] {strides = array<i32>} : memref<1024xi32, #tpu.memory_space<vmem>>, vector<16xi32>,
    %add3A_1096 = arith.addi %get3A_1095, %add3A_1093 : vector<16xi32>
    %swap3A_1097 = arith.constant 32 : index
    %swap3A_1098 = tpu.vector_load %arg16[%swap3A_1097] {strides = array<i32>} : memref<1024xi32, #tpu.memory_space<vmem>>, vector<16xi32>,
    tpu.vector_store %arg16[%swap3A_1097], %add3A_1096 {strides = array<i32>} : memref<1024xi32, #tpu.memory_space<vmem>>, vector<16xi32>,
    %get3A_1099 = arith.constant 96 : index
    %get3A_1100 = tpu.vector_load %arg16[%get3A_1099] {strides = array<i32>} : memref<1024xi32, #tpu.memory_space<vmem>>, vector<16xi32>,
    %add3A_1101 = arith.addi %get3A_1100, %add3A_1093 : vector<16xi32>
    %swap3A_1102 = arith.constant 96 : index
    %swap3A_1103 = tpu.vector_load %arg16[%swap3A_1102] {strides = array<i32>} : memref<1024xi32, #tpu.memory_space<vmem>>, vector<16xi32>,
    tpu.vector_store %arg16[%swap3A_1102], %add3A_1101 {strides = array<i32>} : memref<1024xi32, #tpu.memory_space<vmem>>, vector<16xi32>,
    %get3A_1104 = arith.constant 160 : index
    %get3A_1105 = tpu.vector_load %arg16[%get3A_1104] {strides = array<i32>} : memref<1024xi32, #tpu.memory_space<vmem>>, vector<16xi32>,
    %add3A_1106 = arith.addi %get3A_1105, %add3A_1093 : vector<16xi32>
    %swap3A_1107 = arith.constant 160 : index
    %swap3A_1108 = tpu.vector_load %arg16[%swap3A_1107] {strides = array<i32>} : memref<1024xi32, #tpu.memory_space<vmem>>, vector<16xi32>,
    tpu.vector_store %arg16[%swap3A_1107], %add3A_1106 {strides = array<i32>} : memref<1024xi32, #tpu.memory_space<vmem>>, vector<16xi32>,
    %get3A_1109 = arith.constant 224 : index
    %get3A_1110 = tpu.vector_load %arg16[%get3A_1109] {strides = array<i32>} : memref<1024xi32, #tpu.memory_space<vmem>>, vector<16xi32>,
    %add3A_1111 = arith.addi %get3A_1110, %add3A_1093 : vector<16xi32>
    %swap3A_1112 = arith.constant 224 : index
    %swap3A_1113 = tpu.vector_load %arg16[%swap3A_1112] {strides = array<i32>} : memref<1024xi32, #tpu.memory_space<vmem>>, vector<16xi32>,
    tpu.vector_store %arg16[%swap3A_1112], %add3A_1111 {strides = array<i32>} : memref<1024xi32, #tpu.memory_space<vmem>>, vector<16xi32>,
    %get3A_1114 = arith.constant 288 : index
    %get3A_1115 = tpu.vector_load %arg16[%get3A_1114] {strides = array<i32>} : memref<1024xi32, #tpu.memory_space<vmem>>, vector<16xi32>,
    %add3A_1116 = arith.addi %get3A_1115, %add3A_1093 : vector<16xi32>
    %swap3A_1117 = arith.constant 288 : index
    %swap3A_1118 = tpu.vector_load %arg16[%swap3A_1117] {strides = array<i32>} : memref<1024xi32, #tpu.memory_space<vmem>>, vector<16xi32>,
    tpu.vector_store %arg16[%swap3A_1117], %add3A_1116 {strides = array<i32>} : memref<1024xi32, #tpu.memory_space<vmem>>, vector<16xi32>,
    %get3A_1119 = arith.constant 352 : index
    %get3A_1120 = tpu.vector_load %arg16[%get3A_1119] {strides = array<i32>} : memref<1024xi32, #tpu.memory_space<vmem>>, vector<16xi32>,
    %add3A_1121 = arith.addi %get3A_1120, %add3A_1093 : vector<16xi32>
    %swap3A_1122 = arith.constant 352 : index
    %swap3A_1123 = tpu.vector_load %arg16[%swap3A_1122] {strides = array<i32>} : memref<1024xi32, #tpu.memory_space<vmem>>, vector<16xi32>,
    tpu.vector_store %arg16[%swap3A_1122], %add3A_1121 {strides = array<i32>} : memref<1024xi32, #tpu.memory_space<vmem>>, vector<16xi32>,
    %get3A_1124 = arith.constant 416 : index
    %get3A_1125 = tpu.vector_load %arg16[%get3A_1124] {strides = array<i32>} : memref<1024xi32, #tpu.memory_space<vmem>>, vector<16xi32>,
    %add3A_1126 = arith.addi %get3A_1125, %add3A_1093 : vector<16xi32>
    %swap3A_1127 = arith.constant 416 : index
    %swap3A_1128 = tpu.vector_load %arg16[%swap3A_1127] {strides = array<i32>} : memref<1024xi32, #tpu.memory_space<vmem>>, vector<16xi32>,
    tpu.vector_store %arg16[%swap3A_1127], %add3A_1126 {strides = array<i32>} : memref<1024xi32, #tpu.memory_space<vmem>>, vector<16xi32>,
    %get3A_1129 = arith.constant 480 : index
    %get3A_1130 = tpu.vector_load %arg16[%get3A_1129] {strides = array<i32>} : memref<1024xi32, #tpu.memory_space<vmem>>, vector<16xi32>,
    %add3A_1131 = arith.addi %get3A_1130, %add3A_1093 : vector<16xi32>
    %swap3A_1132 = arith.constant 480 : index
    %swap3A_1133 = tpu.vector_load %arg16[%swap3A_1132] {strides = array<i32>} : memref<1024xi32, #tpu.memory_space<vmem>>, vector<16xi32>,
    tpu.vector_store %arg16[%swap3A_1132], %add3A_1131 {strides = array<i32>} : memref<1024xi32, #tpu.memory_space<vmem>>, vector<16xi32>,
    %get3A_1134 = arith.constant 544 : index
    %get3A_1135 = tpu.vector_load %arg16[%get3A_1134] {strides = array<i32>} : memref<1024xi32, #tpu.memory_space<vmem>>, vector<16xi32>,
    %add3A_1136 = arith.addi %get3A_1135, %add3A_1093 : vector<16xi32>
    %swap3A_1137 = arith.constant 544 : index
    %swap3A_1138 = tpu.vector_load %arg16[%swap3A_1137] {strides = array<i32>} : memref<1024xi32, #tpu.memory_space<vmem>>, vector<16xi32>,
    tpu.vector_store %arg16[%swap3A_1137], %add3A_1136 {strides = array<i32>} : memref<1024xi32, #tpu.memory_space<vmem>>, vector<16xi32>,
    %get3A_1139 = arith.constant 608 : index
    %get3A_1140 = tpu.vector_load %arg16[%get3A_1139] {strides = array<i32>} : memref<1024xi32, #tpu.memory_space<vmem>>, vector<16xi32>,
    %add3A_1141 = arith.addi %get3A_1140, %add3A_1093 : vector<16xi32>
    %swap3A_1142 = arith.constant 608 : index
    %swap3A_1143 = tpu.vector_load %arg16[%swap3A_1142] {strides = array<i32>} : memref<1024xi32, #tpu.memory_space<vmem>>, vector<16xi32>,
    tpu.vector_store %arg16[%swap3A_1142], %add3A_1141 {strides = array<i32>} : memref<1024xi32, #tpu.memory_space<vmem>>, vector<16xi32>,
    %get3A_1144 = arith.constant 672 : index
    %get3A_1145 = tpu.vector_load %arg16[%get3A_1144] {strides = array<i32>} : memref<1024xi32, #tpu.memory_space<vmem>>, vector<16xi32>,
    %add3A_1146 = arith.addi %get3A_1145, %add3A_1093 : vector<16xi32>
    %swap3A_1147 = arith.constant 672 : index
    %swap3A_1148 = tpu.vector_load %arg16[%swap3A_1147] {strides = array<i32>} : memref<1024xi32, #tpu.memory_space<vmem>>, vector<16xi32>,
    tpu.vector_store %arg16[%swap3A_1147], %add3A_1146 {strides = array<i32>} : memref<1024xi32, #tpu.memory_space<vmem>>, vector<16xi32>,
    %get3A_1149 = arith.constant 736 : index
    %get3A_1150 = tpu.vector_load %arg16[%get3A_1149] {strides = array<i32>} : memref<1024xi32, #tpu.memory_space<vmem>>, vector<16xi32>,
    %add3A_1151 = arith.addi %get3A_1150, %add3A_1093 : vector<16xi32>
    %swap3A_1152 = arith.constant 736 : index
    %swap3A_1153 = tpu.vector_load %arg16[%swap3A_1152] {strides = array<i32>} : memref<1024xi32, #tpu.memory_space<vmem>>, vector<16xi32>,
    tpu.vector_store %arg16[%swap3A_1152], %add3A_1151 {strides = array<i32>} : memref<1024xi32, #tpu.memory_space<vmem>>, vector<16xi32>,
    %get3A_1154 = arith.constant 800 : index
    %get3A_1155 = tpu.vector_load %arg16[%get3A_1154] {strides = array<i32>} : memref<1024xi32, #tpu.memory_space<vmem>>, vector<16xi32>,
    %add3A_1156 = arith.addi %get3A_1155, %add3A_1093 : vector<16xi32>
    %swap3A_1157 = arith.constant 800 : index
    %swap3A_1158 = tpu.vector_load %arg16[%swap3A_1157] {strides = array<i32>} : memref<1024xi32, #tpu.memory_space<vmem>>, vector<16xi32>,
    tpu.vector_store %arg16[%swap3A_1157], %add3A_1156 {strides = array<i32>} : memref<1024xi32, #tpu.memory_space<vmem>>, vector<16xi32>,
    %get3A_1159 = arith.constant 864 : index
    %get3A_1160 = tpu.vector_load %arg16[%get3A_1159] {strides = array<i32>} : memref<1024xi32, #tpu.memory_space<vmem>>, vector<16xi32>,
    %add3A_1161 = arith.addi %get3A_1160, %add3A_1093 : vector<16xi32>
    %swap3A_1162 = arith.constant 864 : index
    %swap3A_1163 = tpu.vector_load %arg16[%swap3A_1162] {strides = array<i32>} : memref<1024xi32, #tpu.memory_space<vmem>>, vector<16xi32>,
    tpu.vector_store %arg16[%swap3A_1162], %add3A_1161 {strides = array<i32>} : memref<1024xi32, #tpu.memory_space<vmem>>, vector<16xi32>,
    %get3A_1164 = arith.constant 928 : index
    %get3A_1165 = tpu.vector_load %arg16[%get3A_1164] {strides = array<i32>} : memref<1024xi32, #tpu.memory_space<vmem>>, vector<16xi32>,
    %add3A_1166 = arith.addi %get3A_1165, %add3A_1093 : vector<16xi32>
    %swap3A_1167 = arith.constant 928 : index
    %swap3A_1168 = tpu.vector_load %arg16[%swap3A_1167] {strides = array<i32>} : memref<1024xi32, #tpu.memory_space<vmem>>, vector<16xi32>,
    tpu.vector_store %arg16[%swap3A_1167], %add3A_1166 {strides = array<i32>} : memref<1024xi32, #tpu.memory_space<vmem>>, vector<16xi32>,
    %get3A_1169 = arith.constant 992 : index
    %get3A_1170 = tpu.vector_load %arg16[%get3A_1169] {strides = array<i32>} : memref<1024xi32, #tpu.memory_space<vmem>>, vector<16xi32>,
    %add3A_1171 = arith.addi %get3A_1170, %add3A_1093 : vector<16xi32>
    %swap3A_1172 = arith.constant 992 : index
    %swap3A_1173 = tpu.vector_load %arg16[%swap3A_1172] {strides = array<i32>} : memref<1024xi32, #tpu.memory_space<vmem>>, vector<16xi32>,
    tpu.vector_store %arg16[%swap3A_1172], %add3A_1171 {strides = array<i32>} : memref<1024xi32, #tpu.memory_space<vmem>>, vector<16xi32>,
    %get3A_1174 = arith.constant 48 : index
    %get3A_1175 = tpu.vector_load %arg21[%get3A_1174] {strides = array<i32>} : memref<1024xi32, #tpu.memory_space<vmem>>, vector<16xi32>,
    %add3A_1176 = arith.addi %broadcast_in_dim3A_3, %get3A_1175 : vector<16xi32>
    %gt3A_1177 = arith.constant 0 : i32
    %gt3A_1178 = arith.cmpi sgt, %arg1, %gt3A_1177 : i32
    %jit3A_1179 = arith.constant 0 : i32
    %broadcast_in_dim3A_1180 = vector.broadcast %jit3A_1179 : i32 to vector<16xi32>
    %select_n3A_1181 = arith.select %gt3A_1178, %get3A_1175, %broadcast_in_dim3A_1180 : vector<16xi32>
    %add3A_1182 = arith.addi %broadcast_in_dim3A_3, %select_n3A_1181 : vector<16xi32>
    %get3A_1183 = arith.constant 112 : index
    %get3A_1184 = tpu.vector_load %arg21[%get3A_1183] {strides = array<i32>} : memref<1024xi32, #tpu.memory_space<vmem>>, vector<16xi32>,
    %add3A_1185 = arith.addi %add3A_1176, %get3A_1184 : vector<16xi32>
    %gt3A_1186 = arith.constant 1 : i32
    %gt3A_1187 = arith.cmpi sgt, %arg1, %gt3A_1186 : i32
    %jit3A_1188 = arith.constant 0 : i32
    %broadcast_in_dim3A_1189 = vector.broadcast %jit3A_1188 : i32 to vector<16xi32>
    %select_n3A_1190 = arith.select %gt3A_1187, %get3A_1184, %broadcast_in_dim3A_1189 : vector<16xi32>
    %add3A_1191 = arith.addi %add3A_1182, %select_n3A_1190 : vector<16xi32>
    %get3A_1192 = arith.constant 176 : index
    %get3A_1193 = tpu.vector_load %arg21[%get3A_1192] {strides = array<i32>} : memref<1024xi32, #tpu.memory_space<vmem>>, vector<16xi32>,
    %add3A_1194 = arith.addi %add3A_1185, %get3A_1193 : vector<16xi32>
    %gt3A_1195 = arith.constant 2 : i32
    %gt3A_1196 = arith.cmpi sgt, %arg1, %gt3A_1195 : i32
    %jit3A_1197 = arith.constant 0 : i32
    %broadcast_in_dim3A_1198 = vector.broadcast %jit3A_1197 : i32 to vector<16xi32>
    %select_n3A_1199 = arith.select %gt3A_1196, %get3A_1193, %broadcast_in_dim3A_1198 : vector<16xi32>
    %add3A_1200 = arith.addi %add3A_1191, %select_n3A_1199 : vector<16xi32>
    %get3A_1201 = arith.constant 240 : index
    %get3A_1202 = tpu.vector_load %arg21[%get3A_1201] {strides = array<i32>} : memref<1024xi32, #tpu.memory_space<vmem>>, vector<16xi32>,
    %add3A_1203 = arith.addi %add3A_1194, %get3A_1202 : vector<16xi32>
    %gt3A_1204 = arith.constant 3 : i32
    %gt3A_1205 = arith.cmpi sgt, %arg1, %gt3A_1204 : i32
    %jit3A_1206 = arith.constant 0 : i32
    %broadcast_in_dim3A_1207 = vector.broadcast %jit3A_1206 : i32 to vector<16xi32>
    %select_n3A_1208 = arith.select %gt3A_1205, %get3A_1202, %broadcast_in_dim3A_1207 : vector<16xi32>
    %add3A_1209 = arith.addi %add3A_1200, %select_n3A_1208 : vector<16xi32>
    %get3A_1210 = arith.constant 304 : index
    %get3A_1211 = tpu.vector_load %arg21[%get3A_1210] {strides = array<i32>} : memref<1024xi32, #tpu.memory_space<vmem>>, vector<16xi32>,
    %add3A_1212 = arith.addi %add3A_1203, %get3A_1211 : vector<16xi32>
    %gt3A_1213 = arith.constant 4 : i32
    %gt3A_1214 = arith.cmpi sgt, %arg1, %gt3A_1213 : i32
    %jit3A_1215 = arith.constant 0 : i32
    %broadcast_in_dim3A_1216 = vector.broadcast %jit3A_1215 : i32 to vector<16xi32>
    %select_n3A_1217 = arith.select %gt3A_1214, %get3A_1211, %broadcast_in_dim3A_1216 : vector<16xi32>
    %add3A_1218 = arith.addi %add3A_1209, %select_n3A_1217 : vector<16xi32>
    %get3A_1219 = arith.constant 368 : index
    %get3A_1220 = tpu.vector_load %arg21[%get3A_1219] {strides = array<i32>} : memref<1024xi32, #tpu.memory_space<vmem>>, vector<16xi32>,
    %add3A_1221 = arith.addi %add3A_1212, %get3A_1220 : vector<16xi32>
    %gt3A_1222 = arith.constant 5 : i32
    %gt3A_1223 = arith.cmpi sgt, %arg1, %gt3A_1222 : i32
    %jit3A_1224 = arith.constant 0 : i32
    %broadcast_in_dim3A_1225 = vector.broadcast %jit3A_1224 : i32 to vector<16xi32>
    %select_n3A_1226 = arith.select %gt3A_1223, %get3A_1220, %broadcast_in_dim3A_1225 : vector<16xi32>
    %add3A_1227 = arith.addi %add3A_1218, %select_n3A_1226 : vector<16xi32>
    %get3A_1228 = arith.constant 432 : index
    %get3A_1229 = tpu.vector_load %arg21[%get3A_1228] {strides = array<i32>} : memref<1024xi32, #tpu.memory_space<vmem>>, vector<16xi32>,
    %add3A_1230 = arith.addi %add3A_1221, %get3A_1229 : vector<16xi32>
    %gt3A_1231 = arith.constant 6 : i32
    %gt3A_1232 = arith.cmpi sgt, %arg1, %gt3A_1231 : i32
    %jit3A_1233 = arith.constant 0 : i32
    %broadcast_in_dim3A_1234 = vector.broadcast %jit3A_1233 : i32 to vector<16xi32>
    %select_n3A_1235 = arith.select %gt3A_1232, %get3A_1229, %broadcast_in_dim3A_1234 : vector<16xi32>
    %add3A_1236 = arith.addi %add3A_1227, %select_n3A_1235 : vector<16xi32>
    %get3A_1237 = arith.constant 496 : index
    %get3A_1238 = tpu.vector_load %arg21[%get3A_1237] {strides = array<i32>} : memref<1024xi32, #tpu.memory_space<vmem>>, vector<16xi32>,
    %add3A_1239 = arith.addi %add3A_1230, %get3A_1238 : vector<16xi32>
    %gt3A_1240 = arith.constant 7 : i32
    %gt3A_1241 = arith.cmpi sgt, %arg1, %gt3A_1240 : i32
    %jit3A_1242 = arith.constant 0 : i32
    %broadcast_in_dim3A_1243 = vector.broadcast %jit3A_1242 : i32 to vector<16xi32>
    %select_n3A_1244 = arith.select %gt3A_1241, %get3A_1238, %broadcast_in_dim3A_1243 : vector<16xi32>
    %add3A_1245 = arith.addi %add3A_1236, %select_n3A_1244 : vector<16xi32>
    %get3A_1246 = arith.constant 560 : index
    %get3A_1247 = tpu.vector_load %arg21[%get3A_1246] {strides = array<i32>} : memref<1024xi32, #tpu.memory_space<vmem>>, vector<16xi32>,
    %add3A_1248 = arith.addi %add3A_1239, %get3A_1247 : vector<16xi32>
    %gt3A_1249 = arith.constant 8 : i32
    %gt3A_1250 = arith.cmpi sgt, %arg1, %gt3A_1249 : i32
    %jit3A_1251 = arith.constant 0 : i32
    %broadcast_in_dim3A_1252 = vector.broadcast %jit3A_1251 : i32 to vector<16xi32>
    %select_n3A_1253 = arith.select %gt3A_1250, %get3A_1247, %broadcast_in_dim3A_1252 : vector<16xi32>
    %add3A_1254 = arith.addi %add3A_1245, %select_n3A_1253 : vector<16xi32>
    %get3A_1255 = arith.constant 624 : index
    %get3A_1256 = tpu.vector_load %arg21[%get3A_1255] {strides = array<i32>} : memref<1024xi32, #tpu.memory_space<vmem>>, vector<16xi32>,
    %add3A_1257 = arith.addi %add3A_1248, %get3A_1256 : vector<16xi32>
    %gt3A_1258 = arith.constant 9 : i32
    %gt3A_1259 = arith.cmpi sgt, %arg1, %gt3A_1258 : i32
    %jit3A_1260 = arith.constant 0 : i32
    %broadcast_in_dim3A_1261 = vector.broadcast %jit3A_1260 : i32 to vector<16xi32>
    %select_n3A_1262 = arith.select %gt3A_1259, %get3A_1256, %broadcast_in_dim3A_1261 : vector<16xi32>
    %add3A_1263 = arith.addi %add3A_1254, %select_n3A_1262 : vector<16xi32>
    %get3A_1264 = arith.constant 688 : index
    %get3A_1265 = tpu.vector_load %arg21[%get3A_1264] {strides = array<i32>} : memref<1024xi32, #tpu.memory_space<vmem>>, vector<16xi32>,
    %add3A_1266 = arith.addi %add3A_1257, %get3A_1265 : vector<16xi32>
    %gt3A_1267 = arith.constant 10 : i32
    %gt3A_1268 = arith.cmpi sgt, %arg1, %gt3A_1267 : i32
    %jit3A_1269 = arith.constant 0 : i32
    %broadcast_in_dim3A_1270 = vector.broadcast %jit3A_1269 : i32 to vector<16xi32>
    %select_n3A_1271 = arith.select %gt3A_1268, %get3A_1265, %broadcast_in_dim3A_1270 : vector<16xi32>
    %add3A_1272 = arith.addi %add3A_1263, %select_n3A_1271 : vector<16xi32>
    %get3A_1273 = arith.constant 752 : index
    %get3A_1274 = tpu.vector_load %arg21[%get3A_1273] {strides = array<i32>} : memref<1024xi32, #tpu.memory_space<vmem>>, vector<16xi32>,
    %add3A_1275 = arith.addi %add3A_1266, %get3A_1274 : vector<16xi32>
    %gt3A_1276 = arith.constant 11 : i32
    %gt3A_1277 = arith.cmpi sgt, %arg1, %gt3A_1276 : i32
    %jit3A_1278 = arith.constant 0 : i32
    %broadcast_in_dim3A_1279 = vector.broadcast %jit3A_1278 : i32 to vector<16xi32>
    %select_n3A_1280 = arith.select %gt3A_1277, %get3A_1274, %broadcast_in_dim3A_1279 : vector<16xi32>
    %add3A_1281 = arith.addi %add3A_1272, %select_n3A_1280 : vector<16xi32>
    %get3A_1282 = arith.constant 816 : index
    %get3A_1283 = tpu.vector_load %arg21[%get3A_1282] {strides = array<i32>} : memref<1024xi32, #tpu.memory_space<vmem>>, vector<16xi32>,
    %add3A_1284 = arith.addi %add3A_1275, %get3A_1283 : vector<16xi32>
    %gt3A_1285 = arith.constant 12 : i32
    %gt3A_1286 = arith.cmpi sgt, %arg1, %gt3A_1285 : i32
    %jit3A_1287 = arith.constant 0 : i32
    %broadcast_in_dim3A_1288 = vector.broadcast %jit3A_1287 : i32 to vector<16xi32>
    %select_n3A_1289 = arith.select %gt3A_1286, %get3A_1283, %broadcast_in_dim3A_1288 : vector<16xi32>
    %add3A_1290 = arith.addi %add3A_1281, %select_n3A_1289 : vector<16xi32>
    %get3A_1291 = arith.constant 880 : index
    %get3A_1292 = tpu.vector_load %arg21[%get3A_1291] {strides = array<i32>} : memref<1024xi32, #tpu.memory_space<vmem>>, vector<16xi32>,
    %add3A_1293 = arith.addi %add3A_1284, %get3A_1292 : vector<16xi32>
    %gt3A_1294 = arith.constant 13 : i32
    %gt3A_1295 = arith.cmpi sgt, %arg1, %gt3A_1294 : i32
    %jit3A_1296 = arith.constant 0 : i32
    %broadcast_in_dim3A_1297 = vector.broadcast %jit3A_1296 : i32 to vector<16xi32>
    %select_n3A_1298 = arith.select %gt3A_1295, %get3A_1292, %broadcast_in_dim3A_1297 : vector<16xi32>
    %add3A_1299 = arith.addi %add3A_1290, %select_n3A_1298 : vector<16xi32>
    %get3A_1300 = arith.constant 944 : index
    %get3A_1301 = tpu.vector_load %arg21[%get3A_1300] {strides = array<i32>} : memref<1024xi32, #tpu.memory_space<vmem>>, vector<16xi32>,
    %add3A_1302 = arith.addi %add3A_1293, %get3A_1301 : vector<16xi32>
    %gt3A_1303 = arith.constant 14 : i32
    %gt3A_1304 = arith.cmpi sgt, %arg1, %gt3A_1303 : i32
    %jit3A_1305 = arith.constant 0 : i32
    %broadcast_in_dim3A_1306 = vector.broadcast %jit3A_1305 : i32 to vector<16xi32>
    %select_n3A_1307 = arith.select %gt3A_1304, %get3A_1301, %broadcast_in_dim3A_1306 : vector<16xi32>
    %add3A_1308 = arith.addi %add3A_1299, %select_n3A_1307 : vector<16xi32>
    %get3A_1309 = arith.constant 1008 : index
    %get3A_1310 = tpu.vector_load %arg21[%get3A_1309] {strides = array<i32>} : memref<1024xi32, #tpu.memory_space<vmem>>, vector<16xi32>,
    %add3A_1311 = arith.addi %add3A_1302, %get3A_1310 : vector<16xi32>
    %gt3A_1312 = arith.constant 15 : i32
    %gt3A_1313 = arith.cmpi sgt, %arg1, %gt3A_1312 : i32
    %jit3A_1314 = arith.constant 0 : i32
    %broadcast_in_dim3A_1315 = vector.broadcast %jit3A_1314 : i32 to vector<16xi32>
    %select_n3A_1316 = arith.select %gt3A_1313, %get3A_1310, %broadcast_in_dim3A_1315 : vector<16xi32>
    %add3A_1317 = arith.addi %add3A_1308, %select_n3A_1316 : vector<16xi32>
    %swap3A_1318 = arith.constant 48 : index
    %swap3A_1319 = tpu.vector_load %arg20[%swap3A_1318] {strides = array<i32>} : memref<64xi32, #tpu.memory_space<vmem>>, vector<16xi32>,
    tpu.vector_store %arg20[%swap3A_1318], %add3A_1311 {strides = array<i32>} : memref<64xi32, #tpu.memory_space<vmem>>, vector<16xi32>,
    %broadcast_in_dim3A_1320 = arith.constant true
    %broadcast_in_dim3A_1321 = vector.broadcast %broadcast_in_dim3A_1320 : i1 to vector<16xi1>
    %masked_cumsum3A_1322 = tpu.scan <sum>, %add3A_1311 masked %broadcast_in_dim3A_1321 : vector<16xi32>, vector<16xi1> -> vector<16xi32>
    %sub3A_1323 = arith.subi %masked_cumsum3A_1322, %add3A_1311 : vector<16xi32>
    %add3A_1324 = vector.broadcast %add3A_1092 : i32 to vector<16xi32>
    %add3A_1325 = arith.addi %sub3A_1323, %add3A_1324 : vector<16xi32>
    %reduce_sum3A_1326 = arith.constant true
    %reduce_sum3A_1327 = vector.broadcast %reduce_sum3A_1326 : i1 to vector<16xi1>
    %reduce_sum3A_1328 = tpu.scan <sum>, %add3A_1311 masked %reduce_sum3A_1327 : vector<16xi32>, vector<16xi1> -> vector<16xi32>
    %reduce_sum3A_1329 = vector.extract %reduce_sum3A_1328[15] : i32 from vector<16xi32>
    %add3A_1330 = arith.addi %add3A_1092, %reduce_sum3A_1329 : i32
    %add3A_1331 = arith.addi %add3A_1325, %add3A_1317 : vector<16xi32>
    %get3A_1332 = arith.constant 48 : index
    %get3A_1333 = tpu.vector_load %arg16[%get3A_1332] {strides = array<i32>} : memref<1024xi32, #tpu.memory_space<vmem>>, vector<16xi32>,
    %add3A_1334 = arith.addi %get3A_1333, %add3A_1331 : vector<16xi32>
    %swap3A_1335 = arith.constant 48 : index
    %swap3A_1336 = tpu.vector_load %arg16[%swap3A_1335] {strides = array<i32>} : memref<1024xi32, #tpu.memory_space<vmem>>, vector<16xi32>,
    tpu.vector_store %arg16[%swap3A_1335], %add3A_1334 {strides = array<i32>} : memref<1024xi32, #tpu.memory_space<vmem>>, vector<16xi32>,
    %get3A_1337 = arith.constant 112 : index
    %get3A_1338 = tpu.vector_load %arg16[%get3A_1337] {strides = array<i32>} : memref<1024xi32, #tpu.memory_space<vmem>>, vector<16xi32>,
    %add3A_1339 = arith.addi %get3A_1338, %add3A_1331 : vector<16xi32>
    %swap3A_1340 = arith.constant 112 : index
    %swap3A_1341 = tpu.vector_load %arg16[%swap3A_1340] {strides = array<i32>} : memref<1024xi32, #tpu.memory_space<vmem>>, vector<16xi32>,
    tpu.vector_store %arg16[%swap3A_1340], %add3A_1339 {strides = array<i32>} : memref<1024xi32, #tpu.memory_space<vmem>>, vector<16xi32>,
    %get3A_1342 = arith.constant 176 : index
    %get3A_1343 = tpu.vector_load %arg16[%get3A_1342] {strides = array<i32>} : memref<1024xi32, #tpu.memory_space<vmem>>, vector<16xi32>,
    %add3A_1344 = arith.addi %get3A_1343, %add3A_1331 : vector<16xi32>
    %swap3A_1345 = arith.constant 176 : index
    %swap3A_1346 = tpu.vector_load %arg16[%swap3A_1345] {strides = array<i32>} : memref<1024xi32, #tpu.memory_space<vmem>>, vector<16xi32>,
    tpu.vector_store %arg16[%swap3A_1345], %add3A_1344 {strides = array<i32>} : memref<1024xi32, #tpu.memory_space<vmem>>, vector<16xi32>,
    %get3A_1347 = arith.constant 240 : index
    %get3A_1348 = tpu.vector_load %arg16[%get3A_1347] {strides = array<i32>} : memref<1024xi32, #tpu.memory_space<vmem>>, vector<16xi32>,
    %add3A_1349 = arith.addi %get3A_1348, %add3A_1331 : vector<16xi32>
    %swap3A_1350 = arith.constant 240 : index
    %swap3A_1351 = tpu.vector_load %arg16[%swap3A_1350] {strides = array<i32>} : memref<1024xi32, #tpu.memory_space<vmem>>, vector<16xi32>,
    tpu.vector_store %arg16[%swap3A_1350], %add3A_1349 {strides = array<i32>} : memref<1024xi32, #tpu.memory_space<vmem>>, vector<16xi32>,
    %get3A_1352 = arith.constant 304 : index
    %get3A_1353 = tpu.vector_load %arg16[%get3A_1352] {strides = array<i32>} : memref<1024xi32, #tpu.memory_space<vmem>>, vector<16xi32>,
    %add3A_1354 = arith.addi %get3A_1353, %add3A_1331 : vector<16xi32>
    %swap3A_1355 = arith.constant 304 : index
    %swap3A_1356 = tpu.vector_load %arg16[%swap3A_1355] {strides = array<i32>} : memref<1024xi32, #tpu.memory_space<vmem>>, vector<16xi32>,
    tpu.vector_store %arg16[%swap3A_1355], %add3A_1354 {strides = array<i32>} : memref<1024xi32, #tpu.memory_space<vmem>>, vector<16xi32>,
    %get3A_1357 = arith.constant 368 : index
    %get3A_1358 = tpu.vector_load %arg16[%get3A_1357] {strides = array<i32>} : memref<1024xi32, #tpu.memory_space<vmem>>, vector<16xi32>,
    %add3A_1359 = arith.addi %get3A_1358, %add3A_1331 : vector<16xi32>
    %swap3A_1360 = arith.constant 368 : index
    %swap3A_1361 = tpu.vector_load %arg16[%swap3A_1360] {strides = array<i32>} : memref<1024xi32, #tpu.memory_space<vmem>>, vector<16xi32>,
    tpu.vector_store %arg16[%swap3A_1360], %add3A_1359 {strides = array<i32>} : memref<1024xi32, #tpu.memory_space<vmem>>, vector<16xi32>,
    %get3A_1362 = arith.constant 432 : index
    %get3A_1363 = tpu.vector_load %arg16[%get3A_1362] {strides = array<i32>} : memref<1024xi32, #tpu.memory_space<vmem>>, vector<16xi32>,
    %add3A_1364 = arith.addi %get3A_1363, %add3A_1331 : vector<16xi32>
    %swap3A_1365 = arith.constant 432 : index
    %swap3A_1366 = tpu.vector_load %arg16[%swap3A_1365] {strides = array<i32>} : memref<1024xi32, #tpu.memory_space<vmem>>, vector<16xi32>,
    tpu.vector_store %arg16[%swap3A_1365], %add3A_1364 {strides = array<i32>} : memref<1024xi32, #tpu.memory_space<vmem>>, vector<16xi32>,
    %get3A_1367 = arith.constant 496 : index
    %get3A_1368 = tpu.vector_load %arg16[%get3A_1367] {strides = array<i32>} : memref<1024xi32, #tpu.memory_space<vmem>>, vector<16xi32>,
    %add3A_1369 = arith.addi %get3A_1368, %add3A_1331 : vector<16xi32>
    %swap3A_1370 = arith.constant 496 : index
    %swap3A_1371 = tpu.vector_load %arg16[%swap3A_1370] {strides = array<i32>} : memref<1024xi32, #tpu.memory_space<vmem>>, vector<16xi32>,
    tpu.vector_store %arg16[%swap3A_1370], %add3A_1369 {strides = array<i32>} : memref<1024xi32, #tpu.memory_space<vmem>>, vector<16xi32>,
    %get3A_1372 = arith.constant 560 : index
    %get3A_1373 = tpu.vector_load %arg16[%get3A_1372] {strides = array<i32>} : memref<1024xi32, #tpu.memory_space<vmem>>, vector<16xi32>,
    %add3A_1374 = arith.addi %get3A_1373, %add3A_1331 : vector<16xi32>
    %swap3A_1375 = arith.constant 560 : index
    %swap3A_1376 = tpu.vector_load %arg16[%swap3A_1375] {strides = array<i32>} : memref<1024xi32, #tpu.memory_space<vmem>>, vector<16xi32>,
    tpu.vector_store %arg16[%swap3A_1375], %add3A_1374 {strides = array<i32>} : memref<1024xi32, #tpu.memory_space<vmem>>, vector<16xi32>,
    %get3A_1377 = arith.constant 624 : index
    %get3A_1378 = tpu.vector_load %arg16[%get3A_1377] {strides = array<i32>} : memref<1024xi32, #tpu.memory_space<vmem>>, vector<16xi32>,
    %add3A_1379 = arith.addi %get3A_1378, %add3A_1331 : vector<16xi32>
    %swap3A_1380 = arith.constant 624 : index
    %swap3A_1381 = tpu.vector_load %arg16[%swap3A_1380] {strides = array<i32>} : memref<1024xi32, #tpu.memory_space<vmem>>, vector<16xi32>,
    tpu.vector_store %arg16[%swap3A_1380], %add3A_1379 {strides = array<i32>} : memref<1024xi32, #tpu.memory_space<vmem>>, vector<16xi32>,
    %get3A_1382 = arith.constant 688 : index
    %get3A_1383 = tpu.vector_load %arg16[%get3A_1382] {strides = array<i32>} : memref<1024xi32, #tpu.memory_space<vmem>>, vector<16xi32>,
    %add3A_1384 = arith.addi %get3A_1383, %add3A_1331 : vector<16xi32>
    %swap3A_1385 = arith.constant 688 : index
    %swap3A_1386 = tpu.vector_load %arg16[%swap3A_1385] {strides = array<i32>} : memref<1024xi32, #tpu.memory_space<vmem>>, vector<16xi32>,
    tpu.vector_store %arg16[%swap3A_1385], %add3A_1384 {strides = array<i32>} : memref<1024xi32, #tpu.memory_space<vmem>>, vector<16xi32>,
    %get3A_1387 = arith.constant 752 : index
    %get3A_1388 = tpu.vector_load %arg16[%get3A_1387] {strides = array<i32>} : memref<1024xi32, #tpu.memory_space<vmem>>, vector<16xi32>,
    %add3A_1389 = arith.addi %get3A_1388, %add3A_1331 : vector<16xi32>
    %swap3A_1390 = arith.constant 752 : index
    %swap3A_1391 = tpu.vector_load %arg16[%swap3A_1390] {strides = array<i32>} : memref<1024xi32, #tpu.memory_space<vmem>>, vector<16xi32>,
    tpu.vector_store %arg16[%swap3A_1390], %add3A_1389 {strides = array<i32>} : memref<1024xi32, #tpu.memory_space<vmem>>, vector<16xi32>,
    %get3A_1392 = arith.constant 816 : index
    %get3A_1393 = tpu.vector_load %arg16[%get3A_1392] {strides = array<i32>} : memref<1024xi32, #tpu.memory_space<vmem>>, vector<16xi32>,
    %add3A_1394 = arith.addi %get3A_1393, %add3A_1331 : vector<16xi32>
    %swap3A_1395 = arith.constant 816 : index
    %swap3A_1396 = tpu.vector_load %arg16[%swap3A_1395] {strides = array<i32>} : memref<1024xi32, #tpu.memory_space<vmem>>, vector<16xi32>,
    tpu.vector_store %arg16[%swap3A_1395], %add3A_1394 {strides = array<i32>} : memref<1024xi32, #tpu.memory_space<vmem>>, vector<16xi32>,
    %get3A_1397 = arith.constant 880 : index
    %get3A_1398 = tpu.vector_load %arg16[%get3A_1397] {strides = array<i32>} : memref<1024xi32, #tpu.memory_space<vmem>>, vector<16xi32>,
    %add3A_1399 = arith.addi %get3A_1398, %add3A_1331 : vector<16xi32>
    %swap3A_1400 = arith.constant 880 : index
    %swap3A_1401 = tpu.vector_load %arg16[%swap3A_1400] {strides = array<i32>} : memref<1024xi32, #tpu.memory_space<vmem>>, vector<16xi32>,
    tpu.vector_store %arg16[%swap3A_1400], %add3A_1399 {strides = array<i32>} : memref<1024xi32, #tpu.memory_space<vmem>>, vector<16xi32>,
    %get3A_1402 = arith.constant 944 : index
    %get3A_1403 = tpu.vector_load %arg16[%get3A_1402] {strides = array<i32>} : memref<1024xi32, #tpu.memory_space<vmem>>, vector<16xi32>,
    %add3A_1404 = arith.addi %get3A_1403, %add3A_1331 : vector<16xi32>
    %swap3A_1405 = arith.constant 944 : index
    %swap3A_1406 = tpu.vector_load %arg16[%swap3A_1405] {strides = array<i32>} : memref<1024xi32, #tpu.memory_space<vmem>>, vector<16xi32>,
    tpu.vector_store %arg16[%swap3A_1405], %add3A_1404 {strides = array<i32>} : memref<1024xi32, #tpu.memory_space<vmem>>, vector<16xi32>,
    %get3A_1407 = arith.constant 1008 : index
    %get3A_1408 = tpu.vector_load %arg16[%get3A_1407] {strides = array<i32>} : memref<1024xi32, #tpu.memory_space<vmem>>, vector<16xi32>,
    %add3A_1409 = arith.addi %get3A_1408, %add3A_1331 : vector<16xi32>
    %swap3A_1410 = arith.constant 1008 : index
    %swap3A_1411 = tpu.vector_load %arg16[%swap3A_1410] {strides = array<i32>} : memref<1024xi32, #tpu.memory_space<vmem>>, vector<16xi32>,
    tpu.vector_store %arg16[%swap3A_1410], %add3A_1409 {strides = array<i32>} : memref<1024xi32, #tpu.memory_space<vmem>>, vector<16xi32>,
    %eq3A = arith.constant 0 : i32
    %eq3A_1412 = arith.cmpi eq, %arg1, %eq3A : i32
    %convert_element_type3A = arith.extui %eq3A_1412 : i1 to i32
    %cond3A = arith.constant 0 : i32
    %cond3A_1413 = arith.cmpi ne, %convert_element_type3A, %cond3A : i32
    scf.if %cond3A_1413 {
      "tpu.region"() ({
        %run_scoped3A = tpu.sem_alloc : memref<!tpu.dma_semaphore, #tpu.memory_space<semaphore_mem>>
        tpu.enqueue_dma source(%arg20 : memref<64xi32, #tpu.memory_space<vmem>>) target(%arg9 : memref<64xi32, #tpu.memory_space<hbm>>) target_semaphore(%run_scoped3A : memref<!tpu.dma_semaphore, #tpu.memory_space<semaphore_mem>>)
        tpu.wait_dma2 semaphore(%run_scoped3A : memref<!tpu.dma_semaphore, #tpu.memory_space<semaphore_mem>>) src(%arg20 : memref<64xi32, #tpu.memory_space<vmem>>) dst(%arg9 : memref<64xi32, #tpu.memory_space<hbm>>)
        tpu.yield
      }) : () -> ()
    } else {
    }
    %scan3A_1414 = arith.constant 0 : i32
    %scan3A_1415 = arith.constant 0 : i32
    %scan3A_1416 = arith.constant 128 : i32
    %scan3A_1417 = arith.addi %scan3A_1415, %scan3A_1416 : i32
    %scan3A_1418 = arith.constant 1 : i32
    scf.for %scan3A_1421 = %scan3A_1415 to %scan3A_1417 step %scan3A_1418  : i32 {
      %mul3A_1422 = arith.constant 128 : i32
      %mul3A_1423 = vector.broadcast %mul3A_1422 : i32 to vector<16xi32>
      %mul3A_1424 = arith.muli %iota3A, %mul3A_1423 : vector<16xi32>
      %add3A_1425 = vector.broadcast %scan3A_1421 : i32 to vector<16xi32>
      %add3A_1426 = arith.addi %mul3A_1424, %add3A_1425 : vector<16xi32>
      %add3A_1427 = vector.broadcast %mul3A_0 : i32 to vector<16xi32>
      %add3A_1428 = arith.addi %add3A_1427, %add3A_1426 : vector<16xi32>
      %mul3A_1429 = arith.constant 256 : i32
      %mul3A_1430 = vector.broadcast %mul3A_1429 : i32 to vector<16xi32>
      %mul3A_1431 = arith.muli %iota3A, %mul3A_1430 : vector<16xi32>
      %mul3A_1432 = arith.constant 2 : i32
      %mul3A_1433 = arith.muli %mul3A_1432, %scan3A_1421 : i32
      %add3A_1434 = vector.broadcast %mul3A_1433 : i32 to vector<16xi32>
      %add3A_1435 = arith.addi %mul3A_1431, %add3A_1434 : vector<16xi32>
      %mul3A_1436 = arith.constant 256 : i32
      %mul3A_1437 = vector.broadcast %mul3A_1436 : i32 to vector<16xi32>
      %mul3A_1438 = arith.muli %iota3A, %mul3A_1437 : vector<16xi32>
      %mul3A_1439 = arith.constant 2 : i32
      %mul3A_1440 = arith.muli %mul3A_1439, %scan3A_1421 : i32
      %add3A_1441 = vector.broadcast %mul3A_1440 : i32 to vector<16xi32>
      %add3A_1442 = arith.addi %mul3A_1438, %add3A_1441 : vector<16xi32>
      %add3A_1443 = arith.constant 1 : i32
      %add3A_1444 = vector.broadcast %add3A_1443 : i32 to vector<16xi32>
      %add3A_1445 = arith.addi %add3A_1442, %add3A_1444 : vector<16xi32>
      %gather3A = tpu.vector_load_idx %arg10[%add3A_1426] : memref<2048xi32, #tpu.memory_space<vmem>>[vector<16xi32>], vector<16xi32>,
      %gather3A_1446 = tpu.vector_load_idx %arg14[%add3A_1435] : memref<4096xi32, #tpu.memory_space<vmem>>[vector<16xi32>], vector<16xi32>,
      %mul3A_1447 = arith.constant 64 : i32
      %mul3A_1448 = vector.broadcast %mul3A_1447 : i32 to vector<16xi32>
      %mul3A_1449 = arith.muli %iota3A, %mul3A_1448 : vector<16xi32>
      %add3A_1450 = arith.addi %mul3A_1449, %gather3A : vector<16xi32>
      %gather3A_1451 = tpu.vector_load_idx %arg16[%add3A_1450] : memref<1024xi32, #tpu.memory_space<vmem>>[vector<16xi32>], vector<16xi32>,
      %add3A_1452 = arith.addi %gather3A_1451, %gather3A_1446 : vector<16xi32>
      tpu.vector_store_idx %arg17[%add3A_1435], %add3A_1452 : memref<4096xi32, #tpu.memory_space<vmem>>[vector<16xi32>], vector<16xi32>,
      %gather3A_1453 = tpu.vector_load_idx %arg11[%add3A_1426] : memref<2048xi32, #tpu.memory_space<vmem>>[vector<16xi32>], vector<16xi32>,
      %gather3A_1454 = tpu.vector_load_idx %arg14[%add3A_1445] : memref<4096xi32, #tpu.memory_space<vmem>>[vector<16xi32>], vector<16xi32>,
      %mul3A_1455 = arith.constant 64 : i32
      %mul3A_1456 = vector.broadcast %mul3A_1455 : i32 to vector<16xi32>
      %mul3A_1457 = arith.muli %iota3A, %mul3A_1456 : vector<16xi32>
      %add3A_1458 = arith.addi %mul3A_1457, %gather3A_1453 : vector<16xi32>
      %gather3A_1459 = tpu.vector_load_idx %arg16[%add3A_1458] : memref<1024xi32, #tpu.memory_space<vmem>>[vector<16xi32>], vector<16xi32>,
      %add3A_1460 = arith.addi %gather3A_1459, %gather3A_1454 : vector<16xi32>
      tpu.vector_store_idx %arg17[%add3A_1445], %add3A_1460 : memref<4096xi32, #tpu.memory_space<vmem>>[vector<16xi32>], vector<16xi32>,
      tpu.vector_store_idx %arg18[%add3A_1435], %add3A_1428 : memref<4096xi32, #tpu.memory_space<vmem>>[vector<16xi32>], vector<16xi32>,
      tpu.vector_store_idx %arg18[%add3A_1445], %add3A_1428 : memref<4096xi32, #tpu.memory_space<vmem>>[vector<16xi32>], vector<16xi32>,
      %gather3A_1461 = tpu.vector_load_idx %arg12[%add3A_1426] : memref<2048xf32, #tpu.memory_space<vmem>>[vector<16xi32>], vector<16xf32>,
      %gather3A_1462 = tpu.vector_load_idx %arg13[%add3A_1426] : memref<2048xf32, #tpu.memory_space<vmem>>[vector<16xi32>], vector<16xf32>,
      tpu.vector_store_idx %arg19[%add3A_1435], %gather3A_1461 : memref<4096xf32, #tpu.memory_space<vmem>>[vector<16xi32>], vector<16xf32>,
      tpu.vector_store_idx %arg19[%add3A_1445], %gather3A_1462 : memref<4096xf32, #tpu.memory_space<vmem>>[vector<16xi32>], vector<16xf32>,
    }
    %scan3A_1419 = arith.constant 128 : i32
    "tpu.region"() ({
      %run_scoped3A = tpu.sem_alloc : memref<!tpu.dma_semaphore, #tpu.memory_space<semaphore_mem>>
      %dma_start3A = tpu.memref_slice %arg7[%mul3A_2] : memref<65536xi32, #tpu.memory_space<hbm>> -> memref<4096xi32, #tpu.memory_space<hbm>>
      %dma_start3A_1421 = tpu.memref_slice %arg7[%mul3A_2] : memref<65536xi32, #tpu.memory_space<hbm>> -> memref<4096xi32, #tpu.memory_space<hbm>>
      tpu.enqueue_dma source(%arg17 : memref<4096xi32, #tpu.memory_space<vmem>>) target(%dma_start3A_1421 : memref<4096xi32, #tpu.memory_space<hbm>>) target_semaphore(%run_scoped3A : memref<!tpu.dma_semaphore, #tpu.memory_space<semaphore_mem>>)
      %dma_wait3A = tpu.memref_slice %arg7[%mul3A_2] : memref<65536xi32, #tpu.memory_space<hbm>> -> memref<4096xi32, #tpu.memory_space<hbm>>
      %dma_wait3A_1422 = tpu.memref_slice %arg7[%mul3A_2] : memref<65536xi32, #tpu.memory_space<hbm>> -> memref<4096xi32, #tpu.memory_space<hbm>>
      tpu.wait_dma2 semaphore(%run_scoped3A : memref<!tpu.dma_semaphore, #tpu.memory_space<semaphore_mem>>) src(%arg17 : memref<4096xi32, #tpu.memory_space<vmem>>) dst(%dma_wait3A_1422 : memref<4096xi32, #tpu.memory_space<hbm>>)
      tpu.yield
    }) : () -> ()
    "tpu.region"() ({
      %run_scoped3A = tpu.sem_alloc : memref<!tpu.dma_semaphore, #tpu.memory_space<semaphore_mem>>
      %dma_start3A = tpu.memref_slice %arg8[%mul3A_2] : memref<65536xf32, #tpu.memory_space<hbm>> -> memref<4096xf32, #tpu.memory_space<hbm>>
      %dma_start3A_1421 = tpu.memref_slice %arg8[%mul3A_2] : memref<65536xf32, #tpu.memory_space<hbm>> -> memref<4096xf32, #tpu.memory_space<hbm>>
      tpu.enqueue_dma source(%arg19 : memref<4096xf32, #tpu.memory_space<vmem>>) target(%dma_start3A_1421 : memref<4096xf32, #tpu.memory_space<hbm>>) target_semaphore(%run_scoped3A : memref<!tpu.dma_semaphore, #tpu.memory_space<semaphore_mem>>)
      %dma_wait3A = tpu.memref_slice %arg8[%mul3A_2] : memref<65536xf32, #tpu.memory_space<hbm>> -> memref<4096xf32, #tpu.memory_space<hbm>>
      %dma_wait3A_1422 = tpu.memref_slice %arg8[%mul3A_2] : memref<65536xf32, #tpu.memory_space<hbm>> -> memref<4096xf32, #tpu.memory_space<hbm>>
      tpu.wait_dma2 semaphore(%run_scoped3A : memref<!tpu.dma_semaphore, #tpu.memory_space<semaphore_mem>>) src(%arg19 : memref<4096xf32, #tpu.memory_space<vmem>>) dst(%dma_wait3A_1422 : memref<4096xf32, #tpu.memory_space<hbm>>)
      tpu.yield
    }) : () -> ()
    "tpu.region"() ({
      %run_scoped3A = tpu.sem_alloc : memref<!tpu.dma_semaphore, #tpu.memory_space<semaphore_mem>>
      %dma_start3A = arith.constant 0 : i32
      %dma_start3A_1421 = tpu.memref_slice %arg23[%dma_start3A] : memref<65536xi32, #tpu.memory_space<vmem_shared>> -> memref<65536xi32, #tpu.memory_space<vmem_shared>>
      tpu.enqueue_indirect_dma source(%arg18 : memref<4096xi32, #tpu.memory_space<vmem>>) target(%dma_start3A_1421 : memref<65536xi32, #tpu.memory_space<vmem_shared>>) offsets(%arg17 : memref<4096xi32, #tpu.memory_space<vmem>>) semaphore(%run_scoped3A : memref<!tpu.dma_semaphore, #tpu.memory_space<semaphore_mem>>)
      %dma_wait3A = arith.constant 0 : i32
      %dma_wait3A_1422 = tpu.memref_slice %arg23[%dma_wait3A] : memref<65536xi32, #tpu.memory_space<vmem_shared>> -> memref<65536xi32, #tpu.memory_space<vmem_shared>>
      tpu.wait_indirect_dma semaphore(%run_scoped3A : memref<!tpu.dma_semaphore, #tpu.memory_space<semaphore_mem>>) src(%arg18 : memref<4096xi32, #tpu.memory_space<vmem>>) dst(%dma_wait3A_1422 : memref<65536xi32, #tpu.memory_space<vmem_shared>>)
      tpu.yield
    }) : () -> ()
    %barrier3A_1420 = arith.constant 0 : index
    tpu.barrier barrier_id(%barrier3A_1420)
    "tpu.region"() ({
      %run_scoped3A = tpu.sem_alloc : memref<!tpu.dma_semaphore, #tpu.memory_space<semaphore_mem>>
      %dma_start3A = tpu.memref_slice %arg6[%mul3A_2] : memref<65536xi32, #tpu.memory_space<hbm>> -> memref<4096xi32, #tpu.memory_space<hbm>>
      %dma_start3A_1421 = tpu.memref_slice %arg23[%mul3A_2] : memref<65536xi32, #tpu.memory_space<vmem_shared>> -> memref<4096xi32, #tpu.memory_space<vmem_shared>>
      tpu.enqueue_dma source(%dma_start3A_1421 : memref<4096xi32, #tpu.memory_space<vmem_shared>>) target(%dma_start3A : memref<4096xi32, #tpu.memory_space<hbm>>) target_semaphore(%run_scoped3A : memref<!tpu.dma_semaphore, #tpu.memory_space<semaphore_mem>>)
      %dma_wait3A = tpu.memref_slice %arg6[%mul3A_2] : memref<65536xi32, #tpu.memory_space<hbm>> -> memref<4096xi32, #tpu.memory_space<hbm>>
      %dma_wait3A_1422 = tpu.memref_slice %arg23[%mul3A_2] : memref<65536xi32, #tpu.memory_space<vmem_shared>> -> memref<4096xi32, #tpu.memory_space<vmem_shared>>
      tpu.wait_dma2 semaphore(%run_scoped3A : memref<!tpu.dma_semaphore, #tpu.memory_space<semaphore_mem>>) src(%dma_wait3A_1422 : memref<4096xi32, #tpu.memory_space<vmem_shared>>) dst(%dma_wait3A : memref<4096xi32, #tpu.memory_space<hbm>>)
      tpu.yield
    }) : () -> ()
    return
  }
}

module attributes {stable_mosaic.version = 14 : i64} {
  func.func @_router_body(%arg0: i32, %arg1: memref<4096x768xf32, #tpu.memory_space<vmem>>, %arg2: memref<64x768xf32, #tpu.memory_space<vmem>>, %arg3: memref<64x4096xf32, #tpu.memory_space<vmem>>, %arg4: memref<4096xi32, #tpu.memory_space<vmem>>, %arg5: memref<4096xi32, #tpu.memory_space<vmem>>, %arg6: memref<4096xf32, #tpu.memory_space<vmem>>, %arg7: memref<4096xf32, #tpu.memory_space<vmem>>) attributes {dimension_semantics = [#tpu.dimension_semantics<arbitrary>], iteration_bounds = array<i64: 8>, scalar_prefetch = 0 : i64, scratch_operands = 0 : i64, tpu.core_type = #tpu.core_type<tc>, window_params = [{transform_indices = @transform_0, window_bounds = array<i64: 4096, 768>}, {pipeline_mode = #tpu.pipeline_mode<synchronous>, transform_indices = @transform_1, window_bounds = array<i64: 64, 768>}, {transform_indices = @transform_2, window_bounds = array<i64: 64, 4096>}, {transform_indices = @transform_3, window_bounds = array<i64: 4096>}, {transform_indices = @transform_4, window_bounds = array<i64: 4096>}, {transform_indices = @transform_5, window_bounds = array<i64: 4096>}, {transform_indices = @transform_6, window_bounds = array<i64: 4096>}]} {
    %get3A = arith.constant 0 : index
    %get3A_0 = arith.constant 0 : index
    %get3A_1 = vector.load %arg1[%get3A, %get3A_0] : memref<4096x768xf32, #tpu.memory_space<vmem>>, vector<4096x768xf32>
    %get3A_2 = arith.constant 0 : index
    %get3A_3 = arith.constant 0 : index
    %get3A_4 = vector.load %arg2[%get3A_2, %get3A_3] : memref<64x768xf32, #tpu.memory_space<vmem>>, vector<64x768xf32>
    %dot_general3A = arith.constant dense<0.000000e+00> : vector<64x4096xf32>
    %dot_general3A_5 = tpu.matmul %get3A_4, %get3A_1, %dot_general3A {dimension_numbers = #tpu.dot_dimension_numbers<[1], [1], [0], [0], [0, 0, 1, 0], [], []>, transpose_lhs_hint = false} : vector<64x768xf32>, vector<4096x768xf32>, vector<64x4096xf32> -> vector<64x4096xf32>
    %reduce_max3A = arith.constant dense<0xFF800000> : vector<4096xf32>
    %reduce_max3A_6 = vector.multi_reduction <maximumf>, %dot_general3A_5, %reduce_max3A [0] : vector<64x4096xf32> to vector<4096xf32>
    %broadcast_in_dim3A = vector.shape_cast %reduce_max3A_6 : vector<4096xf32> to vector<1x4096xf32>
    %sub3A = vector.broadcast %broadcast_in_dim3A : vector<1x4096xf32> to vector<64x4096xf32>
    %sub3A_7 = arith.subf %dot_general3A_5, %sub3A : vector<64x4096xf32>
    %exp3A = math.exp %sub3A_7 : vector<64x4096xf32>
    %reduce_sum3A = arith.constant dense<0.000000e+00> : vector<4096xf32>
    %reduce_sum3A_8 = vector.multi_reduction <add>, %exp3A, %reduce_sum3A [0] : vector<64x4096xf32> to vector<4096xf32>
    %broadcast_in_dim3A_9 = vector.shape_cast %reduce_sum3A_8 : vector<4096xf32> to vector<1x4096xf32>
    %div3A = vector.broadcast %broadcast_in_dim3A_9 : vector<1x4096xf32> to vector<64x4096xf32>
    %div3A_10 = arith.divf %exp3A, %div3A : vector<64x4096xf32>
    %swap3A = arith.constant 0 : index
    %swap3A_11 = arith.constant 0 : index
    %swap3A_12 = vector.load %arg3[%swap3A, %swap3A_11] : memref<64x4096xf32, #tpu.memory_space<vmem>>, vector<64x4096xf32>
    tpu.vector_store %arg3[%swap3A, %swap3A_11], %div3A_10 {strides = array<i32>} : memref<64x4096xf32, #tpu.memory_space<vmem>>, vector<64x4096xf32>,
    %iota3A = tpu.iota {dimensions = array<i32: 0>} : vector<64x4096xi32>
    %reduce_max3A_13 = arith.constant dense<0xFF800000> : vector<4096xf32>
    %reduce_max3A_14 = vector.multi_reduction <maximumf>, %div3A_10, %reduce_max3A_13 [0] : vector<64x4096xf32> to vector<4096xf32>
    %broadcast_in_dim3A_15 = vector.shape_cast %reduce_max3A_14 : vector<4096xf32> to vector<1x4096xf32>
    %eq3A = vector.broadcast %broadcast_in_dim3A_15 : vector<1x4096xf32> to vector<64x4096xf32>
    %eq3A_16 = arith.cmpf oeq, %div3A_10, %eq3A : vector<64x4096xf32>
    %jit3A = arith.constant 64 : i32
    %broadcast_in_dim3A_17 = vector.broadcast %jit3A : i32 to vector<64x4096xi32>
    %select_n3A = arith.select %eq3A_16, %iota3A, %broadcast_in_dim3A_17 : vector<64x4096xi1>, vector<64x4096xi32>
    %reduce_min3A = arith.constant dense<2147483647> : vector<4096xi32>
    %reduce_min3A_18 = vector.multi_reduction <minsi>, %select_n3A, %reduce_min3A [0] : vector<64x4096xi32> to vector<4096xi32>
    %broadcast_in_dim3A_19 = vector.shape_cast %reduce_min3A_18 : vector<4096xi32> to vector<1x4096xi32>
    %eq3A_20 = vector.broadcast %broadcast_in_dim3A_19 : vector<1x4096xi32> to vector<64x4096xi32>
    %eq3A_21 = arith.cmpi eq, %iota3A, %eq3A_20 : vector<64x4096xi32>
    %jit3A_22 = arith.constant -1.000000e+00 : f32
    %broadcast_in_dim3A_23 = vector.broadcast %jit3A_22 : f32 to vector<64x4096xf32>
    %select_n3A_24 = arith.select %eq3A_21, %broadcast_in_dim3A_23, %div3A_10 : vector<64x4096xi1>, vector<64x4096xf32>
    %reduce_max3A_25 = arith.constant dense<0xFF800000> : vector<4096xf32>
    %reduce_max3A_26 = vector.multi_reduction <maximumf>, %select_n3A_24, %reduce_max3A_25 [0] : vector<64x4096xf32> to vector<4096xf32>
    %broadcast_in_dim3A_27 = vector.shape_cast %reduce_max3A_26 : vector<4096xf32> to vector<1x4096xf32>
    %eq3A_28 = vector.broadcast %broadcast_in_dim3A_27 : vector<1x4096xf32> to vector<64x4096xf32>
    %eq3A_29 = arith.cmpf oeq, %select_n3A_24, %eq3A_28 : vector<64x4096xf32>
    %jit3A_30 = arith.constant 64 : i32
    %broadcast_in_dim3A_31 = vector.broadcast %jit3A_30 : i32 to vector<64x4096xi32>
    %select_n3A_32 = arith.select %eq3A_29, %iota3A, %broadcast_in_dim3A_31 : vector<64x4096xi1>, vector<64x4096xi32>
    %reduce_min3A_33 = arith.constant dense<2147483647> : vector<4096xi32>
    %reduce_min3A_34 = vector.multi_reduction <minsi>, %select_n3A_32, %reduce_min3A_33 [0] : vector<64x4096xi32> to vector<4096xi32>
    %broadcast_in_dim3A_35 = vector.shape_cast %reduce_min3A_34 : vector<4096xi32> to vector<1x4096xi32>
    %sub3A_36 = arith.subf %broadcast_in_dim3A_27, %broadcast_in_dim3A_15 : vector<1x4096xf32>
    %exp3A_37 = math.exp %sub3A_36 : vector<1x4096xf32>
    %add3A = arith.constant 1.000000e+00 : f32
    %add3A_38 = vector.broadcast %add3A : f32 to vector<1x4096xf32>
    %add3A_39 = arith.addf %add3A_38, %exp3A_37 : vector<1x4096xf32>
    %div3A_40 = arith.constant 1.000000e+00 : f32
    %div3A_41 = vector.broadcast %div3A_40 : f32 to vector<1x4096xf32>
    %div3A_42 = arith.divf %div3A_41, %add3A_39 : vector<1x4096xf32>
    %div3A_43 = arith.divf %exp3A_37, %add3A_39 : vector<1x4096xf32>
    %reshape3A = vector.shape_cast %broadcast_in_dim3A_19 : vector<1x4096xi32> to vector<4096xi32>
    %swap3A_44 = arith.constant 0 : index
    %swap3A_45 = vector.load %arg4[%swap3A_44] : memref<4096xi32, #tpu.memory_space<vmem>>, vector<4096xi32>
    tpu.vector_store %arg4[%swap3A_44], %reshape3A {strides = array<i32>} : memref<4096xi32, #tpu.memory_space<vmem>>, vector<4096xi32>,
    %reshape3A_46 = vector.shape_cast %broadcast_in_dim3A_35 : vector<1x4096xi32> to vector<4096xi32>
    %swap3A_47 = arith.constant 0 : index
    %swap3A_48 = vector.load %arg5[%swap3A_47] : memref<4096xi32, #tpu.memory_space<vmem>>, vector<4096xi32>
    tpu.vector_store %arg5[%swap3A_47], %reshape3A_46 {strides = array<i32>} : memref<4096xi32, #tpu.memory_space<vmem>>, vector<4096xi32>,
    %reshape3A_49 = vector.shape_cast %div3A_42 : vector<1x4096xf32> to vector<4096xf32>
    %swap3A_50 = arith.constant 0 : index
    %swap3A_51 = vector.load %arg6[%swap3A_50] : memref<4096xf32, #tpu.memory_space<vmem>>, vector<4096xf32>
    tpu.vector_store %arg6[%swap3A_50], %reshape3A_49 {strides = array<i32>} : memref<4096xf32, #tpu.memory_space<vmem>>, vector<4096xf32>,
    %reshape3A_52 = vector.shape_cast %div3A_43 : vector<1x4096xf32> to vector<4096xf32>
    %swap3A_53 = arith.constant 0 : index
    %swap3A_54 = vector.load %arg7[%swap3A_53] : memref<4096xf32, #tpu.memory_space<vmem>>, vector<4096xf32>
    tpu.vector_store %arg7[%swap3A_53], %reshape3A_52 {strides = array<i32>} : memref<4096xf32, #tpu.memory_space<vmem>>, vector<4096xf32>,
    return
  }
  func.func @transform_0(%arg0: i32) -> (i32, i32) {
    %c0_i32 = arith.constant 0 : i32
    %c0_i32_0 = arith.constant 0 : i32
    return %arg0, %c0_i32 : i32, i32
  }
  func.func @transform_1(%arg0: i32) -> (i32, i32) {
    %c0_i32 = arith.constant 0 : i32
    %c0_i32_0 = arith.constant 0 : i32
    %c0_i32_1 = arith.constant 0 : i32
    return %c0_i32, %c0_i32_0 : i32, i32
  }
  func.func @transform_2(%arg0: i32) -> (i32, i32) {
    %c0_i32 = arith.constant 0 : i32
    %c0_i32_0 = arith.constant 0 : i32
    return %c0_i32, %arg0 : i32, i32
  }
  func.func @transform_3(%arg0: i32) -> i32 {
    %c0_i32 = arith.constant 0 : i32
    return %arg0 : i32
  }
  func.func @transform_4(%arg0: i32) -> i32 {
    %c0_i32 = arith.constant 0 : i32
    return %arg0 : i32
  }
  func.func @transform_5(%arg0: i32) -> i32 {
    %c0_i32 = arith.constant 0 : i32
    return %arg0 : i32
  }
  func.func @transform_6(%arg0: i32) -> i32 {
    %c0_i32 = arith.constant 0 : i32
    return %arg0 : i32
  }
}

</mosaic_0001>

<sc_bundles>
// kernel: kernel.4.cloned.1.call-start
scs
__scs_entry_jumppad:
0x0: {  	(pc) =	sbr.rel $0x88, $3  }
0x1: {  	(tag) =	ssettag $0x0;
	lr =	simm.s32 $0x1  }
0x2: {  	[smem:$0x3F9F] =	sst lr;
	_ =	strace $0xD0000000  }
0x3: {  	_ = 	snop  }
0x4: {  	_ = 	snop  }
0x5: {  	_ = 	snop  }
0x6: {  	_ = 	snop  }
0x7: {  	_ = 	snop  }
__scs_overlays_trampoline_lowered:
0x8: {  	[smem:$0x3FAE] =	sst s0  }
0x9: {  	[smem:$0x3FAF] =	sst s1  }
0xa: {  	[smem:$0x3FB0] =	sst s2  }
0xb: {  	[smem:$0x3FB1] =	sst s3  }
0xc: {  	[smem:$0x3FB2] =	sst s4  }
0xd: {  	[smem:$0x3FB3] =	sst s5  }
0xe: {  	[smem:$0x3FB4] =	sst s6  }
0xf: {  	[smem:$0x3FB5] =	sst s7  }
0x10: {  	[smem:$0x3FB6] =	sst s8  }
0x11: {  	[smem:$0x3FB7] =	sst s9;
	s0 =	simm.s32 @!p0 $0x0  }
0x12: {  	s1 =	sld [smem:$0x3F9D];
	s0 =	simm.s32 @p0 $0x1  }
0x13: {  	[smem:$0x3FB8] =	sst s0;
	s0 =	simm.s32 @!p1 $0x0  }
0x14: {  	s2 =	sld [smem:$0x3F9C];
	s0 =	simm.s32 @p1 $0x1  }
0x15: {  	[smem:$0x3FB9] =	sst s0;
	s0 =	simm.s32 @!p2 $0x0  }
0x16: {  	s3 =	sld [smem:$0x3FDB];
	s0 =	simm.s32 @p2 $0x1  }
0x17: {  	s4 =	simm.s32 $0x1BF5;
	[smem:$0x3FBB] =	sst s0  }
0x18: {  	s0 =	sld [smem:$0x3F9E];
	_ =	swait.ge [sflag:s4], $0x0  }
0x19: {  	s7 =	sld [smem:$0x3F9F]  }
0x1a: {  	s8 =	sadd.s32 $0xFFFFE003, lr  }
0x1b: {  	s9 =	sadd.s32 $0xFFFFFEF7, lr;
	s5 =	simm.s32 $0xFFFFFFFF;
	p2 =	slt.u32 s8, $0xFFFFF086  }
0x1c: {  	p1 =	slt.u32 s9, $0xF7A;
	s5 =	simm.s32 @!p2 $0x0  }
0x1d: {  	s5 =	simm.s32 @p1 $0x1;
	p0 =	seq.s32 s7, s2  }
0x1e: {  	s7 =	smul.u32 @!p0 $0xF7A, s2;
	p2 =	seq.s32 @!p0 s5, $0x0  }
0x1f: {  	s9 =	smul.u32 $0xF7A, s1;
	s8 =	simm.s32 @!p0 $0x1BF5;
	p2 =	por !p2, p0  }
0x20: {  	[sflag:s8] =	ssyncset.s32 @!p0 $0xFFFFF086;
	s6 =	sadd.s32 @!p0 s3, s7;
	s7 =	simm.s32 @!p0 $0x108  }
0x21: {  	s3 =	sadd.s32 s3, s9;
	s6 =	sadd.s32 @!p0 $0x88, s6;
	s7 =	simm.s32 @p2 $0x1082  }
0x22: {  	[simem:s7], [sflag:s8] =	dma.local @!p0 [hbm:s6], $0xF7A  }
0x23: {  	s9 =	sor.u32 $0xD0000000, s2;
	s6 =	simm.s32 $0x108;
	_ =	swait.ge @!p0 [sflag:s8], $0x0  }
0x24: {  	s3 =	sadd.s32 $0x88, s3;
	s6 =	simm.s32 @!p1 $0x1082;
	[sflag:s4] =	ssyncset.s32 $0xFFFFF086  }
0x25: {  	[simem:s6], [sflag:s4] =	dma.local [hbm:s3], $0xF7A  }
0x26: {  	[smem:$0x3F9F] =	sst s1;
	(tag) =	ssettag s2;
	_ =	strace s9  }
0x27: {  	s1 =	sld [smem:$0x3FAF]  }
0x28: {  	s2 =	sld [smem:$0x3FB0]  }
0x29: {  	s4 =	sld [smem:$0x3FB2]  }
0x2a: {  	p0 =	seq.s32 s5, $0x0;
	s5 =	sld [smem:$0x3FB3]  }
0x2b: {  	s6 =	sld [smem:$0x3FB4]  }
0x2c: {  	s7 =	sld [smem:$0x3FB5]  }
0x2d: {  	s3 =	simm.s32 $0x108;
	s8 =	sld [smem:$0x3FB6]  }
0x2e: {  	s3 =	simm.s32 @!p0 $0x1082;
	s9 =	sld [smem:$0x3FB7]  }
0x2f: {  	lr =	sadd.s32 s0, s3;
	s0 =	sld [smem:$0x3FAE]  }
0x30: {  	s3 =	sld [smem:$0x3FB1]  }
0x31: {  	[smem:$0x3FBA] =	sst s10  }
0x32: {  	s10 =	sld [smem:$0x3FB8];
	_ =	sdelay $0x3  }
0x33: {  	p0 =	seq.s32 s10, $0x1;
	s10 =	sld [smem:$0x3FBA];
	_ =	sdelay $0x3  }
0x34: {  	[smem:$0x3FBA] =	sst s10  }
0x35: {  	s10 =	sld [smem:$0x3FB9];
	_ =	sdelay $0x3  }
0x36: {  	p1 =	seq.s32 s10, $0x1;
	s10 =	sld [smem:$0x3FBA];
	_ =	sdelay $0x3  }
0x37: {  	[smem:$0x3FBA] =	sst s10  }
0x38: {  	s10 =	sld [smem:$0x3FBB]  }
0x39: {  	_ = 	snop;
	(pc) =	sbr.ind lr, $3  }
0x3a: {  	_ = 	snop  }
0x3b: {  	_ = 	snop  }
0x3c: {  	p2 =	seq.s32 s10, $0x1;
	s10 =	sld [smem:$0x3FBA]  }
0x3d: {  	_ =	shalt  }
0x3e: {  	_ =	shalt  }
0x3f: {  	_ =	shalt  }
0x40: {  	_ =	shalt  }
0x41: {  	_ =	shalt  }
0x42: {  	_ =	shalt  }
0x43: {  	_ =	shalt  }
0x44: {  	_ =	shalt  }
0x45: {  	_ =	shalt  }
0x46: {  	_ =	shalt  }
0x47: {  	_ =	shalt  }
0x48: {  	_ =	shalt  }
0x49: {  	_ =	shalt  }
0x4a: {  	_ =	shalt  }
0x4b: {  	_ =	shalt  }
0x4c: {  	_ =	shalt  }
0x4d: {  	_ =	shalt  }
0x4e: {  	_ =	shalt  }
0x4f: {  	_ =	shalt  }
0x50: {  	_ =	shalt  }
0x51: {  	_ =	shalt  }
0x52: {  	_ =	shalt  }
0x53: {  	_ =	shalt  }
0x54: {  	_ =	shalt  }
0x55: {  	_ =	shalt  }
0x56: {  	_ =	shalt  }
0x57: {  	_ =	shalt  }
0x58: {  	_ =	shalt  }
0x59: {  	_ =	shalt  }
0x5a: {  	_ =	shalt  }
0x5b: {  	_ =	shalt  }
0x5c: {  	_ =	shalt  }
0x5d: {  	_ =	shalt  }
0x5e: {  	_ =	shalt  }
0x5f: {  	_ =	shalt  }
0x60: {  	_ =	shalt  }
0x61: {  	_ =	shalt  }
0x62: {  	_ =	shalt  }
0x63: {  	_ =	shalt  }
0x64: {  	_ =	shalt  }
0x65: {  	_ =	shalt  }
0x66: {  	_ =	shalt  }
0x67: {  	_ =	shalt  }
0x68: {  	_ =	shalt  }
0x69: {  	_ =	shalt  }
0x6a: {  	_ =	shalt  }
0x6b: {  	_ =	shalt  }
0x6c: {  	_ =	shalt  }
0x6d: {  	_ =	shalt  }
0x6e: {  	_ =	shalt  }
0x6f: {  	_ =	shalt  }
0x70: {  	_ =	shalt  }
0x71: {  	_ =	shalt  }
0x72: {  	_ =	shalt  }
0x73: {  	_ =	shalt  }
0x74: {  	_ =	shalt  }
0x75: {  	_ =	shalt  }
0x76: {  	_ =	shalt  }
0x77: {  	_ =	shalt  }
0x78: {  	_ =	shalt  }
0x79: {  	_ =	shalt  }
0x7a: {  	_ =	shalt  }
0x7b: {  	_ =	shalt  }
0x7c: {  	_ =	shalt  }
0x7d: {  	_ =	shalt  }
0x7e: {  	_ =	shalt  }
0x7f: {  	_ =	shalt  }
0x80: {  	_ =	shalt  }
0x81: {  	_ =	shalt  }
0x82: {  	_ =	shalt  }
0x83: {  	_ =	shalt  }
0x84: {  	_ =	shalt  }
0x85: {  	_ =	shalt  }
0x86: {  	_ =	shalt  }
0x87: {  	_ =	shalt  }
.Lfunc_end0:
.L_simem_size_0:
called_computation_lowered:
.L_overlay_start_0:
0x88: {  	s0 =	sld [smem:$0x3FD9]  }
0x89: {  	s1 =	sld [smem:$0x3FFE];
	_ =	sdelay $0x3  }
0x8a: {  	s0 =	sadd.s32 s1, s0  }
0x8b: {  	[smem:$0x3FC6] =	sst s0  }
0x8c: {  	_ = 	snop  }
0x8d: {  	s0 =	sld [smem:$0x3FD0];
	_ =	sdelay $0x2  }
0x8e: {  	s13 =	simm.s32 $0xA;
	s2 =	simm.s32 $0x10  }
0x8f: {  	[smem:s2], [sflag:s13] =	dma.local [hbm:s0], $0x1  }
0x90: {  	_ =	swait.eq [sflag:s13], $0x1  }
0x91: {  	s14 =	sld [smem:$0x10]  }
0x92: {  	s15 =	sld [smem:$0x11];
	[sflag:s13] =	ssyncset.done $0x0  }
0x93: {  	s3 =	sld [smem:$0x12];
	[sflag:s13] =	ssyncadd.s32 $0xFFFFFFFF  }
0x94: {  	s16 =	sld [smem:$0x13];
	(tm) =	ssettm $0x1  }
0x95: {  	s4 =	sld [smem:$0x3FFB];
	_ =	sdelay $0x3  }
0x96: {  	_ =	strace s4  }
0x97: {  	s4 =	sld [smem:$0x3FFC];
	_ =	sdelay $0x3  }
0x98: {  	_ =	strace s4  }
0x99: {  	s4 =	sld [smem:$0x3FFD];
	_ =	sdelay $0x3  }
0x9a: {  	_ =	strace s4  }
0x9b: {  	_ =	strace $0x8FFFFFFF  }
0x9c: {  	s17 =	sld [smem:$0x3FDB];
	_ =	sdelay $0x1  }
0x9d: {  	s5 =	simm.s32 $_scs_section_size  }
0x9e: {  	s6 =	simm.s32 $_size__tile_overlayer_lowered;
	s7 =	simm.s32 $_tile_overlayer_lowered  }
0x9f: {  	s20 =	simm.s32 $0x1BFF;
	s19 =	sshll.u32 s7, $0x1;
	s4 =	sadd.s32 s5, s17  }
0xa0: {  	s8 =	simm.s32 $0x0;
	s18 =	sshll.u32 s6, $0x1;
	s6 =	sadd.s32 s19, s4  }
0xa1: {  	[timem:s8], [sflag:s20] =	dma.local [hbm:s6], s18  }
0xa2: {  	_ =	swait.ge [sflag:s20], s18  }
0xa3: {  	s5 =	ssub.s32 $0x0, s18;
	[sflag:s20] =	ssyncset.done $0x0  }
0xa4: {  	[sflag:s20] =	ssyncadd.s32 s5;
	_ =	sdelay $0x1  }
0xa5: {  	s21 =	simm.s32 $0x1B8B  }
0xa6: {  	_ =	swait.ge [sflag:s21], $0x1  }
0xa7: {  	[sflag:s21] =	ssyncset.done $0x0  }
0xa8: {  	s23 =	simm.s32 $0x1B8E;
	s22 =	sld [smem:$0x3FFE];
	[sflag:s21] =	ssyncadd.s32 $0xFFFFFFFF  }
0xa9: {  	s24 =	simm.s32 $execute0_lowered;
	[smem:$0x3FD2] =	sst s23  }
0xaa: {  	s6 =	sshll.u32 s24, $0x1;
	_ =	strace $0x80000046;
	[dreg:$0x1] =	wrdreg $0xFFFFFFFF  }
0xab: {  	s25 =	simm.s32 $_size_execute0_lowered;
	s4 =	sadd.s32 s4, s6;
	[dreg:$0x0] =	wrdreg $0x0  }
0xac: {  	s6 =	sshll.u32 s25, $0x1;
	[dreg:$0x2] =	wrdreg s4  }
0xad: {  	[dreg:$0x3] =	wrdreg s6  }
0xae: {  	[dreg:$0x4] =	wrdreg $0xC0  }
0xaf: {  	_ =	task [dreg:s8], $0x5FFFF  }
0xb0: {  	[dreg:$0x1] =	wrdreg $0xFFFFFFFF  }
0xb1: {  	[dreg:$0x0] =	wrdreg $0x60  }
0xb2: {  	[dreg:$0x2] =	wrdreg s22  }
0xb3: {  	[dreg:$0x3] =	wrdreg s14  }
0xb4: {  	[dreg:$0x4] =	wrdreg s15  }
0xb5: {  	[dreg:$0x5] =	wrdreg s3  }
0xb6: {  	[dreg:$0x6] =	wrdreg s16  }
0xb7: {  	[dreg:$0x7] =	wrdreg $0x6C800  }
0xb8: {  	[dreg:$0x8] =	wrdreg $0x6CC00  }
0xb9: {  	[dreg:$0x9] =	wrdreg $0x9  }
0xba: {  	_ =	task.clear_ibuf [dreg:s8], $0xAFFFF;
	_ =	strace $0x90000046  }
0xbb: {  	s26 =	simm.s32 $0x9;
	_ =	strace $0x80000048  }
0xbc: {  	_ =	swait.ge [sflag:s26], $0x1  }
0xbd: {  	[sflag:s26] =	ssyncadd.s32 $0xFFFFFFFF  }
0xbe: {  	_ =	strace $0x90000048  }
0xbf: {  	_ =	sfence  }
0xc0: {  	s28 =	sld [smem:$0x0];
	_ =	sdelay $0x1  }
0xc1: {  	s29 =	srdreg.scid  }
0xc2: {  	s30 =	sshll.u32 s29, $0xD;
	s31 =	sshrl.u32 s29, $0x2  }
0xc3: {  	s1 =	sand.u32 $0x1, s29;
	s2 =	sand.u32 $0x4000, s30;
	s0 =	sadd.s32 s31, s28  }
0xc4: {  	s1 =	sor.u32 s2, s1;
	s0 =	sshll.u32 s0, $0x11  }
0xc5: {  	s0 =	sor.u32 s0, s1  }
0xc6: {  	s0 =	sadd.s32 $0x8F2B, s0  }
0xc7: {  	[sflag:s0] =	ssyncadd.remote.s32 $0x1  }
0xc8: {  	_ =	sfence.sel $0xFFFF  }
0xc9: {  	[dreg:$0x0] =	wrdreg $0xFFFFFFFF;
	(pc) =	sbr.abs _section_cstart, $3  }
0xca: {  	[dreg:$0x1] =	wrdreg $0xFFFFFFFF  }
0xcb: {  	_ =	task.clear_ibuf [dreg:s8], $0x2FFFF;
	_ =	strace $0x9FFFFFFF  }
0xcc: {  	(tm) =	ssettm $0x7FFFFFFF  }
0xcd: {  	_ =	shalt  }
tec
execute0_lowered:
.L_overlay_start_1:
0x0: {  	(tag) =	ssettag $0x1  }
0x1: {  	s10 =	rddreg [dreg:$0x0]  }
0x2: {  	s3 =	rddreg [dreg:$0x1]  }
0x3: {  	s4 =	rddreg [dreg:$0x2]  }
0x4: {  	s5 =	rddreg [dreg:$0x3]  }
0x5: {  	s6 =	rddreg [dreg:$0x4]  }
0x6: {  	s7 =	rddreg [dreg:$0x5]  }
0x7: {  	s2 =	rddreg [dreg:$0x6];
	s1 =	stileid.u32  }
0x8: {  	s0 =	rddreg [dreg:$0x7];
	s9 =	simm.s32 $0x0;
	s8 =	sshll.u32 s1, $0x8  }
0x9: {  	[smem:$0x7FF] =	sst s9;
	s11 =	sadd.s32 s8, s10  }
0xa: {  	s12 =	simm.s32 $0x1;
	_ =	strace $0x80000047;
	s10 =	sadd.s32 $0x1400, s11  }
0xb: {  	[tilespmem:s9], [sflag:$0x1] =	stream.linear.gather [hbm4b:s10+s9], $0x800, $0x38;
	[tilespmem:$0x7CC0] =	vst v63  }
0xc: {  	_ =	swait.ge [sflag:s12], $0x800  }
0xd: {  	[sflag:s12] =	ssyncset.done $0x0  }
0xe: {  	s13 =	sadd.s32 $0x2400, s11;
	s10 =	simm.s32 $0x800;
	[sflag:s12] =	ssyncadd.s32 $0xFFFFF800  }
0xf: {  	[tilespmem:s10], [sflag:$0x1] =	stream.linear.gather [hbm4b:s13+s9], $0x800, $0x38;
	[tilespmem:$0x7CC0] =	vst v63  }
0x10: {  	_ =	swait.ge [sflag:s12], $0x800  }
0x11: {  	[sflag:s12] =	ssyncset.done $0x0  }
0x12: {  	s14 =	simm.s32 $0x1000;
	s30 =	sadd.s32 $0x3400, s11;
	[sflag:s12] =	ssyncadd.s32 $0xFFFFF800  }
0x13: {  	[tilespmem:s14], [sflag:$0x1] =	stream.linear.gather [hbm4b:s30+s9], $0x800, $0x38;
	[tilespmem:$0x7CC0] =	vst v63  }
0x14: {  	_ =	swait.ge [sflag:s12], $0x800  }
0x15: {  	[sflag:s12] =	ssyncset.done $0x0  }
0x16: {  	s31 =	simm.s32 $0x1800;
	s11 =	sadd.s32 $0x4400, s11;
	[sflag:s12] =	ssyncadd.s32 $0xFFFFF800  }
0x17: {  	[tilespmem:s31], [sflag:$0x1] =	stream.linear.gather [hbm4b:s11+s9], $0x800, $0x38;
	[tilespmem:$0x7CC0] =	vst v63  }
0x18: {  	_ =	swait.ge [sflag:s12], $0x800  }
0x19: {  	[sflag:s12] =	ssyncset.done $0x0  }
0x1a: {  	v1 =	vimm.s32 $0x0;
	[sflag:s12] =	ssyncadd.s32 $0xFFFFF800  }
0x1b: {  	[tilespmem:$0x3000] =	vst v1  }
0x1c: {  	[tilespmem:$0x3010] =	vst v1  }
0x1d: {  	[tilespmem:$0x3020] =	vst v1  }
0x1e: {  	[tilespmem:$0x3030] =	vst v1  }
0x1f: {  	[tilespmem:$0x3040] =	vst v1  }
0x20: {  	[tilespmem:$0x3050] =	vst v1  }
0x21: {  	[tilespmem:$0x3060] =	vst v1  }
0x22: {  	[tilespmem:$0x3070] =	vst v1  }
0x23: {  	[tilespmem:$0x3080] =	vst v1  }
0x24: {  	[tilespmem:$0x3090] =	vst v1  }
0x25: {  	[tilespmem:$0x30A0] =	vst v1  }
0x26: {  	[tilespmem:$0x30B0] =	vst v1  }
0x27: {  	[tilespmem:$0x30C0] =	vst v1  }
0x28: {  	[tilespmem:$0x30D0] =	vst v1  }
0x29: {  	[tilespmem:$0x30E0] =	vst v1  }
0x2a: {  	[tilespmem:$0x30F0] =	vst v1  }
0x2b: {  	[tilespmem:$0x3100] =	vst v1  }
0x2c: {  	[tilespmem:$0x3110] =	vst v1  }
0x2d: {  	[tilespmem:$0x3120] =	vst v1  }
0x2e: {  	[tilespmem:$0x3130] =	vst v1  }
0x2f: {  	[tilespmem:$0x3140] =	vst v1  }
0x30: {  	[tilespmem:$0x3150] =	vst v1  }
0x31: {  	[tilespmem:$0x3160] =	vst v1  }
0x32: {  	[tilespmem:$0x3170] =	vst v1  }
0x33: {  	[tilespmem:$0x3180] =	vst v1  }
0x34: {  	[tilespmem:$0x3190] =	vst v1  }
0x35: {  	[tilespmem:$0x31A0] =	vst v1  }
0x36: {  	[tilespmem:$0x31B0] =	vst v1  }
0x37: {  	[tilespmem:$0x31C0] =	vst v1  }
0x38: {  	[tilespmem:$0x31D0] =	vst v1  }
0x39: {  	[tilespmem:$0x31E0] =	vst v1  }
0x3a: {  	[tilespmem:$0x31F0] =	vst v1  }
0x3b: {  	[tilespmem:$0x3200] =	vst v1  }
0x3c: {  	[tilespmem:$0x3210] =	vst v1  }
0x3d: {  	[tilespmem:$0x3220] =	vst v1  }
0x3e: {  	[tilespmem:$0x3230] =	vst v1  }
0x3f: {  	[tilespmem:$0x3240] =	vst v1  }
0x40: {  	[tilespmem:$0x3250] =	vst v1  }
0x41: {  	[tilespmem:$0x3260] =	vst v1  }
0x42: {  	[tilespmem:$0x3270] =	vst v1  }
0x43: {  	[tilespmem:$0x3280] =	vst v1  }
0x44: {  	[tilespmem:$0x3290] =	vst v1  }
0x45: {  	[tilespmem:$0x32A0] =	vst v1  }
0x46: {  	[tilespmem:$0x32B0] =	vst v1  }
0x47: {  	[tilespmem:$0x32C0] =	vst v1  }
0x48: {  	[tilespmem:$0x32D0] =	vst v1  }
0x49: {  	[tilespmem:$0x32E0] =	vst v1  }
0x4a: {  	[tilespmem:$0x32F0] =	vst v1  }
0x4b: {  	[tilespmem:$0x3300] =	vst v1  }
0x4c: {  	[tilespmem:$0x3310] =	vst v1  }
0x4d: {  	[tilespmem:$0x3320] =	vst v1  }
0x4e: {  	[tilespmem:$0x3330] =	vst v1  }
0x4f: {  	[tilespmem:$0x3340] =	vst v1  }
0x50: {  	[tilespmem:$0x3350] =	vst v1  }
0x51: {  	[tilespmem:$0x3360] =	vst v1  }
0x52: {  	[tilespmem:$0x3370] =	vst v1  }
0x53: {  	[tilespmem:$0x3380] =	vst v1  }
0x54: {  	[tilespmem:$0x3390] =	vst v1  }
0x55: {  	[tilespmem:$0x33A0] =	vst v1  }
0x56: {  	[tilespmem:$0x33B0] =	vst v1  }
0x57: {  	[tilespmem:$0x33C0] =	vst v1  }
0x58: {  	v2 =	vlaneseq.u32;
	[tilespmem:$0x33D0] =	vst v1  }
0x59: {  	v0 =	vmul.u32 $0x100, v2;
	[tilespmem:$0x33E0] =	vst v1  }
0x5a: {  	s13 =	simm.s32 $0x0;
	[tilespmem:$0x33F0] =	vst v1;
	v1 =	vmul.u32 $0x80, v2  }
0x5b: {  	v3 =	vor.u32 $0x1, v0;
	s14 =	simm.s32 $0x0;
	s11 =	simm.s32 $0x3000;
	s12 =	simm.s32 $0x2000;
	v2 =	vmul.u32 $0x40, v2  }
.LBB2_1:
0x5c: {  	v4 =	vor.u32 s14, v1;
	_ =	sdelay $0x4  }
0x5d: {  	v5 =	vld.idx.msk [tilespmem:v4+s9+$0x0], $0xffff;
	_ =	sdelay $0x4  }
0x5e: {  	v5 =	vadd.s32 v2, v5;
	_ =	sdelay $0x4  }
0x5f: {  	v7 =	vor.u32 s13, v0;
	v6 =	vld.idx.msk [tilespmem:v5+s11+$0x0], $0xffff;
	_ =	sdelay $0x4  }
0x60: {  	[tilespmem:v7+s12+$0x0] =	vst.idx.msk $0xffff, v6;
	v6 =	vadd.s32 $0x1, v6  }
0x61: {  	[tilespmem:v5+s11+$0x0] =	vst.idx.msk $0xffff, v6  }
0x62: {  	v4 =	vld.idx.msk [tilespmem:v4+s10+$0x0], $0xffff;
	_ =	sdelay $0x4  }
0x63: {  	v4 =	vadd.s32 v2, v4;
	_ =	sdelay $0x4  }
0x64: {  	v63 =	vor.u32 s13, v3;
	v5 =	vld.idx.msk [tilespmem:v4+s11+$0x0], $0xffff  }
0x65: {  	p0 =	sne.s32 s14, $0x7F  }
.Ltmp0:
0x66: {  	_ = 	snop;
	(pc) =	sbr.rel @p0 .LBB2_1-.Ltmp0, $3  }
0x67: {  	_ =	sdelay $0x1  }
0x68: {  	[tilespmem:v63+s12+$0x0] =	vst.idx.msk $0xffff, v5;
	v5 =	vadd.s32 $0x1, v5  }
0x69: {  	s13 =	sadd.s32 $0x2, s13;
	s14 =	sadd.s32 $0x1, s14;
	[tilespmem:v4+s11+$0x0] =	vst.idx.msk $0xffff, v5  }
0x6a: {  	v1 =	vld [tilespmem:$0x3000]  }
0x6b: {  	v2 =	vld [tilespmem:$0x3040]  }
0x6c: {  	v3 =	vld [tilespmem:$0x3080]  }
0x6d: {  	v4 =	vld [tilespmem:$0x30C0]  }
0x6e: {  	v0 =	vimm.s32 $0x0;
	v5 =	vld [tilespmem:$0x3100]  }
0x6f: {  	v6 =	vld [tilespmem:$0x3140];
	[tilespmem:$0x3400] =	vst v0  }
0x70: {  	[tilespmem:$0x3440] =	vst v1;
	v1 =	vadd.s32 v1, v2;
	v2 =	vld [tilespmem:$0x3180]  }
0x71: {  	[tilespmem:$0x3480] =	vst v1;
	v1 =	vadd.s32 v1, v3;
	v3 =	vld [tilespmem:$0x31C0]  }
0x72: {  	[tilespmem:$0x34C0] =	vst v1;
	v1 =	vadd.s32 v1, v4;
	v4 =	vld [tilespmem:$0x3200]  }
0x73: {  	[tilespmem:$0x3500] =	vst v1;
	v1 =	vadd.s32 v1, v5;
	v5 =	vld [tilespmem:$0x3240]  }
0x74: {  	[tilespmem:$0x3540] =	vst v1;
	v1 =	vadd.s32 v1, v6;
	v6 =	vld [tilespmem:$0x3280]  }
0x75: {  	[tilespmem:$0x3580] =	vst v1;
	v1 =	vadd.s32 v1, v2;
	v2 =	vld [tilespmem:$0x32C0]  }
0x76: {  	[tilespmem:$0x35C0] =	vst v1;
	v1 =	vadd.s32 v1, v3;
	v3 =	vld [tilespmem:$0x3300]  }
0x77: {  	[tilespmem:$0x3600] =	vst v1;
	v1 =	vadd.s32 v1, v4;
	v4 =	vld [tilespmem:$0x3340]  }
0x78: {  	[tilespmem:$0x3640] =	vst v1;
	v1 =	vadd.s32 v1, v5;
	v5 =	vld [tilespmem:$0x3380]  }
0x79: {  	[tilespmem:$0x3680] =	vst v1;
	v1 =	vadd.s32 v1, v6;
	v6 =	vld [tilespmem:$0x33C0]  }
0x7a: {  	[tilespmem:$0x36C0] =	vst v1;
	v1 =	vadd.s32 v1, v2  }
0x7b: {  	v2 =	vld [tilespmem:$0x3010];
	[tilespmem:$0x3700] =	vst v1;
	v1 =	vadd.s32 v1, v3  }
0x7c: {  	v3 =	vld [tilespmem:$0x3050];
	[tilespmem:$0x3740] =	vst v1;
	v1 =	vadd.s32 v1, v4  }
0x7d: {  	v4 =	vld [tilespmem:$0x3090];
	[tilespmem:$0x3780] =	vst v1;
	v1 =	vadd.s32 v1, v5  }
0x7e: {  	v5 =	vld [tilespmem:$0x30D0];
	[tilespmem:$0x37C0] =	vst v1;
	v1 =	vadd.s32 v1, v6  }
0x7f: {  	[tilespmem:$0x6800] =	vst v1;
	v1 =	vld [tilespmem:$0x3110]  }
0x80: {  	[tilespmem:$0x3410] =	vst v0;
	v6 =	vld [tilespmem:$0x3150]  }
0x81: {  	[tilespmem:$0x3450] =	vst v2;
	v2 =	vadd.s32 v2, v3;
	v3 =	vld [tilespmem:$0x3190]  }
0x82: {  	[tilespmem:$0x3490] =	vst v2;
	v2 =	vadd.s32 v2, v4;
	v4 =	vld [tilespmem:$0x31D0]  }
0x83: {  	[tilespmem:$0x34D0] =	vst v2;
	v2 =	vadd.s32 v2, v5;
	v5 =	vld [tilespmem:$0x3210]  }
0x84: {  	[tilespmem:$0x3510] =	vst v2;
	v1 =	vadd.s32 v2, v1;
	v2 =	vld [tilespmem:$0x3250]  }
0x85: {  	[tilespmem:$0x3550] =	vst v1;
	v1 =	vadd.s32 v1, v6;
	v6 =	vld [tilespmem:$0x3290]  }
0x86: {  	[tilespmem:$0x3590] =	vst v1;
	v1 =	vadd.s32 v1, v3;
	v3 =	vld [tilespmem:$0x32D0]  }
0x87: {  	[tilespmem:$0x35D0] =	vst v1;
	v1 =	vadd.s32 v1, v4;
	v4 =	vld [tilespmem:$0x3310]  }
0x88: {  	[tilespmem:$0x3610] =	vst v1;
	v1 =	vadd.s32 v1, v5;
	v5 =	vld [tilespmem:$0x3350]  }
0x89: {  	[tilespmem:$0x3650] =	vst v1;
	v1 =	vadd.s32 v1, v2;
	v2 =	vld [tilespmem:$0x3390]  }
0x8a: {  	[tilespmem:$0x3690] =	vst v1;
	v1 =	vadd.s32 v1, v6;
	v6 =	vld [tilespmem:$0x33D0]  }
0x8b: {  	[tilespmem:$0x36D0] =	vst v1;
	v1 =	vadd.s32 v1, v3  }
0x8c: {  	v3 =	vld [tilespmem:$0x3020];
	[tilespmem:$0x3710] =	vst v1;
	v1 =	vadd.s32 v1, v4  }
0x8d: {  	v4 =	vld [tilespmem:$0x3060];
	[tilespmem:$0x3750] =	vst v1;
	v1 =	vadd.s32 v1, v5  }
0x8e: {  	[tilespmem:$0x3790] =	vst v1;
	v1 =	vadd.s32 v1, v2;
	v2 =	vld [tilespmem:$0x30A0]  }
0x8f: {  	v5 =	vld [tilespmem:$0x30E0];
	[tilespmem:$0x37D0] =	vst v1;
	v1 =	vadd.s32 v1, v6  }
0x90: {  	[tilespmem:$0x6810] =	vst v1;
	v1 =	vld [tilespmem:$0x3120]  }
0x91: {  	[tilespmem:$0x3420] =	vst v0;
	v6 =	vld [tilespmem:$0x3160]  }
0x92: {  	[tilespmem:$0x3460] =	vst v3;
	v3 =	vadd.s32 v3, v4;
	v4 =	vld [tilespmem:$0x31A0]  }
0x93: {  	[tilespmem:$0x34A0] =	vst v3;
	v2 =	vadd.s32 v3, v2;
	v3 =	vld [tilespmem:$0x31E0]  }
0x94: {  	[tilespmem:$0x34E0] =	vst v2;
	v2 =	vadd.s32 v2, v5;
	v5 =	vld [tilespmem:$0x3220]  }
0x95: {  	[tilespmem:$0x3520] =	vst v2;
	v1 =	vadd.s32 v2, v1;
	v2 =	vld [tilespmem:$0x3260]  }
0x96: {  	[tilespmem:$0x3560] =	vst v1;
	v1 =	vadd.s32 v1, v6;
	v6 =	vld [tilespmem:$0x32A0]  }
0x97: {  	[tilespmem:$0x35A0] =	vst v1;
	v1 =	vadd.s32 v1, v4;
	v4 =	vld [tilespmem:$0x32E0]  }
0x98: {  	[tilespmem:$0x35E0] =	vst v1;
	v1 =	vadd.s32 v1, v3;
	v3 =	vld [tilespmem:$0x3320]  }
0x99: {  	[tilespmem:$0x3620] =	vst v1;
	v1 =	vadd.s32 v1, v5;
	v5 =	vld [tilespmem:$0x3360]  }
0x9a: {  	[tilespmem:$0x3660] =	vst v1;
	v1 =	vadd.s32 v1, v2;
	v2 =	vld [tilespmem:$0x33A0]  }
0x9b: {  	[tilespmem:$0x36A0] =	vst v1;
	v1 =	vadd.s32 v1, v6;
	v6 =	vld [tilespmem:$0x33E0]  }
0x9c: {  	[tilespmem:$0x36E0] =	vst v1;
	v1 =	vadd.s32 v1, v4  }
0x9d: {  	v4 =	vld [tilespmem:$0x3070];
	[tilespmem:$0x3720] =	vst v1;
	v1 =	vadd.s32 v1, v3  }
0x9e: {  	v3 =	vld [tilespmem:$0x3030];
	[tilespmem:$0x3760] =	vst v1;
	v1 =	vadd.s32 v1, v5  }
0x9f: {  	[tilespmem:$0x37A0] =	vst v1;
	v1 =	vadd.s32 v1, v2;
	v2 =	vld [tilespmem:$0x30B0]  }
0xa0: {  	v5 =	vld [tilespmem:$0x30F0];
	[tilespmem:$0x37E0] =	vst v1;
	v1 =	vadd.s32 v1, v6  }
0xa1: {  	[tilespmem:$0x6820] =	vst v1;
	v1 =	vld [tilespmem:$0x3130]  }
0xa2: {  	[tilespmem:$0x3430] =	vst v0;
	v0 =	vld [tilespmem:$0x3170]  }
0xa3: {  	[tilespmem:$0x3470] =	vst v3;
	v3 =	vadd.s32 v3, v4;
	v4 =	vld [tilespmem:$0x31B0]  }
0xa4: {  	[tilespmem:$0x34B0] =	vst v3;
	v2 =	vadd.s32 v3, v2;
	v3 =	vld [tilespmem:$0x31F0]  }
0xa5: {  	[tilespmem:$0x34F0] =	vst v2;
	v2 =	vadd.s32 v2, v5;
	v5 =	vld [tilespmem:$0x3230]  }
0xa6: {  	[tilespmem:$0x3530] =	vst v2;
	v1 =	vadd.s32 v2, v1;
	v2 =	vld [tilespmem:$0x3270]  }
0xa7: {  	[tilespmem:$0x3570] =	vst v1;
	v0 =	vadd.s32 v1, v0;
	v1 =	vld [tilespmem:$0x32B0]  }
0xa8: {  	[tilespmem:$0x35B0] =	vst v0;
	v0 =	vadd.s32 v0, v4;
	v4 =	vld [tilespmem:$0x32F0]  }
0xa9: {  	[tilespmem:$0x35F0] =	vst v0;
	v0 =	vadd.s32 v0, v3;
	v3 =	vld [tilespmem:$0x3330]  }
0xaa: {  	[tilespmem:$0x3630] =	vst v0;
	v0 =	vadd.s32 v0, v5;
	v5 =	vld [tilespmem:$0x3370]  }
0xab: {  	[tilespmem:$0x3670] =	vst v0;
	v0 =	vadd.s32 v0, v2;
	v2 =	vld [tilespmem:$0x33B0]  }
0xac: {  	[tilespmem:$0x36B0] =	vst v0;
	v0 =	vadd.s32 v0, v1;
	v1 =	vld [tilespmem:$0x33F0]  }
0xad: {  	[tilespmem:$0x36F0] =	vst v0;
	v0 =	vadd.s32 v0, v4  }
0xae: {  	[tilespmem:$0x3730] =	vst v0;
	v0 =	vadd.s32 v0, v3  }
0xaf: {  	[tilespmem:$0x3770] =	vst v0;
	v0 =	vadd.s32 v0, v5  }
0xb0: {  	[tilespmem:$0x37B0] =	vst v0;
	v0 =	vadd.s32 v0, v2  }
0xb1: {  	s8 =	sshrl.u32 s8, $0x2;
	[tilespmem:$0x37F0] =	vst v0;
	v0 =	vadd.s32 v0, v1  }
0xb2: {  	s9 =	simm.s32 $0x6800;
	s13 =	simm.s32 $0x1;
	s8 =	sadd.s32 s8, s7;
	[tilespmem:$0x6830] =	vst v0  }
0xb3: {  	[spmem:s8] =	stream.linear.scatter [tilespmem:s9], [sflag:$0x1], $0x40, $0x38;
	[tilespmem:$0x7CC0] =	vst v63  }
0xb4: {  	_ =	swait.ge [sflag:s13], $0x40  }
0xb5: {  	[sflag:s13] =	ssyncset.done $0x0  }
0xb6: {  	[sflag:s13] =	ssyncadd.s32 $0xFFFFFFC0  }
0xb7: {  	s14 =	simm.s32 $0x6880;
	[bflag:$0x0] =	sbarrier.arrive $0xFFFF  }
0xb8: {  	[tilespmem:s14], [sflag:$0x1] =	stream.linear.gather [spmem:s7], $0x400, $0x38;
	[tilespmem:$0x7CC0] =	vst v63  }
0xb9: {  	_ =	swait.ge [sflag:s13], $0x400  }
0xba: {  	[sflag:s13] =	ssyncset.done $0x0  }
0xbb: {  	[sflag:s13] =	ssyncadd.s32 $0xFFFFFC00  }
0xbc: {  	v0 =	vld [tilespmem:$0x6880]  }
0xbd: {  	v1 =	vld [tilespmem:$0x68C0]  }
0xbe: {  	v2 =	vld [tilespmem:$0x6900]  }
0xbf: {  	v3 =	vld [tilespmem:$0x6940]  }
0xc0: {  	v4 =	vld [tilespmem:$0x6980]  }
0xc1: {  	v5 =	vld [tilespmem:$0x69C0]  }
0xc2: {  	v9 =	vld [tilespmem:$0x6A00]  }
0xc3: {  	v10 =	vld [tilespmem:$0x6A40]  }
0xc4: {  	v26 =	vld [tilespmem:$0x6A80]  }
0xc5: {  	v32 =	vld [tilespmem:$0x6AC0]  }
0xc6: {  	v37 =	vld [tilespmem:$0x6B00]  }
0xc7: {  	v38 =	vld [tilespmem:$0x6B40]  }
0xc8: {  	v39 =	vld [tilespmem:$0x6B80]  }
0xc9: {  	v41 =	vld [tilespmem:$0x6BC0]  }
0xca: {  	v43 =	vld [tilespmem:$0x6C00]  }
0xcb: {  	v44 =	vld [tilespmem:$0x6C40]  }
0xcc: {  	v30 =	vld [tilespmem:$0x3400]  }
0xcd: {  	v31 =	vld [tilespmem:$0x3440]  }
0xce: {  	v27 =	vld [tilespmem:$0x3480]  }
0xcf: {  	v28 =	vld [tilespmem:$0x34C0]  }
0xd0: {  	v24 =	vld [tilespmem:$0x3500]  }
0xd1: {  	v22 =	vld [tilespmem:$0x3540]  }
0xd2: {  	v23 =	vld [tilespmem:$0x3580]  }
0xd3: {  	v18 =	vld [tilespmem:$0x35C0]  }
0xd4: {  	v17 =	vld [tilespmem:$0x3600]  }
0xd5: {  	v14 =	vld [tilespmem:$0x3640]  }
0xd6: {  	v13 =	vld [tilespmem:$0x3680]  }
0xd7: {  	v12 =	vld [tilespmem:$0x36C0]  }
0xd8: {  	v11 =	vld [tilespmem:$0x3700]  }
0xd9: {  	v8 =	vld [tilespmem:$0x3740]  }
0xda: {  	v6 =	vld [tilespmem:$0x3780]  }
0xdb: {  	v15 =	vld [tilespmem:$0x6890];
	v19 =	vadd.s32 v0, v1  }
0xdc: {  	p4 =	seq.s32 s1, $0x0;
	p3 =	sgt.u32 s1, $0x1;
	v16 =	vld [tilespmem:$0x68D0];
	v20 =	vadd.s32 v2, v19  }
0xdd: {  	p1 =	sgt.u32 s1, $0x2;
	v45 =	vld [tilespmem:$0x6910];
	v0 =	vpsel p4, $0x0, v0;
	v1 =	vpsel !p3, $0x0, v1;
	v21 =	vadd.s32 v3, v20  }
0xde: {  	p2 =	sgt.u32 s1, $0x3;
	v46 =	vld [tilespmem:$0x6950];
	v0 =	vadd.s32 v0, v1;
	v1 =	vpsel !p1, $0x0, v2;
	v2 =	vadd.s32 v4, v21  }
0xdf: {  	p6 =	sgt.u32 s1, $0x4;
	v36 =	vld [tilespmem:$0x6A50];
	v0 =	vadd.s32 v1, v0;
	v1 =	vpsel !p2, $0x0, v3;
	v2 =	vadd.s32 v5, v2  }
0xe0: {  	p0 =	sgt.u32 s1, $0x5;
	v48 =	vld [tilespmem:$0x68E0];
	v3 =	vpsel !p6, $0x0, v4;
	v0 =	vadd.s32 v1, v0;
	v2 =	vadd.s32 v9, v2  }
0xe1: {  	v19 =	vld [tilespmem:$0x6990];
	v0 =	vadd.s32 v3, v0;
	v3 =	vpsel !p0, $0x0, v5;
	v2 =	vadd.s32 v10, v2  }
0xe2: {  	v20 =	vld [tilespmem:$0x69D0];
	v4 =	vadd.s32 v3, v0;
	v0 =	vadd.s32 v26, v2  }
0xe3: {  	s7 =	simm.s32 @!p0 $0x0;
	v21 =	vld [tilespmem:$0x6A10];
	v3 =	vadd.s32 v15, v16;
	v0 =	vadd.s32 v32, v0  }
0xe4: {  	s7 =	simm.s32 @p0 $0x1;
	p0 =	sgt.u32 s1, $0x6;
	v5 =	vadd.s32 v37, v0;
	v0 =	vadd.s32 v45, v3;
	v3 =	vld [tilespmem:$0x68F0]  }
0xe5: {  	v47 =	vld [tilespmem:$0x68A0];
	v2 =	vpsel !p0, $0x0, v9;
	v58 =	vadd.s32 v46, v0  }
0xe6: {  	v33 =	vld [tilespmem:$0x6A90];
	v4 =	vadd.s32 v2, v4;
	v2 =	vadd.s32 v38, v5;
	v5 =	vadd.s32 v19, v58  }
0xe7: {  	v1 =	vld [tilespmem:$0x68B0];
	v2 =	vadd.s32 v39, v2;
	v5 =	vadd.s32 v20, v5  }
0xe8: {  	[smem:$0x7F9] =	sst s7;
	v40 =	vld [tilespmem:$0x6AD0];
	v50 =	vpsel !p3, $0x0, v16;
	s7 =	simm.s32 @!p0 $0x0;
	v60 =	vadd.s32 v41, v2;
	v2 =	vadd.s32 v21, v5  }
0xe9: {  	v42 =	vld [tilespmem:$0x6B10];
	v16 =	vpsel !p3, $0x0, v48;
	s7 =	simm.s32 @p0 $0x1;
	v5 =	vadd.s32 v36, v2;
	v2 =	vpsel !p3, $0x0, v3;
	p3 =	sgt.u32 s1, $0x8  }
0xea: {  	v34 =	vld [tilespmem:$0x6B50];
	[smem:$0x7F5] =	sst s7;
	s7 =	simm.s32 @!p3 $0x0  }
0xeb: {  	p5 =	sgt.u32 s1, $0x9;
	v35 =	vld [tilespmem:$0x6B90];
	p0 =	sgt.u32 s1, $0xA;
	s7 =	simm.s32 @p3 $0x1  }
0xec: {  	v25 =	vld [tilespmem:$0x6BD0];
	v49 =	vpsel p4, $0x0, v15;
	v15 =	vpsel p4, $0x0, v47;
	v0 =	vpsel p4, $0x0, v1;
	p4 =	sgt.u32 s1, $0x7;
	[smem:$0x7FA] =	sst s7;
	s7 =	simm.s32 @!p5 $0x0  }
0xed: {  	v29 =	vld [tilespmem:$0x6C10];
	v55 =	vpsel !p0, $0x0, v37;
	v59 =	vpsel !p4, $0x0, v10;
	s7 =	simm.s32 @p5 $0x1  }
0xee: {  	v63 =	vld [tilespmem:$0x6C50];
	v4 =	vadd.s32 v59, v4;
	v61 =	vadd.s32 v43, v60;
	v5 =	vadd.s32 v33, v5;
	[smem:$0x7FB] =	sst s7;
	s7 =	simm.s32 @!p0 $0x0  }
0xef: {  	v51 =	vld [tilespmem:$0x6920];
	v44 =	vadd.s32 v44, v61;
	v62 =	vpsel !p3, $0x0, v26;
	v5 =	vadd.s32 v40, v5;
	s7 =	simm.s32 @p0 $0x1;
	p0 =	sgt.u32 s1, $0xB  }
0xf0: {  	v52 =	vld [tilespmem:$0x6960];
	v54 =	vpsel !p5, $0x0, v32;
	(xrf0) =	vadd.scan.msk.s32 $0xffff, v44;
	v4 =	vadd.s32 v62, v4;
	v5 =	vadd.s32 v42, v5;
	[smem:$0x7FC] =	sst s7;
	s7 =	simm.s32 @!p0 $0x0  }
0xf1: {  	v7 =	vld [tilespmem:$0x37C0];
	v4 =	vadd.s32 v54, v4;
	v5 =	vadd.s32 v34, v5;
	v56 =	vpsel !p0, $0x0, v38;
	s7 =	simm.s32 @p0 $0x1;
	p0 =	sgt.u32 s1, $0xC  }
0xf2: {  	v47 =	vadd.s32 v47, v48;
	v48 =	vld [tilespmem:$0x6A20];
	v4 =	vadd.s32 v55, v4;
	v5 =	vadd.s32 v35, v5;
	[smem:$0x7F6] =	sst s7;
	s7 =	simm.s32 @!p0 $0x0  }
0xf3: {  	v9 =	vld [tilespmem:$0x6930];
	v5 =	vadd.s32 v25, v5;
	v4 =	vadd.s32 v56, v4;
	v57 =	vpsel !p0, $0x0, v39;
	s7 =	simm.s32 @p0 $0x1;
	p0 =	sgt.u32 s1, $0xD  }
0xf4: {  	v47 =	vadd.s32 v51, v47;
	v37 =	vld [tilespmem:$0x3490];
	v32 =	vadd.s32 v57, v4;
	v4 =	vadd.s32 v29, v5;
	[smem:$0x7F7] =	sst s7;
	s7 =	simm.s32 @!p0 $0x0  }
0xf5: {  	v47 =	vadd.s32 v52, v47;
	v10 =	vld [tilespmem:$0x6970];
	v58 =	vpsel !p0, $0x0, v41;
	v39 =	vadd.s32 v63, v4;
	s7 =	simm.s32 @p0 $0x1;
	p0 =	seq.s32 s1, $0xF  }
0xf6: {  	v1 =	vadd.s32 v1, v3;
	v3 =	vld [tilespmem:$0x6B30];
	v60, _, _ =	vpop (xrf0);
	v5 =	vadd.s32 v58, v32;
	(xrf0) =	vadd.scan.msk.s32 $0xffff, v39;
	v59 =	vpsel !p0, $0x0, v43  }
0xf7: {  	s15 =	sld [smem:$0x7F9];
	v45 =	vpsel !p1, $0x0, v45;
	v26 =	vld [tilespmem:$0x3450];
	v54 =	vsub.s32 v60, v44;
	v53 =	vadd.s32 v59, v5  }
0xf8: {  	v46 =	vpsel !p2, $0x0, v46;
	v19 =	vpsel !p6, $0x0, v19;
	s18 =	sld [smem:$0x7F6];
	v53 =	vadd.s32 v54, v53;
	v54 =	vld [tilespmem:$0x69A0]  }
0xf9: {  	v1 =	vadd.s32 v9, v1;
	v55 =	vpsel !p2, $0x0, v52;
	v38 =	vpsel !p1, $0x0, v51;
	v56 =	vld [tilespmem:$0x69E0]  }
0xfa: {  	v52 =	vld [tilespmem:$0x6AA0];
	(v2sf) =	vpush v60, $0xF;
	v4 =	vpsel !p1, $0x0, v9;
	p1 =	seq.s32 s15, $0x1;
	v43 =	vbroadcast v60, $0xF  }
0xfb: {  	v51 =	vld [tilespmem:$0x6A60];
	v20 =	vpsel !p1, $0x0, v20;
	v58 =	vpsel !p4, $0x0, v36;
	v60 =	vpsel !p3, $0x0, v33;
	p1 =	seq.s32 s18, $0x1  }
0xfc: {  	v41 =	vld [tilespmem:$0x3410];
	v5 =	vpsel !p2, $0x0, v10;
	v34 =	vpsel !p1, $0x0, v34;
	v43 =	vadd.s32 v43, v49;
	v57, _, _ =	vpop (xrf0)  }
0xfd: {  	s16 =	sld [smem:$0x7F5];
	v49 =	vld [tilespmem:$0x6AE0];
	v30 =	vadd.s32 v30, v53;
	(v2sf) =	vpush v57, $0xF;
	v47 =	vadd.s32 v54, v47  }
0xfe: {  	[tilespmem:$0x6800] =	vst v44;
	s17 =	sld [smem:$0x7FC];
	v31 =	vadd.s32 v31, v53;
	v61 =	vadd.s32 v50, v43;
	v62 =	vadd.s32 v56, v47;
	v47 =	vld [tilespmem:$0x6B20]  }
0xff: {  	[smem:$0x7F8] =	sst s7;
	s7 =	simm.s32 @!p0 $0x0;
	v44 =	vadd.s32 v53, v18;
	v43 =	vld [tilespmem:$0x6B60];
	[tilespmem:$0x3400] =	vst v30;
	v63 =	vadd.s32 v45, v61;
	v45 =	vadd.s32 v48, v62  }
0x100: {  	s7 =	simm.s32 @p0 $0x1;
	p0 =	seq.s32 s16, $0x1;
	v30 =	vadd.s32 v53, v17;
	[tilespmem:$0x3440] =	vst v31;
	v31 =	vld [tilespmem:$0x6BA0];
	v17 =	vadd.s32 v46, v63;
	v18 =	vadd.s32 v51, v45  }
0x101: {  	v21 =	vpsel !p0, $0x0, v21;
	v17 =	vadd.s32 v19, v17;
	v50 =	vadd.s32 v52, v18;
	v18 =	vld [tilespmem:$0x6BE0]  }
0x102: {  	[tilespmem:$0x6810] =	vst v39;
	p2 =	seq.s32 s17, $0x1;
	v27 =	vadd.s32 v53, v27;
	v20 =	vadd.s32 v20, v17;
	v17 =	vld [tilespmem:$0x6C20];
	v19 =	vadd.s32 v49, v50  }
0x103: {  	v59 =	vld [tilespmem:$0x6C60];
	v33 =	vpsel !p2, $0x0, v42;
	v28 =	vadd.s32 v53, v28;
	[tilespmem:$0x3480] =	vst v27;
	v19 =	vadd.s32 v47, v19  }
0x104: {  	v32 =	vld [tilespmem:$0x34D0];
	v24 =	vadd.s32 v53, v24;
	v22 =	vadd.s32 v53, v22;
	[tilespmem:$0x34C0] =	vst v28;
	v19 =	vadd.s32 v43, v19  }
0x105: {  	s19 =	sld [smem:$0x7F7];
	v23 =	vadd.s32 v53, v23;
	v14 =	vadd.s32 v53, v14;
	[tilespmem:$0x3500] =	vst v24;
	v61 =	vld [tilespmem:$0x3510];
	v19 =	vadd.s32 v31, v19  }
0x106: {  	v13 =	vadd.s32 v53, v13;
	[tilespmem:$0x3580] =	vst v23;
	v23 =	vld [tilespmem:$0x3590];
	v20 =	vadd.s32 v21, v20;
	v19 =	vadd.s32 v18, v19  }
0x107: {  	s20 =	sld [smem:$0x7F8];
	v12 =	vadd.s32 v53, v12;
	[tilespmem:$0x3540] =	vst v22;
	v27 =	vld [tilespmem:$0x69B0];
	v20 =	vadd.s32 v58, v20;
	v19 =	vadd.s32 v17, v19  }
0x108: {  	[smem:$0x7FD] =	sst s7;
	p2 =	seq.s32 s19, $0x1;
	[tilespmem:$0x35C0] =	vst v44;
	v44 =	vld [tilespmem:$0x3650];
	v62 =	vpsel !p5, $0x0, v40;
	v20 =	vadd.s32 v60, v20;
	v19 =	vadd.s32 v59, v19  }
0x109: {  	v35 =	vpsel !p2, $0x0, v35;
	s22 =	sld [smem:$0x7FD];
	[tilespmem:$0x3680] =	vst v13;
	v13 =	vld [tilespmem:$0x6A30];
	v20 =	vadd.s32 v62, v20;
	(xrf0) =	vadd.scan.msk.s32 $0xffff, v19  }
0x10a: {  	v36 =	vadd.s32 v53, v11;
	v8 =	vadd.s32 v53, v8;
	[tilespmem:$0x3640] =	vst v14;
	v63 =	vld [tilespmem:$0x3550];
	v20 =	vadd.s32 v33, v20  }
0x10b: {  	v6 =	vadd.s32 v53, v6;
	v7 =	vadd.s32 v53, v7;
	[tilespmem:$0x36C0] =	vst v12;
	v21 =	vld [tilespmem:$0x35D0];
	p5 =	seq.s32 s20, $0x1;
	s21 =	spop (v2sf);
	v14 =	vadd.s32 v34, v20  }
0x10c: {  	[tilespmem:$0x3700] =	vst v36;
	v53 =	vpsel !p0, $0x0, v48;
	p3 =	seq.s32 s22, $0x1;
	v48 =	vld [tilespmem:$0x3560];
	v40 =	vpsel !p5, $0x0, v25;
	v14 =	vadd.s32 v35, v14;
	s23 =	spop (v2sf)  }
0x10d: {  	v1 =	vadd.s32 v10, v1;
	[tilespmem:$0x3740] =	vst v8;
	v42 =	vpsel !p3, $0x0, v29;
	v25 =	vld [tilespmem:$0x69F0];
	v14 =	vadd.s32 v40, v14;
	s7 =	sadd.s32 s21, s23  }
0x10e: {  	s28 =	sld [smem:$0x7FC];
	[tilespmem:$0x3780] =	vst v6;
	v45 =	vpsel !p6, $0x0, v54;
	v54 =	vld [tilespmem:$0x6AB0];
	v12 =	vadd.s32 v42, v14;
	v46 =	vadd.s32 s7, v15  }
0x10f: {  	[tilespmem:$0x37C0] =	vst v7;
	v11 =	vpsel !p6, $0x0, v27;
	v60 =	vld [tilespmem:$0x37D0];
	v8 =	vsub.s32 v12, v39;
	v14 =	vadd.s32 v16, v46;
	v16, _, _ =	vpop (xrf0)  }
0x110: {  	s24 =	sld [smem:$0x7F9];
	[tilespmem:$0x3600] =	vst v30;
	v36 =	vpsel !p0, $0x0, v13;
	v50 =	vld [tilespmem:$0x36D0];
	v6 =	vadd.s32 v57, v8;
	(v2sf) =	vpush v16, $0xF  }
0x111: {  	v58 =	vpsel !p4, $0x0, v51;
	p0 =	seq.s32 s28, $0x1;
	v1 =	vadd.s32 v27, v1;
	v7 =	vadd.s32 v41, v6;
	[tilespmem:$0x6820] =	vst v19;
	v15 =	vld [tilespmem:$0x6A70]  }
0x112: {  	v20 =	vld [tilespmem:$0x3610];
	v40 =	vpsel !p0, $0x0, v47;
	[tilespmem:$0x3410] =	vst v7;
	v7 =	vadd.s32 v6, v26;
	v14 =	vadd.s32 v38, v14  }
0x113: {  	s25 =	sld [smem:$0x7FA];
	p3 =	seq.s32 s24, $0x1;
	v47 =	vld [tilespmem:$0x3520];
	v42 =	vpsel !p1, $0x0, v43;
	[tilespmem:$0x3450] =	vst v7;
	v7 =	vadd.s32 v6, v37;
	v14 =	vadd.s32 v55, v14  }
0x114: {  	s26 =	sld [smem:$0x7FB];
	v43 =	vld [tilespmem:$0x34A0];
	v8 =	vpsel !p3, $0x0, v56;
	[tilespmem:$0x3490] =	vst v7;
	v7 =	vadd.s32 v6, v32;
	v14 =	vadd.s32 v45, v14  }
0x115: {  	v51 =	vpsel !p0, $0x0, v3;
	v12 =	vld [tilespmem:$0x3690];
	[tilespmem:$0x34D0] =	vst v7;
	v7 =	vadd.s32 v6, v61;
	v8 =	vadd.s32 v8, v14  }
0x116: {  	v39 =	vld [tilespmem:$0x3420];
	[tilespmem:$0x3510] =	vst v7;
	v7 =	vadd.s32 v6, v63;
	v29 =	vpsel !p4, $0x0, v15;
	p4 =	seq.s32 s25, $0x1;
	v8 =	vadd.s32 v53, v8  }
0x117: {  	p6 =	seq.s32 s26, $0x1;
	v63 =	vld [tilespmem:$0x6AF0];
	[tilespmem:$0x3550] =	vst v7;
	v7 =	vadd.s32 v6, v23;
	v61 =	vpsel !p4, $0x0, v52;
	v8 =	vadd.s32 v58, v8  }
0x118: {  	v56 =	vld [tilespmem:$0x3710];
	v38 =	vpsel !p6, $0x0, v49;
	[tilespmem:$0x3590] =	vst v7;
	v7 =	vadd.s32 v6, v21;
	v8 =	vadd.s32 v61, v8  }
0x119: {  	s29 =	sld [smem:$0x7FD];
	v1 =	vadd.s32 v25, v1;
	v57 =	vld [tilespmem:$0x3750];
	[tilespmem:$0x35D0] =	vst v7;
	v7 =	vadd.s32 v6, v20;
	v8 =	vadd.s32 v38, v8  }
0x11a: {  	v18 =	vpsel !p5, $0x0, v18;
	v59 =	vld [tilespmem:$0x3790];
	[tilespmem:$0x3610] =	vst v7;
	v7 =	vadd.s32 v6, v44;
	v8 =	vadd.s32 v40, v8  }
0x11b: {  	v41 =	vld [tilespmem:$0x3460];
	v44 =	vpsel !p2, $0x0, v31;
	[tilespmem:$0x3650] =	vst v7;
	v7 =	vadd.s32 v6, v12;
	v8 =	vadd.s32 v42, v8  }
0x11c: {  	v49 =	vld [tilespmem:$0x35A0];
	v46 =	vpsel !p6, $0x0, v63;
	p6 =	seq.s32 s29, $0x1;
	[tilespmem:$0x3690] =	vst v7;
	v7 =	vadd.s32 v6, v50;
	v8 =	vadd.s32 v44, v8  }
0x11d: {  	v45 =	vld [tilespmem:$0x34E0];
	v17 =	vpsel !p6, $0x0, v17;
	[tilespmem:$0x36D0] =	vst v7;
	v7 =	vadd.s32 v18, v8;
	v8 =	vadd.s32 v6, v56  }
0x11e: {  	v1 =	vadd.s32 v13, v1;
	v53 =	vld [tilespmem:$0x6BB0];
	[tilespmem:$0x3710] =	vst v8;
	v8 =	vadd.s32 v6, v57;
	v7 =	vadd.s32 v17, v7  }
0x11f: {  	v50 =	vld [tilespmem:$0x35E0];
	[tilespmem:$0x3750] =	vst v8;
	v8 =	vadd.s32 v6, v59;
	v6 =	vadd.s32 v6, v60;
	v7 =	vsub.s32 v7, v19;
	s30 =	spop (v2sf)  }
0x120: {  	v30 =	vpsel !p3, $0x0, v25;
	v1 =	vadd.s32 v15, v1;
	[tilespmem:$0x37D0] =	vst v6;
	v6 =	vadd.s32 v16, v7;
	v7 =	vld [tilespmem:$0x6B70];
	s7 =	sadd.s32 s7, s30  }
0x121: {  	v62 =	vpsel !p4, $0x0, v54;
	[tilespmem:$0x3790] =	vst v8;
	v8 =	vld [tilespmem:$0x3620];
	v52 =	vadd.s32 v39, v6;
	v0 =	vadd.s32 s7, v0  }
0x122: {  	v1 =	vadd.s32 v54, v1;
	v54 =	vadd.s32 v6, v41;
	[tilespmem:$0x3420] =	vst v52;
	v0 =	vadd.s32 v2, v0;
	v2 =	vld [tilespmem:$0x6BF0]  }
0x123: {  	v1 =	vadd.s32 v63, v1;
	v55 =	vadd.s32 v6, v43;
	[tilespmem:$0x3460] =	vst v54;
	v0 =	vadd.s32 v4, v0;
	v4 =	vld [tilespmem:$0x6C30]  }
0x124: {  	v1 =	vadd.s32 v3, v1;
	v3 =	vadd.s32 v6, v45;
	[tilespmem:$0x34A0] =	vst v55;
	v0 =	vadd.s32 v5, v0;
	v5 =	vld [tilespmem:$0x6C70]  }
0x125: {  	v56 =	vld [tilespmem:$0x3660];
	[tilespmem:$0x34E0] =	vst v3;
	v3 =	vadd.s32 v6, v47;
	v1 =	vadd.s32 v7, v1;
	v0 =	vadd.s32 v11, v0  }
0x126: {  	v57 =	vld [tilespmem:$0x36A0];
	[tilespmem:$0x3520] =	vst v3;
	v3 =	vadd.s32 v6, v48;
	v1 =	vadd.s32 v53, v1;
	v0 =	vadd.s32 v30, v0  }
0x127: {  	v58 =	vld [tilespmem:$0x36E0];
	[tilespmem:$0x3560] =	vst v3;
	v3 =	vadd.s32 v6, v49;
	v1 =	vadd.s32 v2, v1;
	v0 =	vadd.s32 v36, v0  }
0x128: {  	v59 =	vld [tilespmem:$0x3720];
	[tilespmem:$0x35A0] =	vst v3;
	v3 =	vadd.s32 v6, v50;
	v1 =	vadd.s32 v4, v1;
	v0 =	vadd.s32 v29, v0  }
0x129: {  	[tilespmem:$0x35E0] =	vst v3;
	v3 =	vadd.s32 v6, v8;
	v8 =	vld [tilespmem:$0x3760];
	v1 =	vadd.s32 v5, v1;
	v0 =	vadd.s32 v62, v0  }
0x12a: {  	[tilespmem:$0x3620] =	vst v3;
	v3 =	vadd.s32 v6, v56;
	v5 =	vld [tilespmem:$0x37A0];
	(xrf0) =	vadd.scan.msk.s32 $0xffff, v1;
	v0 =	vadd.s32 v46, v0  }
0x12b: {  	v60 =	vld [tilespmem:$0x37E0];
	v7 =	vpsel !p1, $0x0, v7;
	[tilespmem:$0x3660] =	vst v3;
	v3 =	vadd.s32 v6, v57;
	v0 =	vadd.s32 v51, v0  }
0x12c: {  	v61 =	vpsel !p2, $0x0, v53;
	[tilespmem:$0x36A0] =	vst v3;
	v3 =	vadd.s32 v6, v58;
	v0 =	vadd.s32 v7, v0  }
0x12d: {  	v2 =	vpsel !p5, $0x0, v2;
	[tilespmem:$0x36E0] =	vst v3;
	v3 =	vadd.s32 v6, v59;
	v7 =	vld [tilespmem:$0x3430];
	v0 =	vadd.s32 v61, v0  }
0x12e: {  	[tilespmem:$0x3720] =	vst v3;
	v3 =	vadd.s32 v6, v8;
	v4 =	vpsel !p6, $0x0, v4;
	v0 =	vadd.s32 v2, v0;
	v2 =	vld [tilespmem:$0x3470]  }
0x12f: {  	[tilespmem:$0x3760] =	vst v3;
	v3 =	vadd.s32 v6, v5;
	v0 =	vadd.s32 v4, v0;
	v4 =	vld [tilespmem:$0x34B0]  }
0x130: {  	[tilespmem:$0x37A0] =	vst v3;
	v3 =	vadd.s32 v6, v60;
	v6 =	vld [tilespmem:$0x34F0];
	v5, _, _ =	vpop (xrf0);
	v0 =	vsub.s32 v0, v1  }
0x131: {  	[tilespmem:$0x37E0] =	vst v3;
	v3 =	vld [tilespmem:$0x3530];
	v0 =	vadd.s32 v5, v0  }
0x132: {  	[tilespmem:$0x6830] =	vst v1;
	v5 =	vld [tilespmem:$0x3570];
	v1 =	vadd.s32 v7, v0  }
0x133: {  	[tilespmem:$0x3430] =	vst v1;
	v1 =	vadd.s32 v0, v2;
	v2 =	vld [tilespmem:$0x35B0]  }
0x134: {  	[tilespmem:$0x3470] =	vst v1;
	v1 =	vadd.s32 v0, v4;
	v4 =	vld [tilespmem:$0x35F0]  }
0x135: {  	[tilespmem:$0x34B0] =	vst v1;
	v1 =	vadd.s32 v0, v6;
	v6 =	vld [tilespmem:$0x3630]  }
0x136: {  	[tilespmem:$0x34F0] =	vst v1;
	v1 =	vadd.s32 v0, v3;
	v3 =	vld [tilespmem:$0x3670]  }
0x137: {  	[tilespmem:$0x3530] =	vst v1;
	v1 =	vadd.s32 v0, v5;
	v5 =	vld [tilespmem:$0x36B0]  }
0x138: {  	[tilespmem:$0x3570] =	vst v1;
	v1 =	vadd.s32 v0, v2;
	v2 =	vld [tilespmem:$0x36F0]  }
0x139: {  	[tilespmem:$0x35B0] =	vst v1;
	v1 =	vadd.s32 v0, v4;
	v4 =	vld [tilespmem:$0x3730]  }
0x13a: {  	[tilespmem:$0x35F0] =	vst v1;
	v1 =	vadd.s32 v0, v6;
	v6 =	vld [tilespmem:$0x3770]  }
0x13b: {  	[tilespmem:$0x3630] =	vst v1;
	v1 =	vadd.s32 v0, v3;
	v3 =	vld [tilespmem:$0x37B0]  }
0x13c: {  	[tilespmem:$0x3670] =	vst v1;
	v1 =	vadd.s32 v0, v5;
	v5 =	vld [tilespmem:$0x37F0]  }
0x13d: {  	[tilespmem:$0x36B0] =	vst v1;
	v1 =	vadd.s32 v0, v2  }
0x13e: {  	[tilespmem:$0x36F0] =	vst v1;
	v1 =	vadd.s32 v0, v4  }
0x13f: {  	[tilespmem:$0x3730] =	vst v1;
	v1 =	vadd.s32 v0, v6  }
0x140: {  	[tilespmem:$0x3770] =	vst v1;
	v1 =	vadd.s32 v0, v3;
	v3 =	vlaneseq.u32  }
0x141: {  	p0 =	sne.s32 s1, $0x0;
	[tilespmem:$0x37B0] =	vst v1;
	v1 =	vadd.s32 v0, v5;
	v0 =	vmul.u32 $0x80, v3  }
0x142: {  	s8 =	simm.s32 @!p0 $0x0;
	s9 =	simm.s32 @!p0 $0x6800;
	s7 =	simm.s32 $0x0;
	[tilespmem:$0x37F0] =	vst v1  }
0x143: {  	[hbm4b:s6+s8] =	stream.linear.scatter @!p0 [tilespmem:s9], [sflag:$0x1], $0x80, $0x38;
	v5 =	vor.u32 s7, v0;
	[tilespmem:$0x7CC0] =	vst v63  }
0x144: {  	s6 =	simm.s32 @!p0 $0x1  }
0x145: {  	_ =	swait.ge @!p0 [sflag:s6], $0x80  }
0x146: {  	[sflag:s6] =	ssyncset.done @!p0 $0x0  }
0x147: {  	[sflag:s6] =	ssyncadd.s32 @!p0 $0xFFFFFF80  }
0x148: {  	v4 =	vld.idx.msk [tilespmem:v5+s7+$0x0], $0xffff;
	_ =	sdelay $0x1  }
0x149: {  	v2 =	vmul.u32 $0x100, v3  }
0x14a: {  	v1 =	vmul.u32 $0x40, v3  }
0x14b: {  	v8 =	vor.u32 s7, v2  }
0x14c: {  	v3 =	vadd.s32 v1, v4;
	_ =	sdelay $0x2  }
0x14d: {  	s6 =	simm.s32 $0x2000  }
0x14e: {  	s8 =	simm.s32 $0x3400;
	v4 =	vld.idx.msk [tilespmem:v8+s6+$0x0], $0xffff  }
0x14f: {  	v3 =	vld.idx.msk [tilespmem:v3+s8+$0x0], $0xffff;
	_ =	sdelay $0x4  }
0x150: {  	s9 =	simm.s32 $0x3800;
	v3 =	vadd.s32 v4, v3  }
0x151: {  	s10 =	simm.s32 $0x800;
	[tilespmem:v8+s9+$0x0] =	vst.idx.msk $0xffff, v3  }
0x152: {  	v4 =	vld.idx.msk [tilespmem:v5+s10+$0x0], $0xffff;
	_ =	sdelay $0x2  }
0x153: {  	v3 =	vor.u32 $0x1, v2  }
0x154: {  	v6 =	vor.u32 s7, v3  }
0x155: {  	v4 =	vadd.s32 v1, v4;
	_ =	sdelay $0x3  }
0x156: {  	v7 =	vld.idx.msk [tilespmem:v6+s6+$0x0], $0xffff  }
0x157: {  	v62 =	vld.idx.msk [tilespmem:v4+s8+$0x0], $0xffff;
	_ =	sdelay $0x3  }
0x158: {  	s11 =	sshll.u32 s1, $0xB  }
0x159: {  	v4 =	vmov s11;
	v7 =	vadd.s32 v7, v62  }
0x15a: {  	s11 =	simm.s32 $0x4800;
	v63 =	vor.u32 v4, v5;
	[tilespmem:v6+s9+$0x0] =	vst.idx.msk $0xffff, v7  }
0x15b: {  	[tilespmem:v8+s11+$0x0] =	vst.idx.msk $0xffff, v63  }
0x15c: {  	s14 =	sshll.u32 s1, $0x9;
	s13 =	simm.s32 $0x1000;
	[tilespmem:v6+s11+$0x0] =	vst.idx.msk $0xffff, v63  }
0x15d: {  	s12 =	sadd.s32 s4, s14;
	v9 =	vld.idx.msk [tilespmem:v5+s13+$0x0], $0xffff  }
0x15e: {  	s5 =	sadd.s32 s5, s14;
	s3 =	sadd.s32 s3, s14;
	s14 =	simm.s32 $0x1800  }
0x15f: {  	s16 =	simm.s32 $0x1;
	v7 =	vld.idx.msk [tilespmem:v5+s14+$0x0], $0xffff  }
0x160: {  	v5 =	vor.u32 s16, v0  }
0x161: {  	s31 =	sshll.u32 s1, $0xC;
	s15 =	simm.s32 $0x5800  }
0x162: {  	s4 =	sadd.s32 s31, s2;
	s17 =	simm.s32 $0x2;
	s16 =	simm.s32 $0x0;
	[tilespmem:v8+s15+$0x0] =	vst.idx.msk $0xffff, v9  }
.LBB2_3:
0x163: {  	p1 =	sne.s32 s17, $0x7F  }
0x164: {  	[tilespmem:v6+s15+$0x0] =	vst.idx.msk $0xffff, v7;
	s16 =	sadd.s32 $0x2, s16;
	s18 =	smov.u32 s17;
	s17 =	sadd.s32 $0x1, s17  }
0x165: {  	v6 =	vld.idx.msk [tilespmem:v5+s7+$0x0], $0xffff;
	_ =	sdelay $0x4  }
0x166: {  	v8 =	vor.u32 s16, v2  }
0x167: {  	v6 =	vadd.s32 v1, v6;
	_ =	sdelay $0x3  }
0x168: {  	v7 =	vld.idx.msk [tilespmem:v8+s6+$0x0], $0xffff  }
0x169: {  	v6 =	vld.idx.msk [tilespmem:v6+s8+$0x0], $0xffff;
	_ =	sdelay $0x5  }
0x16a: {  	v6 =	vadd.s32 v7, v6  }
0x16b: {  	[tilespmem:v8+s9+$0x0] =	vst.idx.msk $0xffff, v6  }
0x16c: {  	v7 =	vld.idx.msk [tilespmem:v5+s10+$0x0], $0xffff;
	_ =	sdelay $0x4  }
0x16d: {  	v6 =	vor.u32 s16, v3  }
0x16e: {  	v7 =	vadd.s32 v1, v7;
	_ =	sdelay $0x3  }
0x16f: {  	v9 =	vld.idx.msk [tilespmem:v6+s6+$0x0], $0xffff  }
0x170: {  	v7 =	vld.idx.msk [tilespmem:v7+s8+$0x0], $0xffff;
	_ =	sdelay $0x5  }
0x171: {  	v7 =	vadd.s32 v9, v7  }
0x172: {  	v9 =	vor.u32 v4, v5;
	[tilespmem:v6+s9+$0x0] =	vst.idx.msk $0xffff, v7  }
0x173: {  	[tilespmem:v8+s11+$0x0] =	vst.idx.msk $0xffff, v9  }
0x174: {  	[tilespmem:v6+s11+$0x0] =	vst.idx.msk $0xffff, v9  }
0x175: {  	v9 =	vld.idx.msk [tilespmem:v5+s13+$0x0], $0xffff  }
0x176: {  	v7 =	vld.idx.msk [tilespmem:v5+s14+$0x0], $0xffff  }
.Ltmp1:
0x177: {  	(pc) =	sbr.rel @p1 .LBB2_3-.Ltmp1, $2  }
0x178: {  	v5 =	vor.u32 s18, v0;
	_ =	sdelay $0x2  }
0x179: {  	[tilespmem:v8+s15+$0x0] =	vst.idx.msk $0xffff, v9  }
0x17a: {  	_ =	sdelay $0x3  }
0x17b: {  	[tilespmem:v6+s15+$0x0] =	vst.idx.msk $0xffff, v7  }
0x17c: {  	v0 =	vld.idx.msk [tilespmem:v5+s7+$0x0], $0xffff;
	_ =	sdelay $0x2  }
0x17d: {  	s23 =	sadd.s32 $0x2, s16  }
0x17e: {  	v2 =	vor.u32 s23, v2  }
0x17f: {  	v0 =	vadd.s32 v1, v0;
	_ =	sdelay $0x3  }
0x180: {  	v6 =	vld.idx.msk [tilespmem:v2+s6+$0x0], $0xffff  }
0x181: {  	v0 =	vld.idx.msk [tilespmem:v0+s8+$0x0], $0xffff;
	_ =	sdelay $0x4  }
0x182: {  	v0 =	vadd.s32 v6, v0  }
0x183: {  	[tilespmem:v2+s9+$0x0] =	vst.idx.msk $0xffff, v0  }
0x184: {  	v0 =	vld.idx.msk [tilespmem:v5+s10+$0x0], $0xffff;
	_ =	sdelay $0x3  }
0x185: {  	v3 =	vor.u32 s23, v3  }
0x186: {  	v0 =	vadd.s32 v1, v0;
	_ =	sdelay $0x3  }
0x187: {  	v62 =	vld.idx.msk [tilespmem:v3+s6+$0x0], $0xffff  }
0x188: {  	v0 =	vld.idx.msk [tilespmem:v0+s8+$0x0], $0xffff;
	_ =	sdelay $0x4  }
0x189: {  	v0 =	vadd.s32 v62, v0  }
0x18a: {  	v63 =	vor.u32 v4, v5;
	[tilespmem:v3+s9+$0x0] =	vst.idx.msk $0xffff, v0  }
0x18b: {  	[tilespmem:v2+s11+$0x0] =	vst.idx.msk $0xffff, v63  }
0x18c: {  	[tilespmem:v3+s11+$0x0] =	vst.idx.msk $0xffff, v63  }
0x18d: {  	v0 =	vld.idx.msk [tilespmem:v5+s13+$0x0], $0xffff  }
0x18e: {  	v1 =	vld.idx.msk [tilespmem:v5+s14+$0x0], $0xffff;
	_ =	sdelay $0x3  }
0x18f: {  	[tilespmem:v2+s15+$0x0] =	vst.idx.msk $0xffff, v0  }
0x190: {  	s24 =	simm.s32 $0x0;
	s25 =	simm.s32 $0x3800;
	s26 =	simm.s32 $0x1;
	[tilespmem:v3+s15+$0x0] =	vst.idx.msk $0xffff, v1  }
0x191: {  	[hbm4b:s12+s24] =	stream.linear.scatter [tilespmem:s25], [sflag:$0x1], $0x1000, $0x38;
	[tilespmem:$0x7CC0] =	vst v63  }
0x192: {  	_ =	swait.ge [sflag:s26], $0x1000  }
0x193: {  	[sflag:s26] =	ssyncset.done $0x0  }
0x194: {  	s28 =	simm.s32 $0x5800;
	[sflag:s26] =	ssyncadd.s32 $0xFFFFF000  }
0x195: {  	[hbm4b:s5+s24] =	stream.linear.scatter [tilespmem:s28], [sflag:$0x1], $0x1000, $0x38;
	[tilespmem:$0x7CC0] =	vst v63  }
0x196: {  	_ =	swait.ge [sflag:s26], $0x1000  }
0x197: {  	[sflag:s26] =	ssyncset.done $0x0  }
0x198: {  	s29 =	simm.s32 $0x1000;
	s30 =	simm.s32 $0x4800;
	[sflag:s26] =	ssyncadd.s32 $0xFFFFF000  }
0x199: {  	[spmem:s2] =	stream.indirect.scatter [tilespmem:s30], [sflag:$0x1], $0x1, s25, s29, $0xb8;
	[tilespmem:$0x7CC0] =	vst v63  }
0x19a: {  	_ =	swait.ge [sflag:s26], $0x1000  }
0x19b: {  	[sflag:s26] =	ssyncset.done $0x0  }
0x19c: {  	s1 =	sshll.u32 s1, $0x6;
	[sflag:s26] =	ssyncadd.s32 $0xFFFFF000  }
0x19d: {  	s31 =	sshrl.u32 s4, $0x3;
	s1 =	sor.u32 $0x1C01, s1;
	[bflag:$0x0] =	sbarrier.arrive $0xFFFF  }
0x19e: {  	[hbm:s3], [sflag:s1] =	dma.local [spmem:s31], $0x200  }
0x19f: {  	_ =	swait.ge [sflag:s26], $0x200  }
0x1a0: {  	[sflag:s26] =	ssyncset.done $0x0  }
0x1a1: {  	[sflag:s26] =	ssyncadd.s32 $0xFFFFFE00  }
0x1a2: {  	_ =	sfence.sel $0x180000  }
0x1a3: {  	[bflag:$0x0] =	sbarrier.arrive $0xFFFF  }
0x1a4: {  	_ =	strace $0x90000047  }
0x1a5: {  	s0 =	sadd.s32 @!p0 $0x100000, s0;
	[bflag:$0x2] =	sbarrier.arrive $0xFFFF  }
0x1a6: {  	[sflag:s0] =	ssyncadd.tile.s32 @!p0 $0x1;
	_ =	shalt  }
.Lfunc_end2:
_tile_overlayer_lowered:
.L_overlay_start_2:
0x1a7: {  	(tag) =	ssettag $0x2  }
0x1a8: {  	s0 =	rddreg [dreg:$0x0];
	s2 =	stileid.u32  }
0x1a9: {  	s1 =	rddreg [dreg:$0x1];
	p0 =	sne.s32 s2, $0x0  }
0x1aa: {  	s3 =	rddreg [dreg:$0x2];
	[bflag:$0x3] =	sbarrier.arrive $0xFFFF;
	s2 =	simm.s32 @!p0 $0x1C01  }
0x1ab: {  	[timem:s3], [sflag:s2] =	dma.local @!p0 [hbm:s0], s1  }
0x1ac: {  	s0 =	simm.s32 @!p0 $0x1  }
0x1ad: {  	_ =	swait.ge @!p0 [sflag:s0], s1  }
0x1ae: {  	s1 =	ssub.s32 @!p0 $0x0, s1;
	[sflag:s0] =	ssyncset.done @!p0 $0x0  }
0x1af: {  	[sflag:s0] =	ssyncadd.s32 @!p0 s1  }
0x1b0: {  	[bflag:$0x3] =	sbarrier.arrive $0xFFFF  }
0x1b1: {  	_ =	shalt  }

</sc_bundles>
